<compile_context>
chip_gen: v7x
topology: tpu7x:2x2x1
jax: 0.10.2.dev20260603
libtpu: 0.0.44.dev20260713+nightly
codegen_flags: <defaults>
</compile_context>

<pallas_src>
import functools

import jax
import jax.numpy as jnp
from jax import lax
from jax.experimental import pallas as pl
from jax.experimental.pallas import tpu as pltpu
from jax.experimental.pallas import tpu_sc as plsc

N_U = 5000
N_I = 5000
N = 10000
D = 128
L = 3
E = 320000

NC = 2
NS = 16
CH = 128
KG = 16
RING = 3
NCHUNK = 160
NGRP = NCHUNK // KG
EPT = NCHUNK * CH
E_PAD = EPT * NS
ROWS_PAD = 5120
RPT = ROWS_PAD // NS
PAD_ROW = ROWS_PAD - 1

K_DEG = 4


def _deg_sc_body(edges_hbm, ones_hbm, zeros_hbm, out_hbm, idxall, ones_v,
                 acc, ssem):
    c = lax.axis_index("c")
    s = lax.axis_index("s")
    pltpu.sync_copy(edges_hbm.at[c, s, :, pl.ds(1, 1), :], idxall)
    pltpu.sync_copy(ones_hbm, ones_v)
    pltpu.sync_copy(zeros_hbm, acc.at[pl.ds(s * RPT, RPT)])
    plsc.subcore_barrier()

    def body(j, _):
        @pl.when(j >= K_DEG)
        def _drain():
            pltpu.make_async_copy(ones_v, acc.at[idxall.at[j - K_DEG, 0]],
                                  ssem).wait()

        pltpu.async_copy(ones_v, acc.at[idxall.at[j, 0]], ssem, add=True)
        return 0

    lax.fori_loop(0, NCHUNK, body, 0)
    for t in range(K_DEG):
        pltpu.make_async_copy(ones_v, acc.at[idxall.at[NCHUNK - K_DEG + t, 0]],
                              ssem).wait()
    plsc.subcore_barrier()
    pltpu.sync_copy(acc.at[pl.ds(s * RPT, RPT)],
                    out_hbm.at[c, pl.ds(s * RPT, RPT)])


def _spmm_sc_body(xs_hbm, edges_hbm, zeros_hbm, out_hbm,
                  ring, gbuf, stage, acc, gsem, ssem, isem):
    c = lax.axis_index("c")
    s = lax.axis_index("s")
    pltpu.sync_copy(xs_hbm.at[1 - c, pl.ds(s * RPT, RPT)],
                    stage.at[pl.ds(s * RPT, RPT)])
    pltpu.sync_copy(zeros_hbm, acc.at[pl.ds(s * RPT, RPT)])
    pltpu.sync_copy(edges_hbm.at[c, s, pl.ds(0, KG)], ring.at[0])
    pltpu.async_copy(edges_hbm.at[c, s, pl.ds(KG, KG)], ring.at[1], isem)
    plsc.subcore_barrier()

    pltpu.async_copy(stage.at[ring.at[0, 0, 0]], gbuf.at[0], gsem)

    def outer(g, _):
        slot = lax.rem(g, RING)
        slot_next = lax.rem(g + 1, RING)
        slot_prev = lax.rem(g + 2, RING)

        def body(k, _):
            b = lax.rem(k, 2)
            nb = lax.rem(k + 1, 2)

            @pl.when(jnp.logical_and(k == 0, g >= 1))
            def _drain0():
                pltpu.make_async_copy(gbuf.at[nb],
                                      acc.at[ring.at[slot_prev, KG - 1, 1]],
                                      ssem).wait()

            @pl.when(k >= 1)
            def _drain():
                pltpu.make_async_copy(gbuf.at[nb],
                                      acc.at[ring.at[slot, k - 1, 1]],
                                      ssem).wait()

            @pl.when(jnp.logical_and(k == 0, g + 1 < NGRP))
            def _ringwait():
                pltpu.make_async_copy(edges_hbm.at[c, s, pl.ds(0, KG)],
                                      ring.at[0], isem).wait()

            @pl.when(jnp.logical_and(k == 2, g + 2 < NGRP))
            def _ringfill():
                pltpu.async_copy(edges_hbm.at[c, s, pl.ds((g + 2) * KG, KG)],
                                 ring.at[slot_prev], isem)

            @pl.when(k < KG - 1)
            def _prefetch():
                pltpu.async_copy(stage.at[ring.at[slot, k + 1, 0]],
                                 gbuf.at[nb], gsem)

            @pl.when(jnp.logical_and(k == KG - 1, g + 1 < NGRP))
            def _prefetch_x():
                pltpu.async_copy(stage.at[ring.at[slot_next, 0, 0]],
                                 gbuf.at[nb], gsem)

            pltpu.make_async_copy(stage.at[ring.at[slot, k, 0]],
                                  gbuf.at[b], gsem).wait()
            pltpu.async_copy(gbuf.at[b], acc.at[ring.at[slot, k, 1]],
                             ssem, add=True)
            return 0

        lax.fori_loop(0, KG, body, 0)
        return 0

    lax.fori_loop(0, NGRP, outer, 0)
    pltpu.make_async_copy(gbuf.at[0], acc.at[ring.at[0, 0, 1]], ssem).wait()
    plsc.subcore_barrier()
    pltpu.sync_copy(acc.at[pl.ds(s * RPT, RPT)],
                    out_hbm.at[c, pl.ds(s * RPT, RPT)])


@functools.lru_cache(maxsize=None)
def _build_sc_kernels():
    mesh = plsc.VectorSubcoreMesh(core_axis_name="c", subcore_axis_name="s")
    deg_sc = pl.kernel(
        _deg_sc_body,
        out_type=jax.ShapeDtypeStruct((NC, ROWS_PAD, D), jnp.float32),
        mesh=mesh,
        scratch_types=[
            pltpu.VMEM((NCHUNK, 1, CH), jnp.int32),
            pltpu.VMEM((CH, D), jnp.float32),
            pltpu.VMEM_SHARED((ROWS_PAD, D), jnp.float32),
            pltpu.SemaphoreType.DMA,
        ],
    )
    spmm_sc = pl.kernel(
        _spmm_sc_body,
        out_type=jax.ShapeDtypeStruct((NC, ROWS_PAD, D), jnp.float32),
        mesh=mesh,
        scratch_types=[
            pltpu.VMEM((RING, KG, 2, CH), jnp.int32),
            pltpu.VMEM((2, CH, D), jnp.float32),
            pltpu.VMEM_SHARED((ROWS_PAD, D), jnp.float32),
            pltpu.VMEM_SHARED((ROWS_PAD, D), jnp.float32),
            pltpu.SemaphoreType.DMA,
            pltpu.SemaphoreType.DMA,
            pltpu.SemaphoreType.DMA,
        ],
    )
    return deg_sc, spmm_sc


def _init_tc_body(deg_ref, ego_ref, dinv_ref, xs_ref):
    d = deg_ref[0]
    dinv = jnp.where(d > 0.0, lax.rsqrt(jnp.maximum(d, 1e-12)), 0.0)
    dinv_ref[...] = dinv
    xs_ref[0] = dinv * ego_ref[...]


def _layer_tc_body(ego_ref, sraw_ref, dinv_ref, w1_ref, w2_ref, acc_ref,
                   ego_out, xs_out, acc_out):
    dinv = dinv_ref[...]
    s = dinv * sraw_ref[0]
    e = ego_ref[...]
    h = jnp.dot(e + s, w1_ref[...], preferred_element_type=jnp.float32,
                precision=lax.Precision.HIGHEST)
    h += jnp.dot(s * e, w2_ref[...], preferred_element_type=jnp.float32,
                 precision=lax.Precision.HIGHEST)
    en = jnp.where(h >= 0.0, h, 0.01 * h)
    ego_out[...] = en
    xs_out[0] = dinv * en
    acc_out[...] = acc_ref[...] + en


_RB = 1000


def _row_spec():
    return pl.BlockSpec((_RB, D), lambda i: (i, 0))


def _half_spec():
    return pl.BlockSpec((1, _RB, D), lambda i: (i // 5, i % 5, 0))


def _w_spec():
    return pl.BlockSpec((D, D), lambda i: (0, 0))


_init_tc = pl.pallas_call(
    _init_tc_body,
    grid=(N // _RB,),
    in_specs=[_half_spec(), _row_spec()],
    out_specs=[_row_spec(), _half_spec()],
    out_shape=[
        jax.ShapeDtypeStruct((N, D), jnp.float32),
        jax.ShapeDtypeStruct((NC, ROWS_PAD, D), jnp.float32),
    ],
)

_layer_tc = pl.pallas_call(
    _layer_tc_body,
    grid=(N // _RB,),
    in_specs=[_row_spec(), _half_spec(), _row_spec(), _w_spec(), _w_spec(),
              _row_spec()],
    out_specs=[_row_spec(), _half_spec(), _row_spec()],
    out_shape=[
        jax.ShapeDtypeStruct((N, D), jnp.float32),
        jax.ShapeDtypeStruct((NC, ROWS_PAD, D), jnp.float32),
        jax.ShapeDtypeStruct((N, D), jnp.float32),
    ],
)


def kernel(user_emb, item_emb, edge_index, W1, W2):
    src = edge_index[0]
    dst = edge_index[1]
    npad = E_PAD - E
    pad_r = jnp.full((npad,), PAD_ROW, dtype=jnp.int32)
    pad_c = jnp.zeros((npad,), dtype=jnp.int32)
    rows_all = jnp.stack([
        jnp.concatenate([src, pad_r]),
        jnp.concatenate([dst, pad_r]),
    ]).reshape(NC, NS, NCHUNK, 1, CH)
    cols_all = jnp.stack([
        jnp.concatenate([dst, pad_c]),
        jnp.concatenate([src, pad_c]),
    ]).reshape(NC, NS, NCHUNK, 1, CH)
    edges = jnp.concatenate([cols_all, rows_all], axis=3)

    onesD = jnp.ones((CH, D), jnp.float32)
    zerosD = jnp.zeros((RPT, D), jnp.float32)

    _deg_sc, _spmm_sc = _build_sc_kernels()
    deg_sc = _deg_sc(edges, onesD, zerosD)

    ego = jnp.concatenate([user_emb, item_emb], axis=0)
    dinv, xs = _init_tc(deg_sc, ego)

    acc = ego
    for k in range(L):
        s_raw = _spmm_sc(xs, edges, zerosD)
        ego, xs, acc = _layer_tc(ego, s_raw, dinv, W1[k], W2[k], acc)

    mean = acc * 0.25
    return (mean[:N_U], mean[N_U:])

# --- scband reference (transcript-rebuilt; emitter-appended) ---
"""Pipeline reference for scband-ngcfproxy-42975442764396 (READ-ONLY COPY).

The authoritative reference and input builder live on the scoring server;
editing this copy changes nothing except your own understanding.
"""

import jax, jax.numpy as jnp
import numpy as np

N_USERS = 5000
N_ITEMS = 5000
D = 128
L = 3
E = 320000


def setup_inputs(seed: int = 0) -> dict:
    key = jax.random.key(seed)
    ks = jax.random.split(key, 6)
    user_emb = jax.random.normal(ks[0], (N_USERS, D), dtype=jnp.float32) * 0.1
    item_emb = jax.random.normal(ks[1], (N_ITEMS, D), dtype=jnp.float32) * 0.1
    src = jax.random.randint(ks[2], (E,), 0, N_USERS)
    dst = jax.random.randint(ks[3], (E,), 0, N_ITEMS)
    edge_index = jnp.stack([src, dst]).astype(jnp.int32)
    W1 = jax.random.normal(ks[4], (L, D, D), dtype=jnp.float32) * (1.0 / np.sqrt(D))
    W2 = jax.random.normal(ks[5], (L, D, D), dtype=jnp.float32) * (1.0 / np.sqrt(D))
    return {"user_emb": user_emb, "item_emb": item_emb, "edge_index": edge_index, "W1": W1, "W2": W2}


def reference(user_emb, item_emb, edge_index, W1, W2):
    # NGCFProxy forward with fakeUserNum=0: the malicious-feedback loop is skipped
    # and forward reduces to the standard NGCF propagation over the symmetrically
    # normalized user-item adjacency D^{-1/2} (A + A^T) D^{-1/2}.
    n_nodes = N_USERS + N_ITEMS
    src = edge_index[0]
    dst = edge_index[1] + N_USERS
    # symmetrize: adj_mat + adj_mat.T (all real-user edge values are 1.0)
    rows = jnp.concatenate([src, dst])
    cols = jnp.concatenate([dst, src])
    vals = jnp.ones((2 * E,), dtype=jnp.float32)
    deg = jax.ops.segment_sum(vals, rows, num_segments=n_nodes)
    d_inv = jnp.where(deg > 0, jnp.power(jnp.maximum(deg, 1e-12), -0.5), 0.0)
    norm_vals = d_inv[rows] * vals * d_inv[cols]

    def spmm(x):
        # (D^{-1/2} A_sym D^{-1/2}) @ x via gather + scatter-add
        gathered = norm_vals[:, None] * x[cols]
        return jax.ops.segment_sum(gathered, rows, num_segments=n_nodes)

    ego = jnp.concatenate([user_emb, item_emb], axis=0)
    all_emb = [ego]
    for k in range(L):
        temp = ego @ W1[k]
        side = spmm(temp)
        bi = (spmm(ego) * ego) @ W2[k]
        ego = jax.nn.leaky_relu(side + temp + bi, negative_slope=0.01)
        all_emb.append(ego)
    all_emb = jnp.mean(jnp.stack(all_emb, axis=1), axis=1)
    user_all = all_emb[:N_USERS]
    item_all = all_emb[N_USERS:]
    return (user_all, item_all)

if __name__ == "__main__":
    import jax
    _d = setup_inputs()
    print(jax.jit(kernel)(*tuple(_d.values())))

</pallas_src>

<mosaic_0001>
#map = affine_map<(d0, d1) -> (0, 0, 0, 0, 0)>
#map1 = affine_map<(d0, d1) -> (0, 0)>
#map2 = affine_map<(d0, d1) -> (0, 0, 0)>
module attributes {stable_mosaic.version = 14 : i64} {
  func.func @_deg_sc_body(%arg0: i32, %arg1: i32, %arg2: memref<2x16x160x2x128xi32, #tpu.memory_space<hbm>>, %arg3: memref<128x128xf32, #tpu.memory_space<hbm>>, %arg4: memref<320x128xf32, #tpu.memory_space<hbm>>, %arg5: memref<2x5120x128xf32, #tpu.memory_space<hbm>>, %arg6: memref<160x1x128xi32, #tpu.memory_space<vmem>>, %arg7: memref<128x128xf32, #tpu.memory_space<vmem>>, %arg8: memref<5120x128xf32, #tpu.memory_space<vmem_shared>>, %arg9: memref<!tpu.dma_semaphore, #tpu.memory_space<semaphore_mem>>) attributes {dimension_semantics = [#tpu.dimension_semantics<core_parallel>, #tpu.dimension_semantics<subcore_parallel>], iteration_bounds = array<i64: 2, 16>, scalar_prefetch = 0 : i64, scratch_operands = 4 : i64, tpu.core_type = #tpu.core_type<sc_vector_subcore>, window_params = [{transform_indices = #map}, {transform_indices = #map1}, {transform_indices = #map1}, {transform_indices = #map2}]} {
    "tpu.region"() ({
      %run_scoped3A = tpu.sem_alloc : memref<!tpu.dma_semaphore, #tpu.memory_space<semaphore_mem>>
      %dma_start3A = arith.constant 0 : i32
      %dma_start3A_43 = arith.constant 1 : i32
      %dma_start3A_44 = arith.constant 0 : i32
      %dma_start3A_45 = tpu.memref_slice %arg2[%arg0, %arg1, %dma_start3A, %dma_start3A_43, %dma_start3A_44] : memref<2x16x160x2x128xi32, #tpu.memory_space<hbm>> -> memref<1x1x160x1x128xi32, #tpu.memory_space<hbm>>
      %dma_start3A_46 = tpu.memref_squeeze %dma_start3A_45 : memref<1x1x160x1x128xi32, #tpu.memory_space<hbm>> -> memref<160x1x128xi32, #tpu.memory_space<hbm>>
      %dma_start3A_47 = arith.constant 0 : i32
      %dma_start3A_48 = arith.constant 1 : i32
      %dma_start3A_49 = arith.constant 0 : i32
      %dma_start3A_50 = tpu.memref_slice %arg2[%arg0, %arg1, %dma_start3A_47, %dma_start3A_48, %dma_start3A_49] : memref<2x16x160x2x128xi32, #tpu.memory_space<hbm>> -> memref<1x1x160x1x128xi32, #tpu.memory_space<hbm>>
      %dma_start3A_51 = tpu.memref_squeeze %dma_start3A_50 : memref<1x1x160x1x128xi32, #tpu.memory_space<hbm>> -> memref<160x1x128xi32, #tpu.memory_space<hbm>>
      tpu.enqueue_dma source(%dma_start3A_51 : memref<160x1x128xi32, #tpu.memory_space<hbm>>) target(%arg6 : memref<160x1x128xi32, #tpu.memory_space<vmem>>) target_semaphore(%run_scoped3A : memref<!tpu.dma_semaphore, #tpu.memory_space<semaphore_mem>>)
      %dma_wait3A_52 = arith.constant 0 : i32
      %dma_wait3A_53 = arith.constant 1 : i32
      %dma_wait3A_54 = arith.constant 0 : i32
      %dma_wait3A_55 = tpu.memref_slice %arg2[%arg0, %arg1, %dma_wait3A_52, %dma_wait3A_53, %dma_wait3A_54] : memref<2x16x160x2x128xi32, #tpu.memory_space<hbm>> -> memref<1x1x160x1x128xi32, #tpu.memory_space<hbm>>
      %dma_wait3A_56 = tpu.memref_squeeze %dma_wait3A_55 : memref<1x1x160x1x128xi32, #tpu.memory_space<hbm>> -> memref<160x1x128xi32, #tpu.memory_space<hbm>>
      %dma_wait3A_57 = arith.constant 0 : i32
      %dma_wait3A_58 = arith.constant 1 : i32
      %dma_wait3A_59 = arith.constant 0 : i32
      %dma_wait3A_60 = tpu.memref_slice %arg2[%arg0, %arg1, %dma_wait3A_57, %dma_wait3A_58, %dma_wait3A_59] : memref<2x16x160x2x128xi32, #tpu.memory_space<hbm>> -> memref<1x1x160x1x128xi32, #tpu.memory_space<hbm>>
      %dma_wait3A_61 = tpu.memref_squeeze %dma_wait3A_60 : memref<1x1x160x1x128xi32, #tpu.memory_space<hbm>> -> memref<160x1x128xi32, #tpu.memory_space<hbm>>
      tpu.wait_dma2 semaphore(%run_scoped3A : memref<!tpu.dma_semaphore, #tpu.memory_space<semaphore_mem>>) src(%dma_wait3A_61 : memref<160x1x128xi32, #tpu.memory_space<hbm>>) dst(%arg6 : memref<160x1x128xi32, #tpu.memory_space<vmem>>)
      tpu.yield
    }) : () -> ()
    "tpu.region"() ({
      %run_scoped3A = tpu.sem_alloc : memref<!tpu.dma_semaphore, #tpu.memory_space<semaphore_mem>>
      tpu.enqueue_dma source(%arg3 : memref<128x128xf32, #tpu.memory_space<hbm>>) target(%arg7 : memref<128x128xf32, #tpu.memory_space<vmem>>) target_semaphore(%run_scoped3A : memref<!tpu.dma_semaphore, #tpu.memory_space<semaphore_mem>>)
      tpu.wait_dma2 semaphore(%run_scoped3A : memref<!tpu.dma_semaphore, #tpu.memory_space<semaphore_mem>>) src(%arg3 : memref<128x128xf32, #tpu.memory_space<hbm>>) dst(%arg7 : memref<128x128xf32, #tpu.memory_space<vmem>>)
      tpu.yield
    }) : () -> ()
    %mul3A = arith.constant 320 : i32
    %mul3A_0 = arith.muli %arg1, %mul3A : i32
    "tpu.region"() ({
      %run_scoped3A = tpu.sem_alloc : memref<!tpu.dma_semaphore, #tpu.memory_space<semaphore_mem>>
      %dma_start3A = arith.constant 0 : i32
      %dma_start3A_43 = tpu.memref_slice %arg8[%mul3A_0, %dma_start3A] : memref<5120x128xf32, #tpu.memory_space<vmem_shared>> -> memref<320x128xf32, #tpu.memory_space<vmem_shared>>
      tpu.enqueue_dma source(%arg4 : memref<320x128xf32, #tpu.memory_space<hbm>>) target(%dma_start3A_43 : memref<320x128xf32, #tpu.memory_space<vmem_shared>>) target_semaphore(%run_scoped3A : memref<!tpu.dma_semaphore, #tpu.memory_space<semaphore_mem>>)
      %dma_wait3A_44 = arith.constant 0 : i32
      %dma_wait3A_45 = tpu.memref_slice %arg8[%mul3A_0, %dma_wait3A_44] : memref<5120x128xf32, #tpu.memory_space<vmem_shared>> -> memref<320x128xf32, #tpu.memory_space<vmem_shared>>
      tpu.wait_dma2 semaphore(%run_scoped3A : memref<!tpu.dma_semaphore, #tpu.memory_space<semaphore_mem>>) src(%arg4 : memref<320x128xf32, #tpu.memory_space<hbm>>) dst(%dma_wait3A_45 : memref<320x128xf32, #tpu.memory_space<vmem_shared>>)
      tpu.yield
    }) : () -> ()
    %barrier3A = arith.constant 0 : index
    tpu.barrier barrier_id(%barrier3A)
    %scan3A = arith.constant 0 : i32
    %scan3A_1 = arith.constant 0 : i32
    %scan3A_2 = arith.constant 160 : i32
    %scan3A_3 = arith.addi %scan3A_1, %scan3A_2 : i32
    %scan3A_4 = arith.constant 1 : i32
    %scan3A_5 = scf.for %scan3A_43 = %scan3A_1 to %scan3A_3 step %scan3A_4 iter_args(%scan3A_44 = %scan3A) -> (i32)  : i32 {
      %ge3A = arith.constant 4 : i32
      %ge3A_45 = arith.cmpi sge, %scan3A_43, %ge3A : i32
      %convert_element_type3A = arith.extui %ge3A_45 : i1 to i32
      %cond3A = arith.constant 0 : i32
      %cond3A_46 = arith.cmpi ne, %convert_element_type3A, %cond3A : i32
      scf.if %cond3A_46 {
        %sub3A = arith.constant 4 : i32
        %sub3A_54 = arith.subi %scan3A_43, %sub3A : i32
        %dma_wait3A_55 = arith.constant 0 : i32
        %dma_wait3A_56 = arith.constant 0 : i32
        %dma_wait3A_57 = tpu.memref_slice %arg6[%sub3A_54, %dma_wait3A_55, %dma_wait3A_56] : memref<160x1x128xi32, #tpu.memory_space<vmem>> -> memref<1x1x128xi32, #tpu.memory_space<vmem>>
        %dma_wait3A_58 = tpu.memref_squeeze %dma_wait3A_57 : memref<1x1x128xi32, #tpu.memory_space<vmem>> -> memref<128xi32, #tpu.memory_space<vmem>>
        %dma_wait3A_59 = arith.constant 0 : i32
        %dma_wait3A_60 = arith.constant 0 : i32
        %dma_wait3A_61 = tpu.memref_slice %arg8[%dma_wait3A_59, %dma_wait3A_60] : memref<5120x128xf32, #tpu.memory_space<vmem_shared>> -> memref<5120x128xf32, #tpu.memory_space<vmem_shared>>
        tpu.wait_indirect_dma semaphore(%arg9 : memref<!tpu.dma_semaphore, #tpu.memory_space<semaphore_mem>>) src(%arg7 : memref<128x128xf32, #tpu.memory_space<vmem>>) dst(%dma_wait3A_61 : memref<5120x128xf32, #tpu.memory_space<vmem_shared>>)
      } else {
      }
      %dma_start3A = arith.constant 0 : i32
      %dma_start3A_47 = arith.constant 0 : i32
      %dma_start3A_48 = tpu.memref_slice %arg6[%scan3A_43, %dma_start3A, %dma_start3A_47] : memref<160x1x128xi32, #tpu.memory_space<vmem>> -> memref<1x1x128xi32, #tpu.memory_space<vmem>>
      %dma_start3A_49 = tpu.memref_squeeze %dma_start3A_48 : memref<1x1x128xi32, #tpu.memory_space<vmem>> -> memref<128xi32, #tpu.memory_space<vmem>>
      %dma_start3A_50 = arith.constant 0 : i32
      %dma_start3A_51 = arith.constant 0 : i32
      %dma_start3A_52 = tpu.memref_slice %arg8[%dma_start3A_50, %dma_start3A_51] : memref<5120x128xf32, #tpu.memory_space<vmem_shared>> -> memref<5120x128xf32, #tpu.memory_space<vmem_shared>>
      tpu.enqueue_indirect_dma source(%arg7 : memref<128x128xf32, #tpu.memory_space<vmem>>) target(%dma_start3A_52 : memref<5120x128xf32, #tpu.memory_space<vmem_shared>>) offsets(%dma_start3A_49 : memref<128xi32, #tpu.memory_space<vmem>>) semaphore(%arg9 : memref<!tpu.dma_semaphore, #tpu.memory_space<semaphore_mem>>) {add = true}
      %scan3A_53 = arith.constant 0 : i32
      scf.yield %scan3A_53 : i32
    }
    %scan3A_6 = arith.constant 160 : i32
    %dma_wait3A = arith.constant 156 : i32
    %dma_wait3A_7 = arith.constant 0 : i32
    %dma_wait3A_8 = arith.constant 0 : i32
    %dma_wait3A_9 = tpu.memref_slice %arg6[%dma_wait3A, %dma_wait3A_7, %dma_wait3A_8] : memref<160x1x128xi32, #tpu.memory_space<vmem>> -> memref<1x1x128xi32, #tpu.memory_space<vmem>>
    %dma_wait3A_10 = tpu.memref_squeeze %dma_wait3A_9 : memref<1x1x128xi32, #tpu.memory_space<vmem>> -> memref<128xi32, #tpu.memory_space<vmem>>
    %dma_wait3A_11 = arith.constant 0 : i32
    %dma_wait3A_12 = arith.constant 0 : i32
    %dma_wait3A_13 = tpu.memref_slice %arg8[%dma_wait3A_11, %dma_wait3A_12] : memref<5120x128xf32, #tpu.memory_space<vmem_shared>> -> memref<5120x128xf32, #tpu.memory_space<vmem_shared>>
    tpu.wait_indirect_dma semaphore(%arg9 : memref<!tpu.dma_semaphore, #tpu.memory_space<semaphore_mem>>) src(%arg7 : memref<128x128xf32, #tpu.memory_space<vmem>>) dst(%dma_wait3A_13 : memref<5120x128xf32, #tpu.memory_space<vmem_shared>>)
    %dma_wait3A_14 = arith.constant 157 : i32
    %dma_wait3A_15 = arith.constant 0 : i32
    %dma_wait3A_16 = arith.constant 0 : i32
    %dma_wait3A_17 = tpu.memref_slice %arg6[%dma_wait3A_14, %dma_wait3A_15, %dma_wait3A_16] : memref<160x1x128xi32, #tpu.memory_space<vmem>> -> memref<1x1x128xi32, #tpu.memory_space<vmem>>
    %dma_wait3A_18 = tpu.memref_squeeze %dma_wait3A_17 : memref<1x1x128xi32, #tpu.memory_space<vmem>> -> memref<128xi32, #tpu.memory_space<vmem>>
    %dma_wait3A_19 = arith.constant 0 : i32
    %dma_wait3A_20 = arith.constant 0 : i32
    %dma_wait3A_21 = tpu.memref_slice %arg8[%dma_wait3A_19, %dma_wait3A_20] : memref<5120x128xf32, #tpu.memory_space<vmem_shared>> -> memref<5120x128xf32, #tpu.memory_space<vmem_shared>>
    tpu.wait_indirect_dma semaphore(%arg9 : memref<!tpu.dma_semaphore, #tpu.memory_space<semaphore_mem>>) src(%arg7 : memref<128x128xf32, #tpu.memory_space<vmem>>) dst(%dma_wait3A_21 : memref<5120x128xf32, #tpu.memory_space<vmem_shared>>)
    %dma_wait3A_22 = arith.constant 158 : i32
    %dma_wait3A_23 = arith.constant 0 : i32
    %dma_wait3A_24 = arith.constant 0 : i32
    %dma_wait3A_25 = tpu.memref_slice %arg6[%dma_wait3A_22, %dma_wait3A_23, %dma_wait3A_24] : memref<160x1x128xi32, #tpu.memory_space<vmem>> -> memref<1x1x128xi32, #tpu.memory_space<vmem>>
    %dma_wait3A_26 = tpu.memref_squeeze %dma_wait3A_25 : memref<1x1x128xi32, #tpu.memory_space<vmem>> -> memref<128xi32, #tpu.memory_space<vmem>>
    %dma_wait3A_27 = arith.constant 0 : i32
    %dma_wait3A_28 = arith.constant 0 : i32
    %dma_wait3A_29 = tpu.memref_slice %arg8[%dma_wait3A_27, %dma_wait3A_28] : memref<5120x128xf32, #tpu.memory_space<vmem_shared>> -> memref<5120x128xf32, #tpu.memory_space<vmem_shared>>
    tpu.wait_indirect_dma semaphore(%arg9 : memref<!tpu.dma_semaphore, #tpu.memory_space<semaphore_mem>>) src(%arg7 : memref<128x128xf32, #tpu.memory_space<vmem>>) dst(%dma_wait3A_29 : memref<5120x128xf32, #tpu.memory_space<vmem_shared>>)
    %dma_wait3A_30 = arith.constant 159 : i32
    %dma_wait3A_31 = arith.constant 0 : i32
    %dma_wait3A_32 = arith.constant 0 : i32
    %dma_wait3A_33 = tpu.memref_slice %arg6[%dma_wait3A_30, %dma_wait3A_31, %dma_wait3A_32] : memref<160x1x128xi32, #tpu.memory_space<vmem>> -> memref<1x1x128xi32, #tpu.memory_space<vmem>>
    %dma_wait3A_34 = tpu.memref_squeeze %dma_wait3A_33 : memref<1x1x128xi32, #tpu.memory_space<vmem>> -> memref<128xi32, #tpu.memory_space<vmem>>
    %dma_wait3A_35 = arith.constant 0 : i32
    %dma_wait3A_36 = arith.constant 0 : i32
    %dma_wait3A_37 = tpu.memref_slice %arg8[%dma_wait3A_35, %dma_wait3A_36] : memref<5120x128xf32, #tpu.memory_space<vmem_shared>> -> memref<5120x128xf32, #tpu.memory_space<vmem_shared>>
    tpu.wait_indirect_dma semaphore(%arg9 : memref<!tpu.dma_semaphore, #tpu.memory_space<semaphore_mem>>) src(%arg7 : memref<128x128xf32, #tpu.memory_space<vmem>>) dst(%dma_wait3A_37 : memref<5120x128xf32, #tpu.memory_space<vmem_shared>>)
    %barrier3A_38 = arith.constant 0 : index
    tpu.barrier barrier_id(%barrier3A_38)
    %mul3A_39 = arith.constant 320 : i32
    %mul3A_40 = arith.muli %arg1, %mul3A_39 : i32
    %mul3A_41 = arith.constant 320 : i32
    %mul3A_42 = arith.muli %arg1, %mul3A_41 : i32
    "tpu.region"() ({
      %run_scoped3A = tpu.sem_alloc : memref<!tpu.dma_semaphore, #tpu.memory_space<semaphore_mem>>
      %dma_start3A = arith.constant 0 : i32
      %dma_start3A_43 = tpu.memref_slice %arg5[%arg0, %mul3A_42, %dma_start3A] : memref<2x5120x128xf32, #tpu.memory_space<hbm>> -> memref<1x320x128xf32, #tpu.memory_space<hbm>>
      %dma_start3A_44 = tpu.memref_squeeze %dma_start3A_43 : memref<1x320x128xf32, #tpu.memory_space<hbm>> -> memref<320x128xf32, #tpu.memory_space<hbm>>
      %dma_start3A_45 = arith.constant 0 : i32
      %dma_start3A_46 = tpu.memref_slice %arg8[%mul3A_40, %dma_start3A_45] : memref<5120x128xf32, #tpu.memory_space<vmem_shared>> -> memref<320x128xf32, #tpu.memory_space<vmem_shared>>
      tpu.enqueue_dma source(%dma_start3A_46 : memref<320x128xf32, #tpu.memory_space<vmem_shared>>) target(%dma_start3A_44 : memref<320x128xf32, #tpu.memory_space<hbm>>) target_semaphore(%run_scoped3A : memref<!tpu.dma_semaphore, #tpu.memory_space<semaphore_mem>>)
      %dma_wait3A_47 = arith.constant 0 : i32
      %dma_wait3A_48 = tpu.memref_slice %arg5[%arg0, %mul3A_42, %dma_wait3A_47] : memref<2x5120x128xf32, #tpu.memory_space<hbm>> -> memref<1x320x128xf32, #tpu.memory_space<hbm>>
      %dma_wait3A_49 = tpu.memref_squeeze %dma_wait3A_48 : memref<1x320x128xf32, #tpu.memory_space<hbm>> -> memref<320x128xf32, #tpu.memory_space<hbm>>
      %dma_wait3A_50 = arith.constant 0 : i32
      %dma_wait3A_51 = tpu.memref_slice %arg8[%mul3A_40, %dma_wait3A_50] : memref<5120x128xf32, #tpu.memory_space<vmem_shared>> -> memref<320x128xf32, #tpu.memory_space<vmem_shared>>
      tpu.wait_dma2 semaphore(%run_scoped3A : memref<!tpu.dma_semaphore, #tpu.memory_space<semaphore_mem>>) src(%dma_wait3A_51 : memref<320x128xf32, #tpu.memory_space<vmem_shared>>) dst(%dma_wait3A_49 : memref<320x128xf32, #tpu.memory_space<hbm>>)
      tpu.yield
    }) : () -> ()
    return
  }
}

#map = affine_map<(d0, d1) -> (0, 0, 0)>
#map1 = affine_map<(d0, d1) -> (0, 0, 0, 0, 0)>
#map2 = affine_map<(d0, d1) -> (0, 0)>
module attributes {stable_mosaic.version = 14 : i64} {
  func.func @_spmm_sc_body(%arg0: i32, %arg1: i32, %arg2: memref<2x5120x128xf32, #tpu.memory_space<hbm>>, %arg3: memref<2x16x160x2x128xi32, #tpu.memory_space<hbm>>, %arg4: memref<320x128xf32, #tpu.memory_space<hbm>>, %arg5: memref<2x5120x128xf32, #tpu.memory_space<hbm>>, %arg6: memref<3x16x2x128xi32, #tpu.memory_space<vmem>>, %arg7: memref<2x128x128xf32, #tpu.memory_space<vmem>>, %arg8: memref<5120x128xf32, #tpu.memory_space<vmem_shared>>, %arg9: memref<5120x128xf32, #tpu.memory_space<vmem_shared>>, %arg10: memref<!tpu.dma_semaphore, #tpu.memory_space<semaphore_mem>>, %arg11: memref<!tpu.dma_semaphore, #tpu.memory_space<semaphore_mem>>, %arg12: memref<!tpu.dma_semaphore, #tpu.memory_space<semaphore_mem>>) attributes {dimension_semantics = [#tpu.dimension_semantics<core_parallel>, #tpu.dimension_semantics<subcore_parallel>], iteration_bounds = array<i64: 2, 16>, scalar_prefetch = 0 : i64, scratch_operands = 7 : i64, tpu.core_type = #tpu.core_type<sc_vector_subcore>, window_params = [{transform_indices = #map}, {transform_indices = #map1}, {transform_indices = #map2}, {transform_indices = #map}]} {
    %sub3A = arith.constant 1 : i32
    %sub3A_0 = arith.subi %sub3A, %arg0 : i32
    %mul3A = arith.constant 320 : i32
    %mul3A_1 = arith.muli %arg1, %mul3A : i32
    %mul3A_2 = arith.constant 320 : i32
    %mul3A_3 = arith.muli %arg1, %mul3A_2 : i32
    "tpu.region"() ({
      %run_scoped3A_64 = tpu.sem_alloc : memref<!tpu.dma_semaphore, #tpu.memory_space<semaphore_mem>>
      %dma_start3A_65 = arith.constant 0 : i32
      %dma_start3A_66 = tpu.memref_slice %arg8[%mul3A_3, %dma_start3A_65] : memref<5120x128xf32, #tpu.memory_space<vmem_shared>> -> memref<320x128xf32, #tpu.memory_space<vmem_shared>>
      %dma_start3A_67 = arith.constant 0 : i32
      %dma_start3A_68 = tpu.memref_slice %arg2[%sub3A_0, %mul3A_1, %dma_start3A_67] : memref<2x5120x128xf32, #tpu.memory_space<hbm>> -> memref<1x320x128xf32, #tpu.memory_space<hbm>>
      %dma_start3A_69 = tpu.memref_squeeze %dma_start3A_68 : memref<1x320x128xf32, #tpu.memory_space<hbm>> -> memref<320x128xf32, #tpu.memory_space<hbm>>
      tpu.enqueue_dma source(%dma_start3A_69 : memref<320x128xf32, #tpu.memory_space<hbm>>) target(%dma_start3A_66 : memref<320x128xf32, #tpu.memory_space<vmem_shared>>) target_semaphore(%run_scoped3A_64 : memref<!tpu.dma_semaphore, #tpu.memory_space<semaphore_mem>>)
      %dma_wait3A_70 = arith.constant 0 : i32
      %dma_wait3A_71 = tpu.memref_slice %arg8[%mul3A_3, %dma_wait3A_70] : memref<5120x128xf32, #tpu.memory_space<vmem_shared>> -> memref<320x128xf32, #tpu.memory_space<vmem_shared>>
      %dma_wait3A_72 = arith.constant 0 : i32
      %dma_wait3A_73 = tpu.memref_slice %arg2[%sub3A_0, %mul3A_1, %dma_wait3A_72] : memref<2x5120x128xf32, #tpu.memory_space<hbm>> -> memref<1x320x128xf32, #tpu.memory_space<hbm>>
      %dma_wait3A_74 = tpu.memref_squeeze %dma_wait3A_73 : memref<1x320x128xf32, #tpu.memory_space<hbm>> -> memref<320x128xf32, #tpu.memory_space<hbm>>
      tpu.wait_dma2 semaphore(%run_scoped3A_64 : memref<!tpu.dma_semaphore, #tpu.memory_space<semaphore_mem>>) src(%dma_wait3A_74 : memref<320x128xf32, #tpu.memory_space<hbm>>) dst(%dma_wait3A_71 : memref<320x128xf32, #tpu.memory_space<vmem_shared>>)
      tpu.yield
    }) : () -> ()
    %mul3A_4 = arith.constant 320 : i32
    %mul3A_5 = arith.muli %arg1, %mul3A_4 : i32
    "tpu.region"() ({
      %run_scoped3A_64 = tpu.sem_alloc : memref<!tpu.dma_semaphore, #tpu.memory_space<semaphore_mem>>
      %dma_start3A_65 = arith.constant 0 : i32
      %dma_start3A_66 = tpu.memref_slice %arg9[%mul3A_5, %dma_start3A_65] : memref<5120x128xf32, #tpu.memory_space<vmem_shared>> -> memref<320x128xf32, #tpu.memory_space<vmem_shared>>
      tpu.enqueue_dma source(%arg4 : memref<320x128xf32, #tpu.memory_space<hbm>>) target(%dma_start3A_66 : memref<320x128xf32, #tpu.memory_space<vmem_shared>>) target_semaphore(%run_scoped3A_64 : memref<!tpu.dma_semaphore, #tpu.memory_space<semaphore_mem>>)
      %dma_wait3A_67 = arith.constant 0 : i32
      %dma_wait3A_68 = tpu.memref_slice %arg9[%mul3A_5, %dma_wait3A_67] : memref<5120x128xf32, #tpu.memory_space<vmem_shared>> -> memref<320x128xf32, #tpu.memory_space<vmem_shared>>
      tpu.wait_dma2 semaphore(%run_scoped3A_64 : memref<!tpu.dma_semaphore, #tpu.memory_space<semaphore_mem>>) src(%arg4 : memref<320x128xf32, #tpu.memory_space<hbm>>) dst(%dma_wait3A_68 : memref<320x128xf32, #tpu.memory_space<vmem_shared>>)
      tpu.yield
    }) : () -> ()
    %run_scoped3A = arith.constant 0 : i32
    "tpu.region"() ({
      %run_scoped3A_64 = tpu.sem_alloc : memref<!tpu.dma_semaphore, #tpu.memory_space<semaphore_mem>>
      %dma_start3A_65 = arith.constant 0 : i32
      %dma_start3A_66 = arith.constant 0 : i32
      %dma_start3A_67 = arith.constant 0 : i32
      %dma_start3A_68 = tpu.memref_slice %arg6[%run_scoped3A, %dma_start3A_65, %dma_start3A_66, %dma_start3A_67] : memref<3x16x2x128xi32, #tpu.memory_space<vmem>> -> memref<1x16x2x128xi32, #tpu.memory_space<vmem>>
      %dma_start3A_69 = tpu.memref_squeeze %dma_start3A_68 : memref<1x16x2x128xi32, #tpu.memory_space<vmem>> -> memref<16x2x128xi32, #tpu.memory_space<vmem>>
      %dma_start3A_70 = arith.constant 0 : i32
      %dma_start3A_71 = arith.constant 0 : i32
      %dma_start3A_72 = arith.constant 0 : i32
      %dma_start3A_73 = tpu.memref_slice %arg3[%arg0, %arg1, %dma_start3A_70, %dma_start3A_71, %dma_start3A_72] : memref<2x16x160x2x128xi32, #tpu.memory_space<hbm>> -> memref<1x1x16x2x128xi32, #tpu.memory_space<hbm>>
      %dma_start3A_74 = tpu.memref_squeeze %dma_start3A_73 : memref<1x1x16x2x128xi32, #tpu.memory_space<hbm>> -> memref<16x2x128xi32, #tpu.memory_space<hbm>>
      %dma_start3A_75 = arith.constant 0 : i32
      %dma_start3A_76 = arith.constant 0 : i32
      %dma_start3A_77 = arith.constant 0 : i32
      %dma_start3A_78 = tpu.memref_slice %arg6[%run_scoped3A, %dma_start3A_75, %dma_start3A_76, %dma_start3A_77] : memref<3x16x2x128xi32, #tpu.memory_space<vmem>> -> memref<1x16x2x128xi32, #tpu.memory_space<vmem>>
      %dma_start3A_79 = tpu.memref_squeeze %dma_start3A_78 : memref<1x16x2x128xi32, #tpu.memory_space<vmem>> -> memref<16x2x128xi32, #tpu.memory_space<vmem>>
      %dma_start3A_80 = arith.constant 0 : i32
      %dma_start3A_81 = arith.constant 0 : i32
      %dma_start3A_82 = arith.constant 0 : i32
      %dma_start3A_83 = tpu.memref_slice %arg3[%arg0, %arg1, %dma_start3A_80, %dma_start3A_81, %dma_start3A_82] : memref<2x16x160x2x128xi32, #tpu.memory_space<hbm>> -> memref<1x1x16x2x128xi32, #tpu.memory_space<hbm>>
      %dma_start3A_84 = tpu.memref_squeeze %dma_start3A_83 : memref<1x1x16x2x128xi32, #tpu.memory_space<hbm>> -> memref<16x2x128xi32, #tpu.memory_space<hbm>>
      tpu.enqueue_dma source(%dma_start3A_84 : memref<16x2x128xi32, #tpu.memory_space<hbm>>) target(%dma_start3A_79 : memref<16x2x128xi32, #tpu.memory_space<vmem>>) target_semaphore(%run_scoped3A_64 : memref<!tpu.dma_semaphore, #tpu.memory_space<semaphore_mem>>)
      %dma_wait3A_85 = arith.constant 0 : i32
      %dma_wait3A_86 = arith.constant 0 : i32
      %dma_wait3A_87 = arith.constant 0 : i32
      %dma_wait3A_88 = tpu.memref_slice %arg6[%run_scoped3A, %dma_wait3A_85, %dma_wait3A_86, %dma_wait3A_87] : memref<3x16x2x128xi32, #tpu.memory_space<vmem>> -> memref<1x16x2x128xi32, #tpu.memory_space<vmem>>
      %dma_wait3A_89 = tpu.memref_squeeze %dma_wait3A_88 : memref<1x16x2x128xi32, #tpu.memory_space<vmem>> -> memref<16x2x128xi32, #tpu.memory_space<vmem>>
      %dma_wait3A_90 = arith.constant 0 : i32
      %dma_wait3A_91 = arith.constant 0 : i32
      %dma_wait3A_92 = arith.constant 0 : i32
      %dma_wait3A_93 = tpu.memref_slice %arg3[%arg0, %arg1, %dma_wait3A_90, %dma_wait3A_91, %dma_wait3A_92] : memref<2x16x160x2x128xi32, #tpu.memory_space<hbm>> -> memref<1x1x16x2x128xi32, #tpu.memory_space<hbm>>
      %dma_wait3A_94 = tpu.memref_squeeze %dma_wait3A_93 : memref<1x1x16x2x128xi32, #tpu.memory_space<hbm>> -> memref<16x2x128xi32, #tpu.memory_space<hbm>>
      %dma_wait3A_95 = arith.constant 0 : i32
      %dma_wait3A_96 = arith.constant 0 : i32
      %dma_wait3A_97 = arith.constant 0 : i32
      %dma_wait3A_98 = tpu.memref_slice %arg6[%run_scoped3A, %dma_wait3A_95, %dma_wait3A_96, %dma_wait3A_97] : memref<3x16x2x128xi32, #tpu.memory_space<vmem>> -> memref<1x16x2x128xi32, #tpu.memory_space<vmem>>
      %dma_wait3A_99 = tpu.memref_squeeze %dma_wait3A_98 : memref<1x16x2x128xi32, #tpu.memory_space<vmem>> -> memref<16x2x128xi32, #tpu.memory_space<vmem>>
      %dma_wait3A_100 = arith.constant 0 : i32
      %dma_wait3A_101 = arith.constant 0 : i32
      %dma_wait3A_102 = arith.constant 0 : i32
      %dma_wait3A_103 = tpu.memref_slice %arg3[%arg0, %arg1, %dma_wait3A_100, %dma_wait3A_101, %dma_wait3A_102] : memref<2x16x160x2x128xi32, #tpu.memory_space<hbm>> -> memref<1x1x16x2x128xi32, #tpu.memory_space<hbm>>
      %dma_wait3A_104 = tpu.memref_squeeze %dma_wait3A_103 : memref<1x1x16x2x128xi32, #tpu.memory_space<hbm>> -> memref<16x2x128xi32, #tpu.memory_space<hbm>>
      tpu.wait_dma2 semaphore(%run_scoped3A_64 : memref<!tpu.dma_semaphore, #tpu.memory_space<semaphore_mem>>) src(%dma_wait3A_104 : memref<16x2x128xi32, #tpu.memory_space<hbm>>) dst(%dma_wait3A_99 : memref<16x2x128xi32, #tpu.memory_space<vmem>>)
      tpu.yield
    }) : () -> ()
    %dma_start3A = arith.constant 1 : i32
    %dma_start3A_6 = arith.constant 0 : i32
    %dma_start3A_7 = arith.constant 0 : i32
    %dma_start3A_8 = arith.constant 0 : i32
    %dma_start3A_9 = tpu.memref_slice %arg6[%dma_start3A, %dma_start3A_6, %dma_start3A_7, %dma_start3A_8] : memref<3x16x2x128xi32, #tpu.memory_space<vmem>> -> memref<1x16x2x128xi32, #tpu.memory_space<vmem>>
    %dma_start3A_10 = tpu.memref_squeeze %dma_start3A_9 : memref<1x16x2x128xi32, #tpu.memory_space<vmem>> -> memref<16x2x128xi32, #tpu.memory_space<vmem>>
    %dma_start3A_11 = arith.constant 16 : i32
    %dma_start3A_12 = arith.constant 0 : i32
    %dma_start3A_13 = arith.constant 0 : i32
    %dma_start3A_14 = tpu.memref_slice %arg3[%arg0, %arg1, %dma_start3A_11, %dma_start3A_12, %dma_start3A_13] : memref<2x16x160x2x128xi32, #tpu.memory_space<hbm>> -> memref<1x1x16x2x128xi32, #tpu.memory_space<hbm>>
    %dma_start3A_15 = tpu.memref_squeeze %dma_start3A_14 : memref<1x1x16x2x128xi32, #tpu.memory_space<hbm>> -> memref<16x2x128xi32, #tpu.memory_space<hbm>>
    %dma_start3A_16 = arith.constant 0 : i32
    %dma_start3A_17 = arith.constant 0 : i32
    %dma_start3A_18 = arith.constant 0 : i32
    %dma_start3A_19 = tpu.memref_slice %arg6[%dma_start3A, %dma_start3A_16, %dma_start3A_17, %dma_start3A_18] : memref<3x16x2x128xi32, #tpu.memory_space<vmem>> -> memref<1x16x2x128xi32, #tpu.memory_space<vmem>>
    %dma_start3A_20 = tpu.memref_squeeze %dma_start3A_19 : memref<1x16x2x128xi32, #tpu.memory_space<vmem>> -> memref<16x2x128xi32, #tpu.memory_space<vmem>>
    %dma_start3A_21 = arith.constant 16 : i32
    %dma_start3A_22 = arith.constant 0 : i32
    %dma_start3A_23 = arith.constant 0 : i32
    %dma_start3A_24 = tpu.memref_slice %arg3[%arg0, %arg1, %dma_start3A_21, %dma_start3A_22, %dma_start3A_23] : memref<2x16x160x2x128xi32, #tpu.memory_space<hbm>> -> memref<1x1x16x2x128xi32, #tpu.memory_space<hbm>>
    %dma_start3A_25 = tpu.memref_squeeze %dma_start3A_24 : memref<1x1x16x2x128xi32, #tpu.memory_space<hbm>> -> memref<16x2x128xi32, #tpu.memory_space<hbm>>
    tpu.enqueue_dma source(%dma_start3A_25 : memref<16x2x128xi32, #tpu.memory_space<hbm>>) target(%dma_start3A_20 : memref<16x2x128xi32, #tpu.memory_space<vmem>>) target_semaphore(%arg12 : memref<!tpu.dma_semaphore, #tpu.memory_space<semaphore_mem>>)
    %barrier3A = arith.constant 0 : index
    tpu.barrier barrier_id(%barrier3A)
    %dma_start3A_26 = arith.constant 0 : i32
    %dma_start3A_27 = arith.constant 0 : i32
    %dma_start3A_28 = arith.constant 0 : i32
    %dma_start3A_29 = arith.constant 0 : i32
    %dma_start3A_30 = arith.constant 0 : i32
    %dma_start3A_31 = arith.constant 0 : i32
    %dma_start3A_32 = tpu.memref_slice %arg7[%dma_start3A_29, %dma_start3A_30, %dma_start3A_31] : memref<2x128x128xf32, #tpu.memory_space<vmem>> -> memref<1x128x128xf32, #tpu.memory_space<vmem>>
    %dma_start3A_33 = tpu.memref_squeeze %dma_start3A_32 : memref<1x128x128xf32, #tpu.memory_space<vmem>> -> memref<128x128xf32, #tpu.memory_space<vmem>>
    %dma_start3A_34 = arith.constant 0 : i32
    %dma_start3A_35 = tpu.memref_slice %arg6[%dma_start3A_26, %dma_start3A_27, %dma_start3A_28, %dma_start3A_34] : memref<3x16x2x128xi32, #tpu.memory_space<vmem>> -> memref<1x1x1x128xi32, #tpu.memory_space<vmem>>
    %dma_start3A_36 = tpu.memref_squeeze %dma_start3A_35 : memref<1x1x1x128xi32, #tpu.memory_space<vmem>> -> memref<128xi32, #tpu.memory_space<vmem>>
    %dma_start3A_37 = arith.constant 0 : i32
    %dma_start3A_38 = arith.constant 0 : i32
    %dma_start3A_39 = tpu.memref_slice %arg8[%dma_start3A_37, %dma_start3A_38] : memref<5120x128xf32, #tpu.memory_space<vmem_shared>> -> memref<5120x128xf32, #tpu.memory_space<vmem_shared>>
    tpu.enqueue_indirect_dma source(%dma_start3A_39 : memref<5120x128xf32, #tpu.memory_space<vmem_shared>>) target(%dma_start3A_33 : memref<128x128xf32, #tpu.memory_space<vmem>>) offsets(%dma_start3A_36 : memref<128xi32, #tpu.memory_space<vmem>>) semaphore(%arg10 : memref<!tpu.dma_semaphore, #tpu.memory_space<semaphore_mem>>)
    %scan3A = arith.constant 0 : i32
    %scan3A_40 = arith.constant 0 : i32
    %scan3A_41 = arith.constant 10 : i32
    %scan3A_42 = arith.addi %scan3A_40, %scan3A_41 : i32
    %scan3A_43 = arith.constant 1 : i32
    %scan3A_44 = scf.for %scan3A_64 = %scan3A_40 to %scan3A_42 step %scan3A_43 iter_args(%scan3A_65 = %scan3A) -> (i32)  : i32 {
      %rem3A = arith.constant 3 : i32
      %rem3A_66 = arith.remsi %scan3A_64, %rem3A : i32
      %add3A = arith.constant 1 : i32
      %add3A_67 = arith.addi %scan3A_64, %add3A : i32
      %rem3A_68 = arith.constant 3 : i32
      %rem3A_69 = arith.remsi %add3A_67, %rem3A_68 : i32
      %add3A_70 = arith.constant 2 : i32
      %add3A_71 = arith.addi %scan3A_64, %add3A_70 : i32
      %rem3A_72 = arith.constant 3 : i32
      %rem3A_73 = arith.remsi %add3A_71, %rem3A_72 : i32
      %scan3A_74 = arith.constant 0 : i32
      %scan3A_75 = arith.constant 0 : i32
      %scan3A_76 = arith.constant 16 : i32
      %scan3A_77 = arith.addi %scan3A_75, %scan3A_76 : i32
      %scan3A_78 = arith.constant 1 : i32
      %scan3A_79 = scf.for %scan3A_82 = %scan3A_75 to %scan3A_77 step %scan3A_78 iter_args(%scan3A_83 = %scan3A_74) -> (i32)  : i32 {
        %rem3A_84 = arith.constant 2 : i32
        %rem3A_85 = arith.remsi %scan3A_82, %rem3A_84 : i32
        %add3A_86 = arith.constant 1 : i32
        %add3A_87 = arith.addi %scan3A_82, %add3A_86 : i32
        %rem3A_88 = arith.constant 2 : i32
        %rem3A_89 = arith.remsi %add3A_87, %rem3A_88 : i32
        %eq3A = arith.constant 0 : i32
        %eq3A_90 = arith.cmpi eq, %scan3A_82, %eq3A : i32
        %ge3A = arith.constant 1 : i32
        %ge3A_91 = arith.cmpi sge, %scan3A_64, %ge3A : i32
        %and3A = arith.andi %eq3A_90, %ge3A_91 : i1
        %convert_element_type3A = arith.extui %and3A : i1 to i32
        %cond3A = arith.constant 0 : i32
        %cond3A_92 = arith.cmpi ne, %convert_element_type3A, %cond3A : i32
        scf.if %cond3A_92 {
          %dma_wait3A_155 = arith.constant 15 : i32
          %dma_wait3A_156 = arith.constant 1 : i32
          %dma_wait3A_157 = arith.constant 0 : i32
          %dma_wait3A_158 = arith.constant 0 : i32
          %dma_wait3A_159 = tpu.memref_slice %arg7[%rem3A_89, %dma_wait3A_157, %dma_wait3A_158] : memref<2x128x128xf32, #tpu.memory_space<vmem>> -> memref<1x128x128xf32, #tpu.memory_space<vmem>>
          %dma_wait3A_160 = tpu.memref_squeeze %dma_wait3A_159 : memref<1x128x128xf32, #tpu.memory_space<vmem>> -> memref<128x128xf32, #tpu.memory_space<vmem>>
          %dma_wait3A_161 = arith.constant 0 : i32
          %dma_wait3A_162 = tpu.memref_slice %arg6[%rem3A_73, %dma_wait3A_155, %dma_wait3A_156, %dma_wait3A_161] : memref<3x16x2x128xi32, #tpu.memory_space<vmem>> -> memref<1x1x1x128xi32, #tpu.memory_space<vmem>>
          %dma_wait3A_163 = tpu.memref_squeeze %dma_wait3A_162 : memref<1x1x1x128xi32, #tpu.memory_space<vmem>> -> memref<128xi32, #tpu.memory_space<vmem>>
          %dma_wait3A_164 = arith.constant 0 : i32
          %dma_wait3A_165 = arith.constant 0 : i32
          %dma_wait3A_166 = tpu.memref_slice %arg9[%dma_wait3A_164, %dma_wait3A_165] : memref<5120x128xf32, #tpu.memory_space<vmem_shared>> -> memref<5120x128xf32, #tpu.memory_space<vmem_shared>>
          tpu.wait_indirect_dma semaphore(%arg11 : memref<!tpu.dma_semaphore, #tpu.memory_space<semaphore_mem>>) src(%dma_wait3A_160 : memref<128x128xf32, #tpu.memory_space<vmem>>) dst(%dma_wait3A_166 : memref<5120x128xf32, #tpu.memory_space<vmem_shared>>)
        } else {
        }
        %ge3A_93 = arith.constant 1 : i32
        %ge3A_94 = arith.cmpi sge, %scan3A_82, %ge3A_93 : i32
        %convert_element_type3A_95 = arith.extui %ge3A_94 : i1 to i32
        %cond3A_96 = arith.constant 0 : i32
        %cond3A_97 = arith.cmpi ne, %convert_element_type3A_95, %cond3A_96 : i32
        scf.if %cond3A_97 {
          %sub3A_155 = arith.constant 1 : i32
          %sub3A_156 = arith.subi %scan3A_82, %sub3A_155 : i32
          %dma_wait3A_157 = arith.constant 1 : i32
          %dma_wait3A_158 = arith.constant 0 : i32
          %dma_wait3A_159 = arith.constant 0 : i32
          %dma_wait3A_160 = tpu.memref_slice %arg7[%rem3A_89, %dma_wait3A_158, %dma_wait3A_159] : memref<2x128x128xf32, #tpu.memory_space<vmem>> -> memref<1x128x128xf32, #tpu.memory_space<vmem>>
          %dma_wait3A_161 = tpu.memref_squeeze %dma_wait3A_160 : memref<1x128x128xf32, #tpu.memory_space<vmem>> -> memref<128x128xf32, #tpu.memory_space<vmem>>
          %dma_wait3A_162 = arith.constant 0 : i32
          %dma_wait3A_163 = tpu.memref_slice %arg6[%rem3A_66, %sub3A_156, %dma_wait3A_157, %dma_wait3A_162] : memref<3x16x2x128xi32, #tpu.memory_space<vmem>> -> memref<1x1x1x128xi32, #tpu.memory_space<vmem>>
          %dma_wait3A_164 = tpu.memref_squeeze %dma_wait3A_163 : memref<1x1x1x128xi32, #tpu.memory_space<vmem>> -> memref<128xi32, #tpu.memory_space<vmem>>
          %dma_wait3A_165 = arith.constant 0 : i32
          %dma_wait3A_166 = arith.constant 0 : i32
          %dma_wait3A_167 = tpu.memref_slice %arg9[%dma_wait3A_165, %dma_wait3A_166] : memref<5120x128xf32, #tpu.memory_space<vmem_shared>> -> memref<5120x128xf32, #tpu.memory_space<vmem_shared>>
          tpu.wait_indirect_dma semaphore(%arg11 : memref<!tpu.dma_semaphore, #tpu.memory_space<semaphore_mem>>) src(%dma_wait3A_161 : memref<128x128xf32, #tpu.memory_space<vmem>>) dst(%dma_wait3A_167 : memref<5120x128xf32, #tpu.memory_space<vmem_shared>>)
        } else {
        }
        %eq3A_98 = arith.constant 0 : i32
        %eq3A_99 = arith.cmpi eq, %scan3A_82, %eq3A_98 : i32
        %add3A_100 = arith.constant 1 : i32
        %add3A_101 = arith.addi %scan3A_64, %add3A_100 : i32
        %lt3A = arith.constant 10 : i32
        %lt3A_102 = arith.cmpi slt, %add3A_101, %lt3A : i32
        %and3A_103 = arith.andi %eq3A_99, %lt3A_102 : i1
        %convert_element_type3A_104 = arith.extui %and3A_103 : i1 to i32
        %cond3A_105 = arith.constant 0 : i32
        %cond3A_106 = arith.cmpi ne, %convert_element_type3A_104, %cond3A_105 : i32
        scf.if %cond3A_106 {
          %dma_wait3A_155 = arith.constant 0 : i32
          %dma_wait3A_156 = arith.constant 0 : i32
          %dma_wait3A_157 = arith.constant 0 : i32
          %dma_wait3A_158 = arith.constant 0 : i32
          %dma_wait3A_159 = tpu.memref_slice %arg6[%dma_wait3A_155, %dma_wait3A_156, %dma_wait3A_157, %dma_wait3A_158] : memref<3x16x2x128xi32, #tpu.memory_space<vmem>> -> memref<1x16x2x128xi32, #tpu.memory_space<vmem>>
          %dma_wait3A_160 = tpu.memref_squeeze %dma_wait3A_159 : memref<1x16x2x128xi32, #tpu.memory_space<vmem>> -> memref<16x2x128xi32, #tpu.memory_space<vmem>>
          %dma_wait3A_161 = arith.constant 0 : i32
          %dma_wait3A_162 = arith.constant 0 : i32
          %dma_wait3A_163 = arith.constant 0 : i32
          %dma_wait3A_164 = tpu.memref_slice %arg3[%arg0, %arg1, %dma_wait3A_161, %dma_wait3A_162, %dma_wait3A_163] : memref<2x16x160x2x128xi32, #tpu.memory_space<hbm>> -> memref<1x1x16x2x128xi32, #tpu.memory_space<hbm>>
          %dma_wait3A_165 = tpu.memref_squeeze %dma_wait3A_164 : memref<1x1x16x2x128xi32, #tpu.memory_space<hbm>> -> memref<16x2x128xi32, #tpu.memory_space<hbm>>
          %dma_wait3A_166 = arith.constant 0 : i32
          %dma_wait3A_167 = arith.constant 0 : i32
          %dma_wait3A_168 = arith.constant 0 : i32
          %dma_wait3A_169 = tpu.memref_slice %arg6[%dma_wait3A_155, %dma_wait3A_166, %dma_wait3A_167, %dma_wait3A_168] : memref<3x16x2x128xi32, #tpu.memory_space<vmem>> -> memref<1x16x2x128xi32, #tpu.memory_space<vmem>>
          %dma_wait3A_170 = tpu.memref_squeeze %dma_wait3A_169 : memref<1x16x2x128xi32, #tpu.memory_space<vmem>> -> memref<16x2x128xi32, #tpu.memory_space<vmem>>
          %dma_wait3A_171 = arith.constant 0 : i32
          %dma_wait3A_172 = arith.constant 0 : i32
          %dma_wait3A_173 = arith.constant 0 : i32
          %dma_wait3A_174 = tpu.memref_slice %arg3[%arg0, %arg1, %dma_wait3A_171, %dma_wait3A_172, %dma_wait3A_173] : memref<2x16x160x2x128xi32, #tpu.memory_space<hbm>> -> memref<1x1x16x2x128xi32, #tpu.memory_space<hbm>>
          %dma_wait3A_175 = tpu.memref_squeeze %dma_wait3A_174 : memref<1x1x16x2x128xi32, #tpu.memory_space<hbm>> -> memref<16x2x128xi32, #tpu.memory_space<hbm>>
          tpu.wait_dma2 semaphore(%arg12 : memref<!tpu.dma_semaphore, #tpu.memory_space<semaphore_mem>>) src(%dma_wait3A_175 : memref<16x2x128xi32, #tpu.memory_space<hbm>>) dst(%dma_wait3A_170 : memref<16x2x128xi32, #tpu.memory_space<vmem>>)
        } else {
        }
        %eq3A_107 = arith.constant 2 : i32
        %eq3A_108 = arith.cmpi eq, %scan3A_82, %eq3A_107 : i32
        %add3A_109 = arith.constant 2 : i32
        %add3A_110 = arith.addi %scan3A_64, %add3A_109 : i32
        %lt3A_111 = arith.constant 10 : i32
        %lt3A_112 = arith.cmpi slt, %add3A_110, %lt3A_111 : i32
        %and3A_113 = arith.andi %eq3A_108, %lt3A_112 : i1
        %convert_element_type3A_114 = arith.extui %and3A_113 : i1 to i32
        %cond3A_115 = arith.constant 0 : i32
        %cond3A_116 = arith.cmpi ne, %convert_element_type3A_114, %cond3A_115 : i32
        scf.if %cond3A_116 {
          %add3A_155 = arith.constant 2 : i32
          %add3A_156 = arith.addi %scan3A_64, %add3A_155 : i32
          %mul3A_157 = arith.constant 16 : i32
          %mul3A_158 = arith.muli %add3A_156, %mul3A_157 : i32
          %dma_start3A_159 = arith.constant 0 : i32
          %dma_start3A_160 = arith.constant 0 : i32
          %dma_start3A_161 = arith.constant 0 : i32
          %dma_start3A_162 = tpu.memref_slice %arg6[%rem3A_73, %dma_start3A_159, %dma_start3A_160, %dma_start3A_161] : memref<3x16x2x128xi32, #tpu.memory_space<vmem>> -> memref<1x16x2x128xi32, #tpu.memory_space<vmem>>
          %dma_start3A_163 = tpu.memref_squeeze %dma_start3A_162 : memref<1x16x2x128xi32, #tpu.memory_space<vmem>> -> memref<16x2x128xi32, #tpu.memory_space<vmem>>
          %dma_start3A_164 = arith.constant 0 : i32
          %dma_start3A_165 = arith.constant 0 : i32
          %dma_start3A_166 = tpu.memref_slice %arg3[%arg0, %arg1, %mul3A_158, %dma_start3A_164, %dma_start3A_165] : memref<2x16x160x2x128xi32, #tpu.memory_space<hbm>> -> memref<1x1x16x2x128xi32, #tpu.memory_space<hbm>>
          %dma_start3A_167 = tpu.memref_squeeze %dma_start3A_166 : memref<1x1x16x2x128xi32, #tpu.memory_space<hbm>> -> memref<16x2x128xi32, #tpu.memory_space<hbm>>
          %dma_start3A_168 = arith.constant 0 : i32
          %dma_start3A_169 = arith.constant 0 : i32
          %dma_start3A_170 = arith.constant 0 : i32
          %dma_start3A_171 = tpu.memref_slice %arg6[%rem3A_73, %dma_start3A_168, %dma_start3A_169, %dma_start3A_170] : memref<3x16x2x128xi32, #tpu.memory_space<vmem>> -> memref<1x16x2x128xi32, #tpu.memory_space<vmem>>
          %dma_start3A_172 = tpu.memref_squeeze %dma_start3A_171 : memref<1x16x2x128xi32, #tpu.memory_space<vmem>> -> memref<16x2x128xi32, #tpu.memory_space<vmem>>
          %dma_start3A_173 = arith.constant 0 : i32
          %dma_start3A_174 = arith.constant 0 : i32
          %dma_start3A_175 = tpu.memref_slice %arg3[%arg0, %arg1, %mul3A_158, %dma_start3A_173, %dma_start3A_174] : memref<2x16x160x2x128xi32, #tpu.memory_space<hbm>> -> memref<1x1x16x2x128xi32, #tpu.memory_space<hbm>>
          %dma_start3A_176 = tpu.memref_squeeze %dma_start3A_175 : memref<1x1x16x2x128xi32, #tpu.memory_space<hbm>> -> memref<16x2x128xi32, #tpu.memory_space<hbm>>
          tpu.enqueue_dma source(%dma_start3A_176 : memref<16x2x128xi32, #tpu.memory_space<hbm>>) target(%dma_start3A_172 : memref<16x2x128xi32, #tpu.memory_space<vmem>>) target_semaphore(%arg12 : memref<!tpu.dma_semaphore, #tpu.memory_space<semaphore_mem>>)
        } else {
        }
        %lt3A_117 = arith.constant 15 : i32
        %lt3A_118 = arith.cmpi slt, %scan3A_82, %lt3A_117 : i32
        %convert_element_type3A_119 = arith.extui %lt3A_118 : i1 to i32
        %cond3A_120 = arith.constant 0 : i32
        %cond3A_121 = arith.cmpi ne, %convert_element_type3A_119, %cond3A_120 : i32
        scf.if %cond3A_121 {
          %add3A_155 = arith.constant 1 : i32
          %add3A_156 = arith.addi %scan3A_82, %add3A_155 : i32
          %dma_start3A_157 = arith.constant 0 : i32
          %dma_start3A_158 = arith.constant 0 : i32
          %dma_start3A_159 = arith.constant 0 : i32
          %dma_start3A_160 = tpu.memref_slice %arg7[%rem3A_89, %dma_start3A_158, %dma_start3A_159] : memref<2x128x128xf32, #tpu.memory_space<vmem>> -> memref<1x128x128xf32, #tpu.memory_space<vmem>>
          %dma_start3A_161 = tpu.memref_squeeze %dma_start3A_160 : memref<1x128x128xf32, #tpu.memory_space<vmem>> -> memref<128x128xf32, #tpu.memory_space<vmem>>
          %dma_start3A_162 = arith.constant 0 : i32
          %dma_start3A_163 = tpu.memref_slice %arg6[%rem3A_66, %add3A_156, %dma_start3A_157, %dma_start3A_162] : memref<3x16x2x128xi32, #tpu.memory_space<vmem>> -> memref<1x1x1x128xi32, #tpu.memory_space<vmem>>
          %dma_start3A_164 = tpu.memref_squeeze %dma_start3A_163 : memref<1x1x1x128xi32, #tpu.memory_space<vmem>> -> memref<128xi32, #tpu.memory_space<vmem>>
          %dma_start3A_165 = arith.constant 0 : i32
          %dma_start3A_166 = arith.constant 0 : i32
          %dma_start3A_167 = tpu.memref_slice %arg8[%dma_start3A_165, %dma_start3A_166] : memref<5120x128xf32, #tpu.memory_space<vmem_shared>> -> memref<5120x128xf32, #tpu.memory_space<vmem_shared>>
          tpu.enqueue_indirect_dma source(%dma_start3A_167 : memref<5120x128xf32, #tpu.memory_space<vmem_shared>>) target(%dma_start3A_161 : memref<128x128xf32, #tpu.memory_space<vmem>>) offsets(%dma_start3A_164 : memref<128xi32, #tpu.memory_space<vmem>>) semaphore(%arg10 : memref<!tpu.dma_semaphore, #tpu.memory_space<semaphore_mem>>)
        } else {
        }
        %eq3A_122 = arith.constant 15 : i32
        %eq3A_123 = arith.cmpi eq, %scan3A_82, %eq3A_122 : i32
        %add3A_124 = arith.constant 1 : i32
        %add3A_125 = arith.addi %scan3A_64, %add3A_124 : i32
        %lt3A_126 = arith.constant 10 : i32
        %lt3A_127 = arith.cmpi slt, %add3A_125, %lt3A_126 : i32
        %and3A_128 = arith.andi %eq3A_123, %lt3A_127 : i1
        %convert_element_type3A_129 = arith.extui %and3A_128 : i1 to i32
        %cond3A_130 = arith.constant 0 : i32
        %cond3A_131 = arith.cmpi ne, %convert_element_type3A_129, %cond3A_130 : i32
        scf.if %cond3A_131 {
          %dma_start3A_155 = arith.constant 0 : i32
          %dma_start3A_156 = arith.constant 0 : i32
          %dma_start3A_157 = arith.constant 0 : i32
          %dma_start3A_158 = arith.constant 0 : i32
          %dma_start3A_159 = tpu.memref_slice %arg7[%rem3A_89, %dma_start3A_157, %dma_start3A_158] : memref<2x128x128xf32, #tpu.memory_space<vmem>> -> memref<1x128x128xf32, #tpu.memory_space<vmem>>
          %dma_start3A_160 = tpu.memref_squeeze %dma_start3A_159 : memref<1x128x128xf32, #tpu.memory_space<vmem>> -> memref<128x128xf32, #tpu.memory_space<vmem>>
          %dma_start3A_161 = arith.constant 0 : i32
          %dma_start3A_162 = tpu.memref_slice %arg6[%rem3A_69, %dma_start3A_155, %dma_start3A_156, %dma_start3A_161] : memref<3x16x2x128xi32, #tpu.memory_space<vmem>> -> memref<1x1x1x128xi32, #tpu.memory_space<vmem>>
          %dma_start3A_163 = tpu.memref_squeeze %dma_start3A_162 : memref<1x1x1x128xi32, #tpu.memory_space<vmem>> -> memref<128xi32, #tpu.memory_space<vmem>>
          %dma_start3A_164 = arith.constant 0 : i32
          %dma_start3A_165 = arith.constant 0 : i32
          %dma_start3A_166 = tpu.memref_slice %arg8[%dma_start3A_164, %dma_start3A_165] : memref<5120x128xf32, #tpu.memory_space<vmem_shared>> -> memref<5120x128xf32, #tpu.memory_space<vmem_shared>>
          tpu.enqueue_indirect_dma source(%dma_start3A_166 : memref<5120x128xf32, #tpu.memory_space<vmem_shared>>) target(%dma_start3A_160 : memref<128x128xf32, #tpu.memory_space<vmem>>) offsets(%dma_start3A_163 : memref<128xi32, #tpu.memory_space<vmem>>) semaphore(%arg10 : memref<!tpu.dma_semaphore, #tpu.memory_space<semaphore_mem>>)
        } else {
        }
        %dma_wait3A_132 = arith.constant 0 : i32
        %dma_wait3A_133 = arith.constant 0 : i32
        %dma_wait3A_134 = arith.constant 0 : i32
        %dma_wait3A_135 = tpu.memref_slice %arg7[%rem3A_85, %dma_wait3A_133, %dma_wait3A_134] : memref<2x128x128xf32, #tpu.memory_space<vmem>> -> memref<1x128x128xf32, #tpu.memory_space<vmem>>
        %dma_wait3A_136 = tpu.memref_squeeze %dma_wait3A_135 : memref<1x128x128xf32, #tpu.memory_space<vmem>> -> memref<128x128xf32, #tpu.memory_space<vmem>>
        %dma_wait3A_137 = arith.constant 0 : i32
        %dma_wait3A_138 = tpu.memref_slice %arg6[%rem3A_66, %scan3A_82, %dma_wait3A_132, %dma_wait3A_137] : memref<3x16x2x128xi32, #tpu.memory_space<vmem>> -> memref<1x1x1x128xi32, #tpu.memory_space<vmem>>
        %dma_wait3A_139 = tpu.memref_squeeze %dma_wait3A_138 : memref<1x1x1x128xi32, #tpu.memory_space<vmem>> -> memref<128xi32, #tpu.memory_space<vmem>>
        %dma_wait3A_140 = arith.constant 0 : i32
        %dma_wait3A_141 = arith.constant 0 : i32
        %dma_wait3A_142 = tpu.memref_slice %arg8[%dma_wait3A_140, %dma_wait3A_141] : memref<5120x128xf32, #tpu.memory_space<vmem_shared>> -> memref<5120x128xf32, #tpu.memory_space<vmem_shared>>
        tpu.wait_indirect_dma semaphore(%arg10 : memref<!tpu.dma_semaphore, #tpu.memory_space<semaphore_mem>>) src(%dma_wait3A_142 : memref<5120x128xf32, #tpu.memory_space<vmem_shared>>) dst(%dma_wait3A_136 : memref<128x128xf32, #tpu.memory_space<vmem>>)
        %dma_start3A_143 = arith.constant 1 : i32
        %dma_start3A_144 = arith.constant 0 : i32
        %dma_start3A_145 = arith.constant 0 : i32
        %dma_start3A_146 = tpu.memref_slice %arg7[%rem3A_85, %dma_start3A_144, %dma_start3A_145] : memref<2x128x128xf32, #tpu.memory_space<vmem>> -> memref<1x128x128xf32, #tpu.memory_space<vmem>>
        %dma_start3A_147 = tpu.memref_squeeze %dma_start3A_146 : memref<1x128x128xf32, #tpu.memory_space<vmem>> -> memref<128x128xf32, #tpu.memory_space<vmem>>
        %dma_start3A_148 = arith.constant 0 : i32
        %dma_start3A_149 = tpu.memref_slice %arg6[%rem3A_66, %scan3A_82, %dma_start3A_143, %dma_start3A_148] : memref<3x16x2x128xi32, #tpu.memory_space<vmem>> -> memref<1x1x1x128xi32, #tpu.memory_space<vmem>>
        %dma_start3A_150 = tpu.memref_squeeze %dma_start3A_149 : memref<1x1x1x128xi32, #tpu.memory_space<vmem>> -> memref<128xi32, #tpu.memory_space<vmem>>
        %dma_start3A_151 = arith.constant 0 : i32
        %dma_start3A_152 = arith.constant 0 : i32
        %dma_start3A_153 = tpu.memref_slice %arg9[%dma_start3A_151, %dma_start3A_152] : memref<5120x128xf32, #tpu.memory_space<vmem_shared>> -> memref<5120x128xf32, #tpu.memory_space<vmem_shared>>
        tpu.enqueue_indirect_dma source(%dma_start3A_147 : memref<128x128xf32, #tpu.memory_space<vmem>>) target(%dma_start3A_153 : memref<5120x128xf32, #tpu.memory_space<vmem_shared>>) offsets(%dma_start3A_150 : memref<128xi32, #tpu.memory_space<vmem>>) semaphore(%arg11 : memref<!tpu.dma_semaphore, #tpu.memory_space<semaphore_mem>>) {add = true}
        %scan3A_154 = arith.constant 0 : i32
        scf.yield %scan3A_154 : i32
      }
      %scan3A_80 = arith.constant 16 : i32
      %scan3A_81 = arith.constant 0 : i32
      scf.yield %scan3A_81 : i32
    }
    %scan3A_45 = arith.constant 10 : i32
    %dma_wait3A = arith.constant 0 : i32
    %dma_wait3A_46 = arith.constant 0 : i32
    %dma_wait3A_47 = arith.constant 0 : i32
    %dma_wait3A_48 = arith.constant 1 : i32
    %dma_wait3A_49 = arith.constant 0 : i32
    %dma_wait3A_50 = arith.constant 0 : i32
    %dma_wait3A_51 = tpu.memref_slice %arg7[%dma_wait3A, %dma_wait3A_49, %dma_wait3A_50] : memref<2x128x128xf32, #tpu.memory_space<vmem>> -> memref<1x128x128xf32, #tpu.memory_space<vmem>>
    %dma_wait3A_52 = tpu.memref_squeeze %dma_wait3A_51 : memref<1x128x128xf32, #tpu.memory_space<vmem>> -> memref<128x128xf32, #tpu.memory_space<vmem>>
    %dma_wait3A_53 = arith.constant 0 : i32
    %dma_wait3A_54 = tpu.memref_slice %arg6[%dma_wait3A_46, %dma_wait3A_47, %dma_wait3A_48, %dma_wait3A_53] : memref<3x16x2x128xi32, #tpu.memory_space<vmem>> -> memref<1x1x1x128xi32, #tpu.memory_space<vmem>>
    %dma_wait3A_55 = tpu.memref_squeeze %dma_wait3A_54 : memref<1x1x1x128xi32, #tpu.memory_space<vmem>> -> memref<128xi32, #tpu.memory_space<vmem>>
    %dma_wait3A_56 = arith.constant 0 : i32
    %dma_wait3A_57 = arith.constant 0 : i32
    %dma_wait3A_58 = tpu.memref_slice %arg9[%dma_wait3A_56, %dma_wait3A_57] : memref<5120x128xf32, #tpu.memory_space<vmem_shared>> -> memref<5120x128xf32, #tpu.memory_space<vmem_shared>>
    tpu.wait_indirect_dma semaphore(%arg11 : memref<!tpu.dma_semaphore, #tpu.memory_space<semaphore_mem>>) src(%dma_wait3A_52 : memref<128x128xf32, #tpu.memory_space<vmem>>) dst(%dma_wait3A_58 : memref<5120x128xf32, #tpu.memory_space<vmem_shared>>)
    %barrier3A_59 = arith.constant 0 : index
    tpu.barrier barrier_id(%barrier3A_59)
    %mul3A_60 = arith.constant 320 : i32
    %mul3A_61 = arith.muli %arg1, %mul3A_60 : i32
    %mul3A_62 = arith.constant 320 : i32
    %mul3A_63 = arith.muli %arg1, %mul3A_62 : i32
    "tpu.region"() ({
      %run_scoped3A_64 = tpu.sem_alloc : memref<!tpu.dma_semaphore, #tpu.memory_space<semaphore_mem>>
      %dma_start3A_65 = arith.constant 0 : i32
      %dma_start3A_66 = tpu.memref_slice %arg5[%arg0, %mul3A_63, %dma_start3A_65] : memref<2x5120x128xf32, #tpu.memory_space<hbm>> -> memref<1x320x128xf32, #tpu.memory_space<hbm>>
      %dma_start3A_67 = tpu.memref_squeeze %dma_start3A_66 : memref<1x320x128xf32, #tpu.memory_space<hbm>> -> memref<320x128xf32, #tpu.memory_space<hbm>>
      %dma_start3A_68 = arith.constant 0 : i32
      %dma_start3A_69 = tpu.memref_slice %arg9[%mul3A_61, %dma_start3A_68] : memref<5120x128xf32, #tpu.memory_space<vmem_shared>> -> memref<320x128xf32, #tpu.memory_space<vmem_shared>>
      tpu.enqueue_dma source(%dma_start3A_69 : memref<320x128xf32, #tpu.memory_space<vmem_shared>>) target(%dma_start3A_67 : memref<320x128xf32, #tpu.memory_space<hbm>>) target_semaphore(%run_scoped3A_64 : memref<!tpu.dma_semaphore, #tpu.memory_space<semaphore_mem>>)
      %dma_wait3A_70 = arith.constant 0 : i32
      %dma_wait3A_71 = tpu.memref_slice %arg5[%arg0, %mul3A_63, %dma_wait3A_70] : memref<2x5120x128xf32, #tpu.memory_space<hbm>> -> memref<1x320x128xf32, #tpu.memory_space<hbm>>
      %dma_wait3A_72 = tpu.memref_squeeze %dma_wait3A_71 : memref<1x320x128xf32, #tpu.memory_space<hbm>> -> memref<320x128xf32, #tpu.memory_space<hbm>>
      %dma_wait3A_73 = arith.constant 0 : i32
      %dma_wait3A_74 = tpu.memref_slice %arg9[%mul3A_61, %dma_wait3A_73] : memref<5120x128xf32, #tpu.memory_space<vmem_shared>> -> memref<320x128xf32, #tpu.memory_space<vmem_shared>>
      tpu.wait_dma2 semaphore(%run_scoped3A_64 : memref<!tpu.dma_semaphore, #tpu.memory_space<semaphore_mem>>) src(%dma_wait3A_74 : memref<320x128xf32, #tpu.memory_space<vmem_shared>>) dst(%dma_wait3A_72 : memref<320x128xf32, #tpu.memory_space<hbm>>)
      tpu.yield
    }) : () -> ()
    return
  }
}

#map = affine_map<(d0, d1) -> (0, 0, 0)>
#map1 = affine_map<(d0, d1) -> (0, 0, 0, 0, 0)>
#map2 = affine_map<(d0, d1) -> (0, 0)>
module attributes {stable_mosaic.version = 14 : i64} {
  func.func @_spmm_sc_body(%arg0: i32, %arg1: i32, %arg2: memref<2x5120x128xf32, #tpu.memory_space<hbm>>, %arg3: memref<2x16x160x2x128xi32, #tpu.memory_space<hbm>>, %arg4: memref<320x128xf32, #tpu.memory_space<hbm>>, %arg5: memref<2x5120x128xf32, #tpu.memory_space<hbm>>, %arg6: memref<3x16x2x128xi32, #tpu.memory_space<vmem>>, %arg7: memref<2x128x128xf32, #tpu.memory_space<vmem>>, %arg8: memref<5120x128xf32, #tpu.memory_space<vmem_shared>>, %arg9: memref<5120x128xf32, #tpu.memory_space<vmem_shared>>, %arg10: memref<!tpu.dma_semaphore, #tpu.memory_space<semaphore_mem>>, %arg11: memref<!tpu.dma_semaphore, #tpu.memory_space<semaphore_mem>>, %arg12: memref<!tpu.dma_semaphore, #tpu.memory_space<semaphore_mem>>) attributes {dimension_semantics = [#tpu.dimension_semantics<core_parallel>, #tpu.dimension_semantics<subcore_parallel>], iteration_bounds = array<i64: 2, 16>, scalar_prefetch = 0 : i64, scratch_operands = 7 : i64, tpu.core_type = #tpu.core_type<sc_vector_subcore>, window_params = [{transform_indices = #map}, {transform_indices = #map1}, {transform_indices = #map2}, {transform_indices = #map}]} {
    %sub3A = arith.constant 1 : i32
    %sub3A_0 = arith.subi %sub3A, %arg0 : i32
    %mul3A = arith.constant 320 : i32
    %mul3A_1 = arith.muli %arg1, %mul3A : i32
    %mul3A_2 = arith.constant 320 : i32
    %mul3A_3 = arith.muli %arg1, %mul3A_2 : i32
    "tpu.region"() ({
      %run_scoped3A_64 = tpu.sem_alloc : memref<!tpu.dma_semaphore, #tpu.memory_space<semaphore_mem>>
      %dma_start3A_65 = arith.constant 0 : i32
      %dma_start3A_66 = tpu.memref_slice %arg8[%mul3A_3, %dma_start3A_65] : memref<5120x128xf32, #tpu.memory_space<vmem_shared>> -> memref<320x128xf32, #tpu.memory_space<vmem_shared>>
      %dma_start3A_67 = arith.constant 0 : i32
      %dma_start3A_68 = tpu.memref_slice %arg2[%sub3A_0, %mul3A_1, %dma_start3A_67] : memref<2x5120x128xf32, #tpu.memory_space<hbm>> -> memref<1x320x128xf32, #tpu.memory_space<hbm>>
      %dma_start3A_69 = tpu.memref_squeeze %dma_start3A_68 : memref<1x320x128xf32, #tpu.memory_space<hbm>> -> memref<320x128xf32, #tpu.memory_space<hbm>>
      tpu.enqueue_dma source(%dma_start3A_69 : memref<320x128xf32, #tpu.memory_space<hbm>>) target(%dma_start3A_66 : memref<320x128xf32, #tpu.memory_space<vmem_shared>>) target_semaphore(%run_scoped3A_64 : memref<!tpu.dma_semaphore, #tpu.memory_space<semaphore_mem>>)
      %dma_wait3A_70 = arith.constant 0 : i32
      %dma_wait3A_71 = tpu.memref_slice %arg8[%mul3A_3, %dma_wait3A_70] : memref<5120x128xf32, #tpu.memory_space<vmem_shared>> -> memref<320x128xf32, #tpu.memory_space<vmem_shared>>
      %dma_wait3A_72 = arith.constant 0 : i32
      %dma_wait3A_73 = tpu.memref_slice %arg2[%sub3A_0, %mul3A_1, %dma_wait3A_72] : memref<2x5120x128xf32, #tpu.memory_space<hbm>> -> memref<1x320x128xf32, #tpu.memory_space<hbm>>
      %dma_wait3A_74 = tpu.memref_squeeze %dma_wait3A_73 : memref<1x320x128xf32, #tpu.memory_space<hbm>> -> memref<320x128xf32, #tpu.memory_space<hbm>>
      tpu.wait_dma2 semaphore(%run_scoped3A_64 : memref<!tpu.dma_semaphore, #tpu.memory_space<semaphore_mem>>) src(%dma_wait3A_74 : memref<320x128xf32, #tpu.memory_space<hbm>>) dst(%dma_wait3A_71 : memref<320x128xf32, #tpu.memory_space<vmem_shared>>)
      tpu.yield
    }) : () -> ()
    %mul3A_4 = arith.constant 320 : i32
    %mul3A_5 = arith.muli %arg1, %mul3A_4 : i32
    "tpu.region"() ({
      %run_scoped3A_64 = tpu.sem_alloc : memref<!tpu.dma_semaphore, #tpu.memory_space<semaphore_mem>>
      %dma_start3A_65 = arith.constant 0 : i32
      %dma_start3A_66 = tpu.memref_slice %arg9[%mul3A_5, %dma_start3A_65] : memref<5120x128xf32, #tpu.memory_space<vmem_shared>> -> memref<320x128xf32, #tpu.memory_space<vmem_shared>>
      tpu.enqueue_dma source(%arg4 : memref<320x128xf32, #tpu.memory_space<hbm>>) target(%dma_start3A_66 : memref<320x128xf32, #tpu.memory_space<vmem_shared>>) target_semaphore(%run_scoped3A_64 : memref<!tpu.dma_semaphore, #tpu.memory_space<semaphore_mem>>)
      %dma_wait3A_67 = arith.constant 0 : i32
      %dma_wait3A_68 = tpu.memref_slice %arg9[%mul3A_5, %dma_wait3A_67] : memref<5120x128xf32, #tpu.memory_space<vmem_shared>> -> memref<320x128xf32, #tpu.memory_space<vmem_shared>>
      tpu.wait_dma2 semaphore(%run_scoped3A_64 : memref<!tpu.dma_semaphore, #tpu.memory_space<semaphore_mem>>) src(%arg4 : memref<320x128xf32, #tpu.memory_space<hbm>>) dst(%dma_wait3A_68 : memref<320x128xf32, #tpu.memory_space<vmem_shared>>)
      tpu.yield
    }) : () -> ()
    %run_scoped3A = arith.constant 0 : i32
    "tpu.region"() ({
      %run_scoped3A_64 = tpu.sem_alloc : memref<!tpu.dma_semaphore, #tpu.memory_space<semaphore_mem>>
      %dma_start3A_65 = arith.constant 0 : i32
      %dma_start3A_66 = arith.constant 0 : i32
      %dma_start3A_67 = arith.constant 0 : i32
      %dma_start3A_68 = tpu.memref_slice %arg6[%run_scoped3A, %dma_start3A_65, %dma_start3A_66, %dma_start3A_67] : memref<3x16x2x128xi32, #tpu.memory_space<vmem>> -> memref<1x16x2x128xi32, #tpu.memory_space<vmem>>
      %dma_start3A_69 = tpu.memref_squeeze %dma_start3A_68 : memref<1x16x2x128xi32, #tpu.memory_space<vmem>> -> memref<16x2x128xi32, #tpu.memory_space<vmem>>
      %dma_start3A_70 = arith.constant 0 : i32
      %dma_start3A_71 = arith.constant 0 : i32
      %dma_start3A_72 = arith.constant 0 : i32
      %dma_start3A_73 = tpu.memref_slice %arg3[%arg0, %arg1, %dma_start3A_70, %dma_start3A_71, %dma_start3A_72] : memref<2x16x160x2x128xi32, #tpu.memory_space<hbm>> -> memref<1x1x16x2x128xi32, #tpu.memory_space<hbm>>
      %dma_start3A_74 = tpu.memref_squeeze %dma_start3A_73 : memref<1x1x16x2x128xi32, #tpu.memory_space<hbm>> -> memref<16x2x128xi32, #tpu.memory_space<hbm>>
      %dma_start3A_75 = arith.constant 0 : i32
      %dma_start3A_76 = arith.constant 0 : i32
      %dma_start3A_77 = arith.constant 0 : i32
      %dma_start3A_78 = tpu.memref_slice %arg6[%run_scoped3A, %dma_start3A_75, %dma_start3A_76, %dma_start3A_77] : memref<3x16x2x128xi32, #tpu.memory_space<vmem>> -> memref<1x16x2x128xi32, #tpu.memory_space<vmem>>
      %dma_start3A_79 = tpu.memref_squeeze %dma_start3A_78 : memref<1x16x2x128xi32, #tpu.memory_space<vmem>> -> memref<16x2x128xi32, #tpu.memory_space<vmem>>
      %dma_start3A_80 = arith.constant 0 : i32
      %dma_start3A_81 = arith.constant 0 : i32
      %dma_start3A_82 = arith.constant 0 : i32
      %dma_start3A_83 = tpu.memref_slice %arg3[%arg0, %arg1, %dma_start3A_80, %dma_start3A_81, %dma_start3A_82] : memref<2x16x160x2x128xi32, #tpu.memory_space<hbm>> -> memref<1x1x16x2x128xi32, #tpu.memory_space<hbm>>
      %dma_start3A_84 = tpu.memref_squeeze %dma_start3A_83 : memref<1x1x16x2x128xi32, #tpu.memory_space<hbm>> -> memref<16x2x128xi32, #tpu.memory_space<hbm>>
      tpu.enqueue_dma source(%dma_start3A_84 : memref<16x2x128xi32, #tpu.memory_space<hbm>>) target(%dma_start3A_79 : memref<16x2x128xi32, #tpu.memory_space<vmem>>) target_semaphore(%run_scoped3A_64 : memref<!tpu.dma_semaphore, #tpu.memory_space<semaphore_mem>>)
      %dma_wait3A_85 = arith.constant 0 : i32
      %dma_wait3A_86 = arith.constant 0 : i32
      %dma_wait3A_87 = arith.constant 0 : i32
      %dma_wait3A_88 = tpu.memref_slice %arg6[%run_scoped3A, %dma_wait3A_85, %dma_wait3A_86, %dma_wait3A_87] : memref<3x16x2x128xi32, #tpu.memory_space<vmem>> -> memref<1x16x2x128xi32, #tpu.memory_space<vmem>>
      %dma_wait3A_89 = tpu.memref_squeeze %dma_wait3A_88 : memref<1x16x2x128xi32, #tpu.memory_space<vmem>> -> memref<16x2x128xi32, #tpu.memory_space<vmem>>
      %dma_wait3A_90 = arith.constant 0 : i32
      %dma_wait3A_91 = arith.constant 0 : i32
      %dma_wait3A_92 = arith.constant 0 : i32
      %dma_wait3A_93 = tpu.memref_slice %arg3[%arg0, %arg1, %dma_wait3A_90, %dma_wait3A_91, %dma_wait3A_92] : memref<2x16x160x2x128xi32, #tpu.memory_space<hbm>> -> memref<1x1x16x2x128xi32, #tpu.memory_space<hbm>>
      %dma_wait3A_94 = tpu.memref_squeeze %dma_wait3A_93 : memref<1x1x16x2x128xi32, #tpu.memory_space<hbm>> -> memref<16x2x128xi32, #tpu.memory_space<hbm>>
      %dma_wait3A_95 = arith.constant 0 : i32
      %dma_wait3A_96 = arith.constant 0 : i32
      %dma_wait3A_97 = arith.constant 0 : i32
      %dma_wait3A_98 = tpu.memref_slice %arg6[%run_scoped3A, %dma_wait3A_95, %dma_wait3A_96, %dma_wait3A_97] : memref<3x16x2x128xi32, #tpu.memory_space<vmem>> -> memref<1x16x2x128xi32, #tpu.memory_space<vmem>>
      %dma_wait3A_99 = tpu.memref_squeeze %dma_wait3A_98 : memref<1x16x2x128xi32, #tpu.memory_space<vmem>> -> memref<16x2x128xi32, #tpu.memory_space<vmem>>
      %dma_wait3A_100 = arith.constant 0 : i32
      %dma_wait3A_101 = arith.constant 0 : i32
      %dma_wait3A_102 = arith.constant 0 : i32
      %dma_wait3A_103 = tpu.memref_slice %arg3[%arg0, %arg1, %dma_wait3A_100, %dma_wait3A_101, %dma_wait3A_102] : memref<2x16x160x2x128xi32, #tpu.memory_space<hbm>> -> memref<1x1x16x2x128xi32, #tpu.memory_space<hbm>>
      %dma_wait3A_104 = tpu.memref_squeeze %dma_wait3A_103 : memref<1x1x16x2x128xi32, #tpu.memory_space<hbm>> -> memref<16x2x128xi32, #tpu.memory_space<hbm>>
      tpu.wait_dma2 semaphore(%run_scoped3A_64 : memref<!tpu.dma_semaphore, #tpu.memory_space<semaphore_mem>>) src(%dma_wait3A_104 : memref<16x2x128xi32, #tpu.memory_space<hbm>>) dst(%dma_wait3A_99 : memref<16x2x128xi32, #tpu.memory_space<vmem>>)
      tpu.yield
    }) : () -> ()
    %dma_start3A = arith.constant 1 : i32
    %dma_start3A_6 = arith.constant 0 : i32
    %dma_start3A_7 = arith.constant 0 : i32
    %dma_start3A_8 = arith.constant 0 : i32
    %dma_start3A_9 = tpu.memref_slice %arg6[%dma_start3A, %dma_start3A_6, %dma_start3A_7, %dma_start3A_8] : memref<3x16x2x128xi32, #tpu.memory_space<vmem>> -> memref<1x16x2x128xi32, #tpu.memory_space<vmem>>
    %dma_start3A_10 = tpu.memref_squeeze %dma_start3A_9 : memref<1x16x2x128xi32, #tpu.memory_space<vmem>> -> memref<16x2x128xi32, #tpu.memory_space<vmem>>
    %dma_start3A_11 = arith.constant 16 : i32
    %dma_start3A_12 = arith.constant 0 : i32
    %dma_start3A_13 = arith.constant 0 : i32
    %dma_start3A_14 = tpu.memref_slice %arg3[%arg0, %arg1, %dma_start3A_11, %dma_start3A_12, %dma_start3A_13] : memref<2x16x160x2x128xi32, #tpu.memory_space<hbm>> -> memref<1x1x16x2x128xi32, #tpu.memory_space<hbm>>
    %dma_start3A_15 = tpu.memref_squeeze %dma_start3A_14 : memref<1x1x16x2x128xi32, #tpu.memory_space<hbm>> -> memref<16x2x128xi32, #tpu.memory_space<hbm>>
    %dma_start3A_16 = arith.constant 0 : i32
    %dma_start3A_17 = arith.constant 0 : i32
    %dma_start3A_18 = arith.constant 0 : i32
    %dma_start3A_19 = tpu.memref_slice %arg6[%dma_start3A, %dma_start3A_16, %dma_start3A_17, %dma_start3A_18] : memref<3x16x2x128xi32, #tpu.memory_space<vmem>> -> memref<1x16x2x128xi32, #tpu.memory_space<vmem>>
    %dma_start3A_20 = tpu.memref_squeeze %dma_start3A_19 : memref<1x16x2x128xi32, #tpu.memory_space<vmem>> -> memref<16x2x128xi32, #tpu.memory_space<vmem>>
    %dma_start3A_21 = arith.constant 16 : i32
    %dma_start3A_22 = arith.constant 0 : i32
    %dma_start3A_23 = arith.constant 0 : i32
    %dma_start3A_24 = tpu.memref_slice %arg3[%arg0, %arg1, %dma_start3A_21, %dma_start3A_22, %dma_start3A_23] : memref<2x16x160x2x128xi32, #tpu.memory_space<hbm>> -> memref<1x1x16x2x128xi32, #tpu.memory_space<hbm>>
    %dma_start3A_25 = tpu.memref_squeeze %dma_start3A_24 : memref<1x1x16x2x128xi32, #tpu.memory_space<hbm>> -> memref<16x2x128xi32, #tpu.memory_space<hbm>>
    tpu.enqueue_dma source(%dma_start3A_25 : memref<16x2x128xi32, #tpu.memory_space<hbm>>) target(%dma_start3A_20 : memref<16x2x128xi32, #tpu.memory_space<vmem>>) target_semaphore(%arg12 : memref<!tpu.dma_semaphore, #tpu.memory_space<semaphore_mem>>)
    %barrier3A = arith.constant 0 : index
    tpu.barrier barrier_id(%barrier3A)
    %dma_start3A_26 = arith.constant 0 : i32
    %dma_start3A_27 = arith.constant 0 : i32
    %dma_start3A_28 = arith.constant 0 : i32
    %dma_start3A_29 = arith.constant 0 : i32
    %dma_start3A_30 = arith.constant 0 : i32
    %dma_start3A_31 = arith.constant 0 : i32
    %dma_start3A_32 = tpu.memref_slice %arg7[%dma_start3A_29, %dma_start3A_30, %dma_start3A_31] : memref<2x128x128xf32, #tpu.memory_space<vmem>> -> memref<1x128x128xf32, #tpu.memory_space<vmem>>
    %dma_start3A_33 = tpu.memref_squeeze %dma_start3A_32 : memref<1x128x128xf32, #tpu.memory_space<vmem>> -> memref<128x128xf32, #tpu.memory_space<vmem>>
    %dma_start3A_34 = arith.constant 0 : i32
    %dma_start3A_35 = tpu.memref_slice %arg6[%dma_start3A_26, %dma_start3A_27, %dma_start3A_28, %dma_start3A_34] : memref<3x16x2x128xi32, #tpu.memory_space<vmem>> -> memref<1x1x1x128xi32, #tpu.memory_space<vmem>>
    %dma_start3A_36 = tpu.memref_squeeze %dma_start3A_35 : memref<1x1x1x128xi32, #tpu.memory_space<vmem>> -> memref<128xi32, #tpu.memory_space<vmem>>
    %dma_start3A_37 = arith.constant 0 : i32
    %dma_start3A_38 = arith.constant 0 : i32
    %dma_start3A_39 = tpu.memref_slice %arg8[%dma_start3A_37, %dma_start3A_38] : memref<5120x128xf32, #tpu.memory_space<vmem_shared>> -> memref<5120x128xf32, #tpu.memory_space<vmem_shared>>
    tpu.enqueue_indirect_dma source(%dma_start3A_39 : memref<5120x128xf32, #tpu.memory_space<vmem_shared>>) target(%dma_start3A_33 : memref<128x128xf32, #tpu.memory_space<vmem>>) offsets(%dma_start3A_36 : memref<128xi32, #tpu.memory_space<vmem>>) semaphore(%arg10 : memref<!tpu.dma_semaphore, #tpu.memory_space<semaphore_mem>>)
    %scan3A = arith.constant 0 : i32
    %scan3A_40 = arith.constant 0 : i32
    %scan3A_41 = arith.constant 10 : i32
    %scan3A_42 = arith.addi %scan3A_40, %scan3A_41 : i32
    %scan3A_43 = arith.constant 1 : i32
    %scan3A_44 = scf.for %scan3A_64 = %scan3A_40 to %scan3A_42 step %scan3A_43 iter_args(%scan3A_65 = %scan3A) -> (i32)  : i32 {
      %rem3A = arith.constant 3 : i32
      %rem3A_66 = arith.remsi %scan3A_64, %rem3A : i32
      %add3A = arith.constant 1 : i32
      %add3A_67 = arith.addi %scan3A_64, %add3A : i32
      %rem3A_68 = arith.constant 3 : i32
      %rem3A_69 = arith.remsi %add3A_67, %rem3A_68 : i32
      %add3A_70 = arith.constant 2 : i32
      %add3A_71 = arith.addi %scan3A_64, %add3A_70 : i32
      %rem3A_72 = arith.constant 3 : i32
      %rem3A_73 = arith.remsi %add3A_71, %rem3A_72 : i32
      %scan3A_74 = arith.constant 0 : i32
      %scan3A_75 = arith.constant 0 : i32
      %scan3A_76 = arith.constant 16 : i32
      %scan3A_77 = arith.addi %scan3A_75, %scan3A_76 : i32
      %scan3A_78 = arith.constant 1 : i32
      %scan3A_79 = scf.for %scan3A_82 = %scan3A_75 to %scan3A_77 step %scan3A_78 iter_args(%scan3A_83 = %scan3A_74) -> (i32)  : i32 {
        %rem3A_84 = arith.constant 2 : i32
        %rem3A_85 = arith.remsi %scan3A_82, %rem3A_84 : i32
        %add3A_86 = arith.constant 1 : i32
        %add3A_87 = arith.addi %scan3A_82, %add3A_86 : i32
        %rem3A_88 = arith.constant 2 : i32
        %rem3A_89 = arith.remsi %add3A_87, %rem3A_88 : i32
        %eq3A = arith.constant 0 : i32
        %eq3A_90 = arith.cmpi eq, %scan3A_82, %eq3A : i32
        %ge3A = arith.constant 1 : i32
        %ge3A_91 = arith.cmpi sge, %scan3A_64, %ge3A : i32
        %and3A = arith.andi %eq3A_90, %ge3A_91 : i1
        %convert_element_type3A = arith.extui %and3A : i1 to i32
        %cond3A = arith.constant 0 : i32
        %cond3A_92 = arith.cmpi ne, %convert_element_type3A, %cond3A : i32
        scf.if %cond3A_92 {
          %dma_wait3A_155 = arith.constant 15 : i32
          %dma_wait3A_156 = arith.constant 1 : i32
          %dma_wait3A_157 = arith.constant 0 : i32
          %dma_wait3A_158 = arith.constant 0 : i32
          %dma_wait3A_159 = tpu.memref_slice %arg7[%rem3A_89, %dma_wait3A_157, %dma_wait3A_158] : memref<2x128x128xf32, #tpu.memory_space<vmem>> -> memref<1x128x128xf32, #tpu.memory_space<vmem>>
          %dma_wait3A_160 = tpu.memref_squeeze %dma_wait3A_159 : memref<1x128x128xf32, #tpu.memory_space<vmem>> -> memref<128x128xf32, #tpu.memory_space<vmem>>
          %dma_wait3A_161 = arith.constant 0 : i32
          %dma_wait3A_162 = tpu.memref_slice %arg6[%rem3A_73, %dma_wait3A_155, %dma_wait3A_156, %dma_wait3A_161] : memref<3x16x2x128xi32, #tpu.memory_space<vmem>> -> memref<1x1x1x128xi32, #tpu.memory_space<vmem>>
          %dma_wait3A_163 = tpu.memref_squeeze %dma_wait3A_162 : memref<1x1x1x128xi32, #tpu.memory_space<vmem>> -> memref<128xi32, #tpu.memory_space<vmem>>
          %dma_wait3A_164 = arith.constant 0 : i32
          %dma_wait3A_165 = arith.constant 0 : i32
          %dma_wait3A_166 = tpu.memref_slice %arg9[%dma_wait3A_164, %dma_wait3A_165] : memref<5120x128xf32, #tpu.memory_space<vmem_shared>> -> memref<5120x128xf32, #tpu.memory_space<vmem_shared>>
          tpu.wait_indirect_dma semaphore(%arg11 : memref<!tpu.dma_semaphore, #tpu.memory_space<semaphore_mem>>) src(%dma_wait3A_160 : memref<128x128xf32, #tpu.memory_space<vmem>>) dst(%dma_wait3A_166 : memref<5120x128xf32, #tpu.memory_space<vmem_shared>>)
        } else {
        }
        %ge3A_93 = arith.constant 1 : i32
        %ge3A_94 = arith.cmpi sge, %scan3A_82, %ge3A_93 : i32
        %convert_element_type3A_95 = arith.extui %ge3A_94 : i1 to i32
        %cond3A_96 = arith.constant 0 : i32
        %cond3A_97 = arith.cmpi ne, %convert_element_type3A_95, %cond3A_96 : i32
        scf.if %cond3A_97 {
          %sub3A_155 = arith.constant 1 : i32
          %sub3A_156 = arith.subi %scan3A_82, %sub3A_155 : i32
          %dma_wait3A_157 = arith.constant 1 : i32
          %dma_wait3A_158 = arith.constant 0 : i32
          %dma_wait3A_159 = arith.constant 0 : i32
          %dma_wait3A_160 = tpu.memref_slice %arg7[%rem3A_89, %dma_wait3A_158, %dma_wait3A_159] : memref<2x128x128xf32, #tpu.memory_space<vmem>> -> memref<1x128x128xf32, #tpu.memory_space<vmem>>
          %dma_wait3A_161 = tpu.memref_squeeze %dma_wait3A_160 : memref<1x128x128xf32, #tpu.memory_space<vmem>> -> memref<128x128xf32, #tpu.memory_space<vmem>>
          %dma_wait3A_162 = arith.constant 0 : i32
          %dma_wait3A_163 = tpu.memref_slice %arg6[%rem3A_66, %sub3A_156, %dma_wait3A_157, %dma_wait3A_162] : memref<3x16x2x128xi32, #tpu.memory_space<vmem>> -> memref<1x1x1x128xi32, #tpu.memory_space<vmem>>
          %dma_wait3A_164 = tpu.memref_squeeze %dma_wait3A_163 : memref<1x1x1x128xi32, #tpu.memory_space<vmem>> -> memref<128xi32, #tpu.memory_space<vmem>>
          %dma_wait3A_165 = arith.constant 0 : i32
          %dma_wait3A_166 = arith.constant 0 : i32
          %dma_wait3A_167 = tpu.memref_slice %arg9[%dma_wait3A_165, %dma_wait3A_166] : memref<5120x128xf32, #tpu.memory_space<vmem_shared>> -> memref<5120x128xf32, #tpu.memory_space<vmem_shared>>
          tpu.wait_indirect_dma semaphore(%arg11 : memref<!tpu.dma_semaphore, #tpu.memory_space<semaphore_mem>>) src(%dma_wait3A_161 : memref<128x128xf32, #tpu.memory_space<vmem>>) dst(%dma_wait3A_167 : memref<5120x128xf32, #tpu.memory_space<vmem_shared>>)
        } else {
        }
        %eq3A_98 = arith.constant 0 : i32
        %eq3A_99 = arith.cmpi eq, %scan3A_82, %eq3A_98 : i32
        %add3A_100 = arith.constant 1 : i32
        %add3A_101 = arith.addi %scan3A_64, %add3A_100 : i32
        %lt3A = arith.constant 10 : i32
        %lt3A_102 = arith.cmpi slt, %add3A_101, %lt3A : i32
        %and3A_103 = arith.andi %eq3A_99, %lt3A_102 : i1
        %convert_element_type3A_104 = arith.extui %and3A_103 : i1 to i32
        %cond3A_105 = arith.constant 0 : i32
        %cond3A_106 = arith.cmpi ne, %convert_element_type3A_104, %cond3A_105 : i32
        scf.if %cond3A_106 {
          %dma_wait3A_155 = arith.constant 0 : i32
          %dma_wait3A_156 = arith.constant 0 : i32
          %dma_wait3A_157 = arith.constant 0 : i32
          %dma_wait3A_158 = arith.constant 0 : i32
          %dma_wait3A_159 = tpu.memref_slice %arg6[%dma_wait3A_155, %dma_wait3A_156, %dma_wait3A_157, %dma_wait3A_158] : memref<3x16x2x128xi32, #tpu.memory_space<vmem>> -> memref<1x16x2x128xi32, #tpu.memory_space<vmem>>
          %dma_wait3A_160 = tpu.memref_squeeze %dma_wait3A_159 : memref<1x16x2x128xi32, #tpu.memory_space<vmem>> -> memref<16x2x128xi32, #tpu.memory_space<vmem>>
          %dma_wait3A_161 = arith.constant 0 : i32
          %dma_wait3A_162 = arith.constant 0 : i32
          %dma_wait3A_163 = arith.constant 0 : i32
          %dma_wait3A_164 = tpu.memref_slice %arg3[%arg0, %arg1, %dma_wait3A_161, %dma_wait3A_162, %dma_wait3A_163] : memref<2x16x160x2x128xi32, #tpu.memory_space<hbm>> -> memref<1x1x16x2x128xi32, #tpu.memory_space<hbm>>
          %dma_wait3A_165 = tpu.memref_squeeze %dma_wait3A_164 : memref<1x1x16x2x128xi32, #tpu.memory_space<hbm>> -> memref<16x2x128xi32, #tpu.memory_space<hbm>>
          %dma_wait3A_166 = arith.constant 0 : i32
          %dma_wait3A_167 = arith.constant 0 : i32
          %dma_wait3A_168 = arith.constant 0 : i32
          %dma_wait3A_169 = tpu.memref_slice %arg6[%dma_wait3A_155, %dma_wait3A_166, %dma_wait3A_167, %dma_wait3A_168] : memref<3x16x2x128xi32, #tpu.memory_space<vmem>> -> memref<1x16x2x128xi32, #tpu.memory_space<vmem>>
          %dma_wait3A_170 = tpu.memref_squeeze %dma_wait3A_169 : memref<1x16x2x128xi32, #tpu.memory_space<vmem>> -> memref<16x2x128xi32, #tpu.memory_space<vmem>>
          %dma_wait3A_171 = arith.constant 0 : i32
          %dma_wait3A_172 = arith.constant 0 : i32
          %dma_wait3A_173 = arith.constant 0 : i32
          %dma_wait3A_174 = tpu.memref_slice %arg3[%arg0, %arg1, %dma_wait3A_171, %dma_wait3A_172, %dma_wait3A_173] : memref<2x16x160x2x128xi32, #tpu.memory_space<hbm>> -> memref<1x1x16x2x128xi32, #tpu.memory_space<hbm>>
          %dma_wait3A_175 = tpu.memref_squeeze %dma_wait3A_174 : memref<1x1x16x2x128xi32, #tpu.memory_space<hbm>> -> memref<16x2x128xi32, #tpu.memory_space<hbm>>
          tpu.wait_dma2 semaphore(%arg12 : memref<!tpu.dma_semaphore, #tpu.memory_space<semaphore_mem>>) src(%dma_wait3A_175 : memref<16x2x128xi32, #tpu.memory_space<hbm>>) dst(%dma_wait3A_170 : memref<16x2x128xi32, #tpu.memory_space<vmem>>)
        } else {
        }
        %eq3A_107 = arith.constant 2 : i32
        %eq3A_108 = arith.cmpi eq, %scan3A_82, %eq3A_107 : i32
        %add3A_109 = arith.constant 2 : i32
        %add3A_110 = arith.addi %scan3A_64, %add3A_109 : i32
        %lt3A_111 = arith.constant 10 : i32
        %lt3A_112 = arith.cmpi slt, %add3A_110, %lt3A_111 : i32
        %and3A_113 = arith.andi %eq3A_108, %lt3A_112 : i1
        %convert_element_type3A_114 = arith.extui %and3A_113 : i1 to i32
        %cond3A_115 = arith.constant 0 : i32
        %cond3A_116 = arith.cmpi ne, %convert_element_type3A_114, %cond3A_115 : i32
        scf.if %cond3A_116 {
          %add3A_155 = arith.constant 2 : i32
          %add3A_156 = arith.addi %scan3A_64, %add3A_155 : i32
          %mul3A_157 = arith.constant 16 : i32
          %mul3A_158 = arith.muli %add3A_156, %mul3A_157 : i32
          %dma_start3A_159 = arith.constant 0 : i32
          %dma_start3A_160 = arith.constant 0 : i32
          %dma_start3A_161 = arith.constant 0 : i32
          %dma_start3A_162 = tpu.memref_slice %arg6[%rem3A_73, %dma_start3A_159, %dma_start3A_160, %dma_start3A_161] : memref<3x16x2x128xi32, #tpu.memory_space<vmem>> -> memref<1x16x2x128xi32, #tpu.memory_space<vmem>>
          %dma_start3A_163 = tpu.memref_squeeze %dma_start3A_162 : memref<1x16x2x128xi32, #tpu.memory_space<vmem>> -> memref<16x2x128xi32, #tpu.memory_space<vmem>>
          %dma_start3A_164 = arith.constant 0 : i32
          %dma_start3A_165 = arith.constant 0 : i32
          %dma_start3A_166 = tpu.memref_slice %arg3[%arg0, %arg1, %mul3A_158, %dma_start3A_164, %dma_start3A_165] : memref<2x16x160x2x128xi32, #tpu.memory_space<hbm>> -> memref<1x1x16x2x128xi32, #tpu.memory_space<hbm>>
          %dma_start3A_167 = tpu.memref_squeeze %dma_start3A_166 : memref<1x1x16x2x128xi32, #tpu.memory_space<hbm>> -> memref<16x2x128xi32, #tpu.memory_space<hbm>>
          %dma_start3A_168 = arith.constant 0 : i32
          %dma_start3A_169 = arith.constant 0 : i32
          %dma_start3A_170 = arith.constant 0 : i32
          %dma_start3A_171 = tpu.memref_slice %arg6[%rem3A_73, %dma_start3A_168, %dma_start3A_169, %dma_start3A_170] : memref<3x16x2x128xi32, #tpu.memory_space<vmem>> -> memref<1x16x2x128xi32, #tpu.memory_space<vmem>>
          %dma_start3A_172 = tpu.memref_squeeze %dma_start3A_171 : memref<1x16x2x128xi32, #tpu.memory_space<vmem>> -> memref<16x2x128xi32, #tpu.memory_space<vmem>>
          %dma_start3A_173 = arith.constant 0 : i32
          %dma_start3A_174 = arith.constant 0 : i32
          %dma_start3A_175 = tpu.memref_slice %arg3[%arg0, %arg1, %mul3A_158, %dma_start3A_173, %dma_start3A_174] : memref<2x16x160x2x128xi32, #tpu.memory_space<hbm>> -> memref<1x1x16x2x128xi32, #tpu.memory_space<hbm>>
          %dma_start3A_176 = tpu.memref_squeeze %dma_start3A_175 : memref<1x1x16x2x128xi32, #tpu.memory_space<hbm>> -> memref<16x2x128xi32, #tpu.memory_space<hbm>>
          tpu.enqueue_dma source(%dma_start3A_176 : memref<16x2x128xi32, #tpu.memory_space<hbm>>) target(%dma_start3A_172 : memref<16x2x128xi32, #tpu.memory_space<vmem>>) target_semaphore(%arg12 : memref<!tpu.dma_semaphore, #tpu.memory_space<semaphore_mem>>)
        } else {
        }
        %lt3A_117 = arith.constant 15 : i32
        %lt3A_118 = arith.cmpi slt, %scan3A_82, %lt3A_117 : i32
        %convert_element_type3A_119 = arith.extui %lt3A_118 : i1 to i32
        %cond3A_120 = arith.constant 0 : i32
        %cond3A_121 = arith.cmpi ne, %convert_element_type3A_119, %cond3A_120 : i32
        scf.if %cond3A_121 {
          %add3A_155 = arith.constant 1 : i32
          %add3A_156 = arith.addi %scan3A_82, %add3A_155 : i32
          %dma_start3A_157 = arith.constant 0 : i32
          %dma_start3A_158 = arith.constant 0 : i32
          %dma_start3A_159 = arith.constant 0 : i32
          %dma_start3A_160 = tpu.memref_slice %arg7[%rem3A_89, %dma_start3A_158, %dma_start3A_159] : memref<2x128x128xf32, #tpu.memory_space<vmem>> -> memref<1x128x128xf32, #tpu.memory_space<vmem>>
          %dma_start3A_161 = tpu.memref_squeeze %dma_start3A_160 : memref<1x128x128xf32, #tpu.memory_space<vmem>> -> memref<128x128xf32, #tpu.memory_space<vmem>>
          %dma_start3A_162 = arith.constant 0 : i32
          %dma_start3A_163 = tpu.memref_slice %arg6[%rem3A_66, %add3A_156, %dma_start3A_157, %dma_start3A_162] : memref<3x16x2x128xi32, #tpu.memory_space<vmem>> -> memref<1x1x1x128xi32, #tpu.memory_space<vmem>>
          %dma_start3A_164 = tpu.memref_squeeze %dma_start3A_163 : memref<1x1x1x128xi32, #tpu.memory_space<vmem>> -> memref<128xi32, #tpu.memory_space<vmem>>
          %dma_start3A_165 = arith.constant 0 : i32
          %dma_start3A_166 = arith.constant 0 : i32
          %dma_start3A_167 = tpu.memref_slice %arg8[%dma_start3A_165, %dma_start3A_166] : memref<5120x128xf32, #tpu.memory_space<vmem_shared>> -> memref<5120x128xf32, #tpu.memory_space<vmem_shared>>
          tpu.enqueue_indirect_dma source(%dma_start3A_167 : memref<5120x128xf32, #tpu.memory_space<vmem_shared>>) target(%dma_start3A_161 : memref<128x128xf32, #tpu.memory_space<vmem>>) offsets(%dma_start3A_164 : memref<128xi32, #tpu.memory_space<vmem>>) semaphore(%arg10 : memref<!tpu.dma_semaphore, #tpu.memory_space<semaphore_mem>>)
        } else {
        }
        %eq3A_122 = arith.constant 15 : i32
        %eq3A_123 = arith.cmpi eq, %scan3A_82, %eq3A_122 : i32
        %add3A_124 = arith.constant 1 : i32
        %add3A_125 = arith.addi %scan3A_64, %add3A_124 : i32
        %lt3A_126 = arith.constant 10 : i32
        %lt3A_127 = arith.cmpi slt, %add3A_125, %lt3A_126 : i32
        %and3A_128 = arith.andi %eq3A_123, %lt3A_127 : i1
        %convert_element_type3A_129 = arith.extui %and3A_128 : i1 to i32
        %cond3A_130 = arith.constant 0 : i32
        %cond3A_131 = arith.cmpi ne, %convert_element_type3A_129, %cond3A_130 : i32
        scf.if %cond3A_131 {
          %dma_start3A_155 = arith.constant 0 : i32
          %dma_start3A_156 = arith.constant 0 : i32
          %dma_start3A_157 = arith.constant 0 : i32
          %dma_start3A_158 = arith.constant 0 : i32
          %dma_start3A_159 = tpu.memref_slice %arg7[%rem3A_89, %dma_start3A_157, %dma_start3A_158] : memref<2x128x128xf32, #tpu.memory_space<vmem>> -> memref<1x128x128xf32, #tpu.memory_space<vmem>>
          %dma_start3A_160 = tpu.memref_squeeze %dma_start3A_159 : memref<1x128x128xf32, #tpu.memory_space<vmem>> -> memref<128x128xf32, #tpu.memory_space<vmem>>
          %dma_start3A_161 = arith.constant 0 : i32
          %dma_start3A_162 = tpu.memref_slice %arg6[%rem3A_69, %dma_start3A_155, %dma_start3A_156, %dma_start3A_161] : memref<3x16x2x128xi32, #tpu.memory_space<vmem>> -> memref<1x1x1x128xi32, #tpu.memory_space<vmem>>
          %dma_start3A_163 = tpu.memref_squeeze %dma_start3A_162 : memref<1x1x1x128xi32, #tpu.memory_space<vmem>> -> memref<128xi32, #tpu.memory_space<vmem>>
          %dma_start3A_164 = arith.constant 0 : i32
          %dma_start3A_165 = arith.constant 0 : i32
          %dma_start3A_166 = tpu.memref_slice %arg8[%dma_start3A_164, %dma_start3A_165] : memref<5120x128xf32, #tpu.memory_space<vmem_shared>> -> memref<5120x128xf32, #tpu.memory_space<vmem_shared>>
          tpu.enqueue_indirect_dma source(%dma_start3A_166 : memref<5120x128xf32, #tpu.memory_space<vmem_shared>>) target(%dma_start3A_160 : memref<128x128xf32, #tpu.memory_space<vmem>>) offsets(%dma_start3A_163 : memref<128xi32, #tpu.memory_space<vmem>>) semaphore(%arg10 : memref<!tpu.dma_semaphore, #tpu.memory_space<semaphore_mem>>)
        } else {
        }
        %dma_wait3A_132 = arith.constant 0 : i32
        %dma_wait3A_133 = arith.constant 0 : i32
        %dma_wait3A_134 = arith.constant 0 : i32
        %dma_wait3A_135 = tpu.memref_slice %arg7[%rem3A_85, %dma_wait3A_133, %dma_wait3A_134] : memref<2x128x128xf32, #tpu.memory_space<vmem>> -> memref<1x128x128xf32, #tpu.memory_space<vmem>>
        %dma_wait3A_136 = tpu.memref_squeeze %dma_wait3A_135 : memref<1x128x128xf32, #tpu.memory_space<vmem>> -> memref<128x128xf32, #tpu.memory_space<vmem>>
        %dma_wait3A_137 = arith.constant 0 : i32
        %dma_wait3A_138 = tpu.memref_slice %arg6[%rem3A_66, %scan3A_82, %dma_wait3A_132, %dma_wait3A_137] : memref<3x16x2x128xi32, #tpu.memory_space<vmem>> -> memref<1x1x1x128xi32, #tpu.memory_space<vmem>>
        %dma_wait3A_139 = tpu.memref_squeeze %dma_wait3A_138 : memref<1x1x1x128xi32, #tpu.memory_space<vmem>> -> memref<128xi32, #tpu.memory_space<vmem>>
        %dma_wait3A_140 = arith.constant 0 : i32
        %dma_wait3A_141 = arith.constant 0 : i32
        %dma_wait3A_142 = tpu.memref_slice %arg8[%dma_wait3A_140, %dma_wait3A_141] : memref<5120x128xf32, #tpu.memory_space<vmem_shared>> -> memref<5120x128xf32, #tpu.memory_space<vmem_shared>>
        tpu.wait_indirect_dma semaphore(%arg10 : memref<!tpu.dma_semaphore, #tpu.memory_space<semaphore_mem>>) src(%dma_wait3A_142 : memref<5120x128xf32, #tpu.memory_space<vmem_shared>>) dst(%dma_wait3A_136 : memref<128x128xf32, #tpu.memory_space<vmem>>)
        %dma_start3A_143 = arith.constant 1 : i32
        %dma_start3A_144 = arith.constant 0 : i32
        %dma_start3A_145 = arith.constant 0 : i32
        %dma_start3A_146 = tpu.memref_slice %arg7[%rem3A_85, %dma_start3A_144, %dma_start3A_145] : memref<2x128x128xf32, #tpu.memory_space<vmem>> -> memref<1x128x128xf32, #tpu.memory_space<vmem>>
        %dma_start3A_147 = tpu.memref_squeeze %dma_start3A_146 : memref<1x128x128xf32, #tpu.memory_space<vmem>> -> memref<128x128xf32, #tpu.memory_space<vmem>>
        %dma_start3A_148 = arith.constant 0 : i32
        %dma_start3A_149 = tpu.memref_slice %arg6[%rem3A_66, %scan3A_82, %dma_start3A_143, %dma_start3A_148] : memref<3x16x2x128xi32, #tpu.memory_space<vmem>> -> memref<1x1x1x128xi32, #tpu.memory_space<vmem>>
        %dma_start3A_150 = tpu.memref_squeeze %dma_start3A_149 : memref<1x1x1x128xi32, #tpu.memory_space<vmem>> -> memref<128xi32, #tpu.memory_space<vmem>>
        %dma_start3A_151 = arith.constant 0 : i32
        %dma_start3A_152 = arith.constant 0 : i32
        %dma_start3A_153 = tpu.memref_slice %arg9[%dma_start3A_151, %dma_start3A_152] : memref<5120x128xf32, #tpu.memory_space<vmem_shared>> -> memref<5120x128xf32, #tpu.memory_space<vmem_shared>>
        tpu.enqueue_indirect_dma source(%dma_start3A_147 : memref<128x128xf32, #tpu.memory_space<vmem>>) target(%dma_start3A_153 : memref<5120x128xf32, #tpu.memory_space<vmem_shared>>) offsets(%dma_start3A_150 : memref<128xi32, #tpu.memory_space<vmem>>) semaphore(%arg11 : memref<!tpu.dma_semaphore, #tpu.memory_space<semaphore_mem>>) {add = true}
        %scan3A_154 = arith.constant 0 : i32
        scf.yield %scan3A_154 : i32
      }
      %scan3A_80 = arith.constant 16 : i32
      %scan3A_81 = arith.constant 0 : i32
      scf.yield %scan3A_81 : i32
    }
    %scan3A_45 = arith.constant 10 : i32
    %dma_wait3A = arith.constant 0 : i32
    %dma_wait3A_46 = arith.constant 0 : i32
    %dma_wait3A_47 = arith.constant 0 : i32
    %dma_wait3A_48 = arith.constant 1 : i32
    %dma_wait3A_49 = arith.constant 0 : i32
    %dma_wait3A_50 = arith.constant 0 : i32
    %dma_wait3A_51 = tpu.memref_slice %arg7[%dma_wait3A, %dma_wait3A_49, %dma_wait3A_50] : memref<2x128x128xf32, #tpu.memory_space<vmem>> -> memref<1x128x128xf32, #tpu.memory_space<vmem>>
    %dma_wait3A_52 = tpu.memref_squeeze %dma_wait3A_51 : memref<1x128x128xf32, #tpu.memory_space<vmem>> -> memref<128x128xf32, #tpu.memory_space<vmem>>
    %dma_wait3A_53 = arith.constant 0 : i32
    %dma_wait3A_54 = tpu.memref_slice %arg6[%dma_wait3A_46, %dma_wait3A_47, %dma_wait3A_48, %dma_wait3A_53] : memref<3x16x2x128xi32, #tpu.memory_space<vmem>> -> memref<1x1x1x128xi32, #tpu.memory_space<vmem>>
    %dma_wait3A_55 = tpu.memref_squeeze %dma_wait3A_54 : memref<1x1x1x128xi32, #tpu.memory_space<vmem>> -> memref<128xi32, #tpu.memory_space<vmem>>
    %dma_wait3A_56 = arith.constant 0 : i32
    %dma_wait3A_57 = arith.constant 0 : i32
    %dma_wait3A_58 = tpu.memref_slice %arg9[%dma_wait3A_56, %dma_wait3A_57] : memref<5120x128xf32, #tpu.memory_space<vmem_shared>> -> memref<5120x128xf32, #tpu.memory_space<vmem_shared>>
    tpu.wait_indirect_dma semaphore(%arg11 : memref<!tpu.dma_semaphore, #tpu.memory_space<semaphore_mem>>) src(%dma_wait3A_52 : memref<128x128xf32, #tpu.memory_space<vmem>>) dst(%dma_wait3A_58 : memref<5120x128xf32, #tpu.memory_space<vmem_shared>>)
    %barrier3A_59 = arith.constant 0 : index
    tpu.barrier barrier_id(%barrier3A_59)
    %mul3A_60 = arith.constant 320 : i32
    %mul3A_61 = arith.muli %arg1, %mul3A_60 : i32
    %mul3A_62 = arith.constant 320 : i32
    %mul3A_63 = arith.muli %arg1, %mul3A_62 : i32
    "tpu.region"() ({
      %run_scoped3A_64 = tpu.sem_alloc : memref<!tpu.dma_semaphore, #tpu.memory_space<semaphore_mem>>
      %dma_start3A_65 = arith.constant 0 : i32
      %dma_start3A_66 = tpu.memref_slice %arg5[%arg0, %mul3A_63, %dma_start3A_65] : memref<2x5120x128xf32, #tpu.memory_space<hbm>> -> memref<1x320x128xf32, #tpu.memory_space<hbm>>
      %dma_start3A_67 = tpu.memref_squeeze %dma_start3A_66 : memref<1x320x128xf32, #tpu.memory_space<hbm>> -> memref<320x128xf32, #tpu.memory_space<hbm>>
      %dma_start3A_68 = arith.constant 0 : i32
      %dma_start3A_69 = tpu.memref_slice %arg9[%mul3A_61, %dma_start3A_68] : memref<5120x128xf32, #tpu.memory_space<vmem_shared>> -> memref<320x128xf32, #tpu.memory_space<vmem_shared>>
      tpu.enqueue_dma source(%dma_start3A_69 : memref<320x128xf32, #tpu.memory_space<vmem_shared>>) target(%dma_start3A_67 : memref<320x128xf32, #tpu.memory_space<hbm>>) target_semaphore(%run_scoped3A_64 : memref<!tpu.dma_semaphore, #tpu.memory_space<semaphore_mem>>)
      %dma_wait3A_70 = arith.constant 0 : i32
      %dma_wait3A_71 = tpu.memref_slice %arg5[%arg0, %mul3A_63, %dma_wait3A_70] : memref<2x5120x128xf32, #tpu.memory_space<hbm>> -> memref<1x320x128xf32, #tpu.memory_space<hbm>>
      %dma_wait3A_72 = tpu.memref_squeeze %dma_wait3A_71 : memref<1x320x128xf32, #tpu.memory_space<hbm>> -> memref<320x128xf32, #tpu.memory_space<hbm>>
      %dma_wait3A_73 = arith.constant 0 : i32
      %dma_wait3A_74 = tpu.memref_slice %arg9[%mul3A_61, %dma_wait3A_73] : memref<5120x128xf32, #tpu.memory_space<vmem_shared>> -> memref<320x128xf32, #tpu.memory_space<vmem_shared>>
      tpu.wait_dma2 semaphore(%run_scoped3A_64 : memref<!tpu.dma_semaphore, #tpu.memory_space<semaphore_mem>>) src(%dma_wait3A_74 : memref<320x128xf32, #tpu.memory_space<vmem_shared>>) dst(%dma_wait3A_72 : memref<320x128xf32, #tpu.memory_space<hbm>>)
      tpu.yield
    }) : () -> ()
    return
  }
}

#map = affine_map<(d0, d1) -> (0, 0, 0)>
#map1 = affine_map<(d0, d1) -> (0, 0, 0, 0, 0)>
#map2 = affine_map<(d0, d1) -> (0, 0)>
module attributes {stable_mosaic.version = 14 : i64} {
  func.func @_spmm_sc_body(%arg0: i32, %arg1: i32, %arg2: memref<2x5120x128xf32, #tpu.memory_space<hbm>>, %arg3: memref<2x16x160x2x128xi32, #tpu.memory_space<hbm>>, %arg4: memref<320x128xf32, #tpu.memory_space<hbm>>, %arg5: memref<2x5120x128xf32, #tpu.memory_space<hbm>>, %arg6: memref<3x16x2x128xi32, #tpu.memory_space<vmem>>, %arg7: memref<2x128x128xf32, #tpu.memory_space<vmem>>, %arg8: memref<5120x128xf32, #tpu.memory_space<vmem_shared>>, %arg9: memref<5120x128xf32, #tpu.memory_space<vmem_shared>>, %arg10: memref<!tpu.dma_semaphore, #tpu.memory_space<semaphore_mem>>, %arg11: memref<!tpu.dma_semaphore, #tpu.memory_space<semaphore_mem>>, %arg12: memref<!tpu.dma_semaphore, #tpu.memory_space<semaphore_mem>>) attributes {dimension_semantics = [#tpu.dimension_semantics<core_parallel>, #tpu.dimension_semantics<subcore_parallel>], iteration_bounds = array<i64: 2, 16>, scalar_prefetch = 0 : i64, scratch_operands = 7 : i64, tpu.core_type = #tpu.core_type<sc_vector_subcore>, window_params = [{transform_indices = #map}, {transform_indices = #map1}, {transform_indices = #map2}, {transform_indices = #map}]} {
    %sub3A = arith.constant 1 : i32
    %sub3A_0 = arith.subi %sub3A, %arg0 : i32
    %mul3A = arith.constant 320 : i32
    %mul3A_1 = arith.muli %arg1, %mul3A : i32
    %mul3A_2 = arith.constant 320 : i32
    %mul3A_3 = arith.muli %arg1, %mul3A_2 : i32
    "tpu.region"() ({
      %run_scoped3A_64 = tpu.sem_alloc : memref<!tpu.dma_semaphore, #tpu.memory_space<semaphore_mem>>
      %dma_start3A_65 = arith.constant 0 : i32
      %dma_start3A_66 = tpu.memref_slice %arg8[%mul3A_3, %dma_start3A_65] : memref<5120x128xf32, #tpu.memory_space<vmem_shared>> -> memref<320x128xf32, #tpu.memory_space<vmem_shared>>
      %dma_start3A_67 = arith.constant 0 : i32
      %dma_start3A_68 = tpu.memref_slice %arg2[%sub3A_0, %mul3A_1, %dma_start3A_67] : memref<2x5120x128xf32, #tpu.memory_space<hbm>> -> memref<1x320x128xf32, #tpu.memory_space<hbm>>
      %dma_start3A_69 = tpu.memref_squeeze %dma_start3A_68 : memref<1x320x128xf32, #tpu.memory_space<hbm>> -> memref<320x128xf32, #tpu.memory_space<hbm>>
      tpu.enqueue_dma source(%dma_start3A_69 : memref<320x128xf32, #tpu.memory_space<hbm>>) target(%dma_start3A_66 : memref<320x128xf32, #tpu.memory_space<vmem_shared>>) target_semaphore(%run_scoped3A_64 : memref<!tpu.dma_semaphore, #tpu.memory_space<semaphore_mem>>)
      %dma_wait3A_70 = arith.constant 0 : i32
      %dma_wait3A_71 = tpu.memref_slice %arg8[%mul3A_3, %dma_wait3A_70] : memref<5120x128xf32, #tpu.memory_space<vmem_shared>> -> memref<320x128xf32, #tpu.memory_space<vmem_shared>>
      %dma_wait3A_72 = arith.constant 0 : i32
      %dma_wait3A_73 = tpu.memref_slice %arg2[%sub3A_0, %mul3A_1, %dma_wait3A_72] : memref<2x5120x128xf32, #tpu.memory_space<hbm>> -> memref<1x320x128xf32, #tpu.memory_space<hbm>>
      %dma_wait3A_74 = tpu.memref_squeeze %dma_wait3A_73 : memref<1x320x128xf32, #tpu.memory_space<hbm>> -> memref<320x128xf32, #tpu.memory_space<hbm>>
      tpu.wait_dma2 semaphore(%run_scoped3A_64 : memref<!tpu.dma_semaphore, #tpu.memory_space<semaphore_mem>>) src(%dma_wait3A_74 : memref<320x128xf32, #tpu.memory_space<hbm>>) dst(%dma_wait3A_71 : memref<320x128xf32, #tpu.memory_space<vmem_shared>>)
      tpu.yield
    }) : () -> ()
    %mul3A_4 = arith.constant 320 : i32
    %mul3A_5 = arith.muli %arg1, %mul3A_4 : i32
    "tpu.region"() ({
      %run_scoped3A_64 = tpu.sem_alloc : memref<!tpu.dma_semaphore, #tpu.memory_space<semaphore_mem>>
      %dma_start3A_65 = arith.constant 0 : i32
      %dma_start3A_66 = tpu.memref_slice %arg9[%mul3A_5, %dma_start3A_65] : memref<5120x128xf32, #tpu.memory_space<vmem_shared>> -> memref<320x128xf32, #tpu.memory_space<vmem_shared>>
      tpu.enqueue_dma source(%arg4 : memref<320x128xf32, #tpu.memory_space<hbm>>) target(%dma_start3A_66 : memref<320x128xf32, #tpu.memory_space<vmem_shared>>) target_semaphore(%run_scoped3A_64 : memref<!tpu.dma_semaphore, #tpu.memory_space<semaphore_mem>>)
      %dma_wait3A_67 = arith.constant 0 : i32
      %dma_wait3A_68 = tpu.memref_slice %arg9[%mul3A_5, %dma_wait3A_67] : memref<5120x128xf32, #tpu.memory_space<vmem_shared>> -> memref<320x128xf32, #tpu.memory_space<vmem_shared>>
      tpu.wait_dma2 semaphore(%run_scoped3A_64 : memref<!tpu.dma_semaphore, #tpu.memory_space<semaphore_mem>>) src(%arg4 : memref<320x128xf32, #tpu.memory_space<hbm>>) dst(%dma_wait3A_68 : memref<320x128xf32, #tpu.memory_space<vmem_shared>>)
      tpu.yield
    }) : () -> ()
    %run_scoped3A = arith.constant 0 : i32
    "tpu.region"() ({
      %run_scoped3A_64 = tpu.sem_alloc : memref<!tpu.dma_semaphore, #tpu.memory_space<semaphore_mem>>
      %dma_start3A_65 = arith.constant 0 : i32
      %dma_start3A_66 = arith.constant 0 : i32
      %dma_start3A_67 = arith.constant 0 : i32
      %dma_start3A_68 = tpu.memref_slice %arg6[%run_scoped3A, %dma_start3A_65, %dma_start3A_66, %dma_start3A_67] : memref<3x16x2x128xi32, #tpu.memory_space<vmem>> -> memref<1x16x2x128xi32, #tpu.memory_space<vmem>>
      %dma_start3A_69 = tpu.memref_squeeze %dma_start3A_68 : memref<1x16x2x128xi32, #tpu.memory_space<vmem>> -> memref<16x2x128xi32, #tpu.memory_space<vmem>>
      %dma_start3A_70 = arith.constant 0 : i32
      %dma_start3A_71 = arith.constant 0 : i32
      %dma_start3A_72 = arith.constant 0 : i32
      %dma_start3A_73 = tpu.memref_slice %arg3[%arg0, %arg1, %dma_start3A_70, %dma_start3A_71, %dma_start3A_72] : memref<2x16x160x2x128xi32, #tpu.memory_space<hbm>> -> memref<1x1x16x2x128xi32, #tpu.memory_space<hbm>>
      %dma_start3A_74 = tpu.memref_squeeze %dma_start3A_73 : memref<1x1x16x2x128xi32, #tpu.memory_space<hbm>> -> memref<16x2x128xi32, #tpu.memory_space<hbm>>
      %dma_start3A_75 = arith.constant 0 : i32
      %dma_start3A_76 = arith.constant 0 : i32
      %dma_start3A_77 = arith.constant 0 : i32
      %dma_start3A_78 = tpu.memref_slice %arg6[%run_scoped3A, %dma_start3A_75, %dma_start3A_76, %dma_start3A_77] : memref<3x16x2x128xi32, #tpu.memory_space<vmem>> -> memref<1x16x2x128xi32, #tpu.memory_space<vmem>>
      %dma_start3A_79 = tpu.memref_squeeze %dma_start3A_78 : memref<1x16x2x128xi32, #tpu.memory_space<vmem>> -> memref<16x2x128xi32, #tpu.memory_space<vmem>>
      %dma_start3A_80 = arith.constant 0 : i32
      %dma_start3A_81 = arith.constant 0 : i32
      %dma_start3A_82 = arith.constant 0 : i32
      %dma_start3A_83 = tpu.memref_slice %arg3[%arg0, %arg1, %dma_start3A_80, %dma_start3A_81, %dma_start3A_82] : memref<2x16x160x2x128xi32, #tpu.memory_space<hbm>> -> memref<1x1x16x2x128xi32, #tpu.memory_space<hbm>>
      %dma_start3A_84 = tpu.memref_squeeze %dma_start3A_83 : memref<1x1x16x2x128xi32, #tpu.memory_space<hbm>> -> memref<16x2x128xi32, #tpu.memory_space<hbm>>
      tpu.enqueue_dma source(%dma_start3A_84 : memref<16x2x128xi32, #tpu.memory_space<hbm>>) target(%dma_start3A_79 : memref<16x2x128xi32, #tpu.memory_space<vmem>>) target_semaphore(%run_scoped3A_64 : memref<!tpu.dma_semaphore, #tpu.memory_space<semaphore_mem>>)
      %dma_wait3A_85 = arith.constant 0 : i32
      %dma_wait3A_86 = arith.constant 0 : i32
      %dma_wait3A_87 = arith.constant 0 : i32
      %dma_wait3A_88 = tpu.memref_slice %arg6[%run_scoped3A, %dma_wait3A_85, %dma_wait3A_86, %dma_wait3A_87] : memref<3x16x2x128xi32, #tpu.memory_space<vmem>> -> memref<1x16x2x128xi32, #tpu.memory_space<vmem>>
      %dma_wait3A_89 = tpu.memref_squeeze %dma_wait3A_88 : memref<1x16x2x128xi32, #tpu.memory_space<vmem>> -> memref<16x2x128xi32, #tpu.memory_space<vmem>>
      %dma_wait3A_90 = arith.constant 0 : i32
      %dma_wait3A_91 = arith.constant 0 : i32
      %dma_wait3A_92 = arith.constant 0 : i32
      %dma_wait3A_93 = tpu.memref_slice %arg3[%arg0, %arg1, %dma_wait3A_90, %dma_wait3A_91, %dma_wait3A_92] : memref<2x16x160x2x128xi32, #tpu.memory_space<hbm>> -> memref<1x1x16x2x128xi32, #tpu.memory_space<hbm>>
      %dma_wait3A_94 = tpu.memref_squeeze %dma_wait3A_93 : memref<1x1x16x2x128xi32, #tpu.memory_space<hbm>> -> memref<16x2x128xi32, #tpu.memory_space<hbm>>
      %dma_wait3A_95 = arith.constant 0 : i32
      %dma_wait3A_96 = arith.constant 0 : i32
      %dma_wait3A_97 = arith.constant 0 : i32
      %dma_wait3A_98 = tpu.memref_slice %arg6[%run_scoped3A, %dma_wait3A_95, %dma_wait3A_96, %dma_wait3A_97] : memref<3x16x2x128xi32, #tpu.memory_space<vmem>> -> memref<1x16x2x128xi32, #tpu.memory_space<vmem>>
      %dma_wait3A_99 = tpu.memref_squeeze %dma_wait3A_98 : memref<1x16x2x128xi32, #tpu.memory_space<vmem>> -> memref<16x2x128xi32, #tpu.memory_space<vmem>>
      %dma_wait3A_100 = arith.constant 0 : i32
      %dma_wait3A_101 = arith.constant 0 : i32
      %dma_wait3A_102 = arith.constant 0 : i32
      %dma_wait3A_103 = tpu.memref_slice %arg3[%arg0, %arg1, %dma_wait3A_100, %dma_wait3A_101, %dma_wait3A_102] : memref<2x16x160x2x128xi32, #tpu.memory_space<hbm>> -> memref<1x1x16x2x128xi32, #tpu.memory_space<hbm>>
      %dma_wait3A_104 = tpu.memref_squeeze %dma_wait3A_103 : memref<1x1x16x2x128xi32, #tpu.memory_space<hbm>> -> memref<16x2x128xi32, #tpu.memory_space<hbm>>
      tpu.wait_dma2 semaphore(%run_scoped3A_64 : memref<!tpu.dma_semaphore, #tpu.memory_space<semaphore_mem>>) src(%dma_wait3A_104 : memref<16x2x128xi32, #tpu.memory_space<hbm>>) dst(%dma_wait3A_99 : memref<16x2x128xi32, #tpu.memory_space<vmem>>)
      tpu.yield
    }) : () -> ()
    %dma_start3A = arith.constant 1 : i32
    %dma_start3A_6 = arith.constant 0 : i32
    %dma_start3A_7 = arith.constant 0 : i32
    %dma_start3A_8 = arith.constant 0 : i32
    %dma_start3A_9 = tpu.memref_slice %arg6[%dma_start3A, %dma_start3A_6, %dma_start3A_7, %dma_start3A_8] : memref<3x16x2x128xi32, #tpu.memory_space<vmem>> -> memref<1x16x2x128xi32, #tpu.memory_space<vmem>>
    %dma_start3A_10 = tpu.memref_squeeze %dma_start3A_9 : memref<1x16x2x128xi32, #tpu.memory_space<vmem>> -> memref<16x2x128xi32, #tpu.memory_space<vmem>>
    %dma_start3A_11 = arith.constant 16 : i32
    %dma_start3A_12 = arith.constant 0 : i32
    %dma_start3A_13 = arith.constant 0 : i32
    %dma_start3A_14 = tpu.memref_slice %arg3[%arg0, %arg1, %dma_start3A_11, %dma_start3A_12, %dma_start3A_13] : memref<2x16x160x2x128xi32, #tpu.memory_space<hbm>> -> memref<1x1x16x2x128xi32, #tpu.memory_space<hbm>>
    %dma_start3A_15 = tpu.memref_squeeze %dma_start3A_14 : memref<1x1x16x2x128xi32, #tpu.memory_space<hbm>> -> memref<16x2x128xi32, #tpu.memory_space<hbm>>
    %dma_start3A_16 = arith.constant 0 : i32
    %dma_start3A_17 = arith.constant 0 : i32
    %dma_start3A_18 = arith.constant 0 : i32
    %dma_start3A_19 = tpu.memref_slice %arg6[%dma_start3A, %dma_start3A_16, %dma_start3A_17, %dma_start3A_18] : memref<3x16x2x128xi32, #tpu.memory_space<vmem>> -> memref<1x16x2x128xi32, #tpu.memory_space<vmem>>
    %dma_start3A_20 = tpu.memref_squeeze %dma_start3A_19 : memref<1x16x2x128xi32, #tpu.memory_space<vmem>> -> memref<16x2x128xi32, #tpu.memory_space<vmem>>
    %dma_start3A_21 = arith.constant 16 : i32
    %dma_start3A_22 = arith.constant 0 : i32
    %dma_start3A_23 = arith.constant 0 : i32
    %dma_start3A_24 = tpu.memref_slice %arg3[%arg0, %arg1, %dma_start3A_21, %dma_start3A_22, %dma_start3A_23] : memref<2x16x160x2x128xi32, #tpu.memory_space<hbm>> -> memref<1x1x16x2x128xi32, #tpu.memory_space<hbm>>
    %dma_start3A_25 = tpu.memref_squeeze %dma_start3A_24 : memref<1x1x16x2x128xi32, #tpu.memory_space<hbm>> -> memref<16x2x128xi32, #tpu.memory_space<hbm>>
    tpu.enqueue_dma source(%dma_start3A_25 : memref<16x2x128xi32, #tpu.memory_space<hbm>>) target(%dma_start3A_20 : memref<16x2x128xi32, #tpu.memory_space<vmem>>) target_semaphore(%arg12 : memref<!tpu.dma_semaphore, #tpu.memory_space<semaphore_mem>>)
    %barrier3A = arith.constant 0 : index
    tpu.barrier barrier_id(%barrier3A)
    %dma_start3A_26 = arith.constant 0 : i32
    %dma_start3A_27 = arith.constant 0 : i32
    %dma_start3A_28 = arith.constant 0 : i32
    %dma_start3A_29 = arith.constant 0 : i32
    %dma_start3A_30 = arith.constant 0 : i32
    %dma_start3A_31 = arith.constant 0 : i32
    %dma_start3A_32 = tpu.memref_slice %arg7[%dma_start3A_29, %dma_start3A_30, %dma_start3A_31] : memref<2x128x128xf32, #tpu.memory_space<vmem>> -> memref<1x128x128xf32, #tpu.memory_space<vmem>>
    %dma_start3A_33 = tpu.memref_squeeze %dma_start3A_32 : memref<1x128x128xf32, #tpu.memory_space<vmem>> -> memref<128x128xf32, #tpu.memory_space<vmem>>
    %dma_start3A_34 = arith.constant 0 : i32
    %dma_start3A_35 = tpu.memref_slice %arg6[%dma_start3A_26, %dma_start3A_27, %dma_start3A_28, %dma_start3A_34] : memref<3x16x2x128xi32, #tpu.memory_space<vmem>> -> memref<1x1x1x128xi32, #tpu.memory_space<vmem>>
    %dma_start3A_36 = tpu.memref_squeeze %dma_start3A_35 : memref<1x1x1x128xi32, #tpu.memory_space<vmem>> -> memref<128xi32, #tpu.memory_space<vmem>>
    %dma_start3A_37 = arith.constant 0 : i32
    %dma_start3A_38 = arith.constant 0 : i32
    %dma_start3A_39 = tpu.memref_slice %arg8[%dma_start3A_37, %dma_start3A_38] : memref<5120x128xf32, #tpu.memory_space<vmem_shared>> -> memref<5120x128xf32, #tpu.memory_space<vmem_shared>>
    tpu.enqueue_indirect_dma source(%dma_start3A_39 : memref<5120x128xf32, #tpu.memory_space<vmem_shared>>) target(%dma_start3A_33 : memref<128x128xf32, #tpu.memory_space<vmem>>) offsets(%dma_start3A_36 : memref<128xi32, #tpu.memory_space<vmem>>) semaphore(%arg10 : memref<!tpu.dma_semaphore, #tpu.memory_space<semaphore_mem>>)
    %scan3A = arith.constant 0 : i32
    %scan3A_40 = arith.constant 0 : i32
    %scan3A_41 = arith.constant 10 : i32
    %scan3A_42 = arith.addi %scan3A_40, %scan3A_41 : i32
    %scan3A_43 = arith.constant 1 : i32
    %scan3A_44 = scf.for %scan3A_64 = %scan3A_40 to %scan3A_42 step %scan3A_43 iter_args(%scan3A_65 = %scan3A) -> (i32)  : i32 {
      %rem3A = arith.constant 3 : i32
      %rem3A_66 = arith.remsi %scan3A_64, %rem3A : i32
      %add3A = arith.constant 1 : i32
      %add3A_67 = arith.addi %scan3A_64, %add3A : i32
      %rem3A_68 = arith.constant 3 : i32
      %rem3A_69 = arith.remsi %add3A_67, %rem3A_68 : i32
      %add3A_70 = arith.constant 2 : i32
      %add3A_71 = arith.addi %scan3A_64, %add3A_70 : i32
      %rem3A_72 = arith.constant 3 : i32
      %rem3A_73 = arith.remsi %add3A_71, %rem3A_72 : i32
      %scan3A_74 = arith.constant 0 : i32
      %scan3A_75 = arith.constant 0 : i32
      %scan3A_76 = arith.constant 16 : i32
      %scan3A_77 = arith.addi %scan3A_75, %scan3A_76 : i32
      %scan3A_78 = arith.constant 1 : i32
      %scan3A_79 = scf.for %scan3A_82 = %scan3A_75 to %scan3A_77 step %scan3A_78 iter_args(%scan3A_83 = %scan3A_74) -> (i32)  : i32 {
        %rem3A_84 = arith.constant 2 : i32
        %rem3A_85 = arith.remsi %scan3A_82, %rem3A_84 : i32
        %add3A_86 = arith.constant 1 : i32
        %add3A_87 = arith.addi %scan3A_82, %add3A_86 : i32
        %rem3A_88 = arith.constant 2 : i32
        %rem3A_89 = arith.remsi %add3A_87, %rem3A_88 : i32
        %eq3A = arith.constant 0 : i32
        %eq3A_90 = arith.cmpi eq, %scan3A_82, %eq3A : i32
        %ge3A = arith.constant 1 : i32
        %ge3A_91 = arith.cmpi sge, %scan3A_64, %ge3A : i32
        %and3A = arith.andi %eq3A_90, %ge3A_91 : i1
        %convert_element_type3A = arith.extui %and3A : i1 to i32
        %cond3A = arith.constant 0 : i32
        %cond3A_92 = arith.cmpi ne, %convert_element_type3A, %cond3A : i32
        scf.if %cond3A_92 {
          %dma_wait3A_155 = arith.constant 15 : i32
          %dma_wait3A_156 = arith.constant 1 : i32
          %dma_wait3A_157 = arith.constant 0 : i32
          %dma_wait3A_158 = arith.constant 0 : i32
          %dma_wait3A_159 = tpu.memref_slice %arg7[%rem3A_89, %dma_wait3A_157, %dma_wait3A_158] : memref<2x128x128xf32, #tpu.memory_space<vmem>> -> memref<1x128x128xf32, #tpu.memory_space<vmem>>
          %dma_wait3A_160 = tpu.memref_squeeze %dma_wait3A_159 : memref<1x128x128xf32, #tpu.memory_space<vmem>> -> memref<128x128xf32, #tpu.memory_space<vmem>>
          %dma_wait3A_161 = arith.constant 0 : i32
          %dma_wait3A_162 = tpu.memref_slice %arg6[%rem3A_73, %dma_wait3A_155, %dma_wait3A_156, %dma_wait3A_161] : memref<3x16x2x128xi32, #tpu.memory_space<vmem>> -> memref<1x1x1x128xi32, #tpu.memory_space<vmem>>
          %dma_wait3A_163 = tpu.memref_squeeze %dma_wait3A_162 : memref<1x1x1x128xi32, #tpu.memory_space<vmem>> -> memref<128xi32, #tpu.memory_space<vmem>>
          %dma_wait3A_164 = arith.constant 0 : i32
          %dma_wait3A_165 = arith.constant 0 : i32
          %dma_wait3A_166 = tpu.memref_slice %arg9[%dma_wait3A_164, %dma_wait3A_165] : memref<5120x128xf32, #tpu.memory_space<vmem_shared>> -> memref<5120x128xf32, #tpu.memory_space<vmem_shared>>
          tpu.wait_indirect_dma semaphore(%arg11 : memref<!tpu.dma_semaphore, #tpu.memory_space<semaphore_mem>>) src(%dma_wait3A_160 : memref<128x128xf32, #tpu.memory_space<vmem>>) dst(%dma_wait3A_166 : memref<5120x128xf32, #tpu.memory_space<vmem_shared>>)
        } else {
        }
        %ge3A_93 = arith.constant 1 : i32
        %ge3A_94 = arith.cmpi sge, %scan3A_82, %ge3A_93 : i32
        %convert_element_type3A_95 = arith.extui %ge3A_94 : i1 to i32
        %cond3A_96 = arith.constant 0 : i32
        %cond3A_97 = arith.cmpi ne, %convert_element_type3A_95, %cond3A_96 : i32
        scf.if %cond3A_97 {
          %sub3A_155 = arith.constant 1 : i32
          %sub3A_156 = arith.subi %scan3A_82, %sub3A_155 : i32
          %dma_wait3A_157 = arith.constant 1 : i32
          %dma_wait3A_158 = arith.constant 0 : i32
          %dma_wait3A_159 = arith.constant 0 : i32
          %dma_wait3A_160 = tpu.memref_slice %arg7[%rem3A_89, %dma_wait3A_158, %dma_wait3A_159] : memref<2x128x128xf32, #tpu.memory_space<vmem>> -> memref<1x128x128xf32, #tpu.memory_space<vmem>>
          %dma_wait3A_161 = tpu.memref_squeeze %dma_wait3A_160 : memref<1x128x128xf32, #tpu.memory_space<vmem>> -> memref<128x128xf32, #tpu.memory_space<vmem>>
          %dma_wait3A_162 = arith.constant 0 : i32
          %dma_wait3A_163 = tpu.memref_slice %arg6[%rem3A_66, %sub3A_156, %dma_wait3A_157, %dma_wait3A_162] : memref<3x16x2x128xi32, #tpu.memory_space<vmem>> -> memref<1x1x1x128xi32, #tpu.memory_space<vmem>>
          %dma_wait3A_164 = tpu.memref_squeeze %dma_wait3A_163 : memref<1x1x1x128xi32, #tpu.memory_space<vmem>> -> memref<128xi32, #tpu.memory_space<vmem>>
          %dma_wait3A_165 = arith.constant 0 : i32
          %dma_wait3A_166 = arith.constant 0 : i32
          %dma_wait3A_167 = tpu.memref_slice %arg9[%dma_wait3A_165, %dma_wait3A_166] : memref<5120x128xf32, #tpu.memory_space<vmem_shared>> -> memref<5120x128xf32, #tpu.memory_space<vmem_shared>>
          tpu.wait_indirect_dma semaphore(%arg11 : memref<!tpu.dma_semaphore, #tpu.memory_space<semaphore_mem>>) src(%dma_wait3A_161 : memref<128x128xf32, #tpu.memory_space<vmem>>) dst(%dma_wait3A_167 : memref<5120x128xf32, #tpu.memory_space<vmem_shared>>)
        } else {
        }
        %eq3A_98 = arith.constant 0 : i32
        %eq3A_99 = arith.cmpi eq, %scan3A_82, %eq3A_98 : i32
        %add3A_100 = arith.constant 1 : i32
        %add3A_101 = arith.addi %scan3A_64, %add3A_100 : i32
        %lt3A = arith.constant 10 : i32
        %lt3A_102 = arith.cmpi slt, %add3A_101, %lt3A : i32
        %and3A_103 = arith.andi %eq3A_99, %lt3A_102 : i1
        %convert_element_type3A_104 = arith.extui %and3A_103 : i1 to i32
        %cond3A_105 = arith.constant 0 : i32
        %cond3A_106 = arith.cmpi ne, %convert_element_type3A_104, %cond3A_105 : i32
        scf.if %cond3A_106 {
          %dma_wait3A_155 = arith.constant 0 : i32
          %dma_wait3A_156 = arith.constant 0 : i32
          %dma_wait3A_157 = arith.constant 0 : i32
          %dma_wait3A_158 = arith.constant 0 : i32
          %dma_wait3A_159 = tpu.memref_slice %arg6[%dma_wait3A_155, %dma_wait3A_156, %dma_wait3A_157, %dma_wait3A_158] : memref<3x16x2x128xi32, #tpu.memory_space<vmem>> -> memref<1x16x2x128xi32, #tpu.memory_space<vmem>>
          %dma_wait3A_160 = tpu.memref_squeeze %dma_wait3A_159 : memref<1x16x2x128xi32, #tpu.memory_space<vmem>> -> memref<16x2x128xi32, #tpu.memory_space<vmem>>
          %dma_wait3A_161 = arith.constant 0 : i32
          %dma_wait3A_162 = arith.constant 0 : i32
          %dma_wait3A_163 = arith.constant 0 : i32
          %dma_wait3A_164 = tpu.memref_slice %arg3[%arg0, %arg1, %dma_wait3A_161, %dma_wait3A_162, %dma_wait3A_163] : memref<2x16x160x2x128xi32, #tpu.memory_space<hbm>> -> memref<1x1x16x2x128xi32, #tpu.memory_space<hbm>>
          %dma_wait3A_165 = tpu.memref_squeeze %dma_wait3A_164 : memref<1x1x16x2x128xi32, #tpu.memory_space<hbm>> -> memref<16x2x128xi32, #tpu.memory_space<hbm>>
          %dma_wait3A_166 = arith.constant 0 : i32
          %dma_wait3A_167 = arith.constant 0 : i32
          %dma_wait3A_168 = arith.constant 0 : i32
          %dma_wait3A_169 = tpu.memref_slice %arg6[%dma_wait3A_155, %dma_wait3A_166, %dma_wait3A_167, %dma_wait3A_168] : memref<3x16x2x128xi32, #tpu.memory_space<vmem>> -> memref<1x16x2x128xi32, #tpu.memory_space<vmem>>
          %dma_wait3A_170 = tpu.memref_squeeze %dma_wait3A_169 : memref<1x16x2x128xi32, #tpu.memory_space<vmem>> -> memref<16x2x128xi32, #tpu.memory_space<vmem>>
          %dma_wait3A_171 = arith.constant 0 : i32
          %dma_wait3A_172 = arith.constant 0 : i32
          %dma_wait3A_173 = arith.constant 0 : i32
          %dma_wait3A_174 = tpu.memref_slice %arg3[%arg0, %arg1, %dma_wait3A_171, %dma_wait3A_172, %dma_wait3A_173] : memref<2x16x160x2x128xi32, #tpu.memory_space<hbm>> -> memref<1x1x16x2x128xi32, #tpu.memory_space<hbm>>
          %dma_wait3A_175 = tpu.memref_squeeze %dma_wait3A_174 : memref<1x1x16x2x128xi32, #tpu.memory_space<hbm>> -> memref<16x2x128xi32, #tpu.memory_space<hbm>>
          tpu.wait_dma2 semaphore(%arg12 : memref<!tpu.dma_semaphore, #tpu.memory_space<semaphore_mem>>) src(%dma_wait3A_175 : memref<16x2x128xi32, #tpu.memory_space<hbm>>) dst(%dma_wait3A_170 : memref<16x2x128xi32, #tpu.memory_space<vmem>>)
        } else {
        }
        %eq3A_107 = arith.constant 2 : i32
        %eq3A_108 = arith.cmpi eq, %scan3A_82, %eq3A_107 : i32
        %add3A_109 = arith.constant 2 : i32
        %add3A_110 = arith.addi %scan3A_64, %add3A_109 : i32
        %lt3A_111 = arith.constant 10 : i32
        %lt3A_112 = arith.cmpi slt, %add3A_110, %lt3A_111 : i32
        %and3A_113 = arith.andi %eq3A_108, %lt3A_112 : i1
        %convert_element_type3A_114 = arith.extui %and3A_113 : i1 to i32
        %cond3A_115 = arith.constant 0 : i32
        %cond3A_116 = arith.cmpi ne, %convert_element_type3A_114, %cond3A_115 : i32
        scf.if %cond3A_116 {
          %add3A_155 = arith.constant 2 : i32
          %add3A_156 = arith.addi %scan3A_64, %add3A_155 : i32
          %mul3A_157 = arith.constant 16 : i32
          %mul3A_158 = arith.muli %add3A_156, %mul3A_157 : i32
          %dma_start3A_159 = arith.constant 0 : i32
          %dma_start3A_160 = arith.constant 0 : i32
          %dma_start3A_161 = arith.constant 0 : i32
          %dma_start3A_162 = tpu.memref_slice %arg6[%rem3A_73, %dma_start3A_159, %dma_start3A_160, %dma_start3A_161] : memref<3x16x2x128xi32, #tpu.memory_space<vmem>> -> memref<1x16x2x128xi32, #tpu.memory_space<vmem>>
          %dma_start3A_163 = tpu.memref_squeeze %dma_start3A_162 : memref<1x16x2x128xi32, #tpu.memory_space<vmem>> -> memref<16x2x128xi32, #tpu.memory_space<vmem>>
          %dma_start3A_164 = arith.constant 0 : i32
          %dma_start3A_165 = arith.constant 0 : i32
          %dma_start3A_166 = tpu.memref_slice %arg3[%arg0, %arg1, %mul3A_158, %dma_start3A_164, %dma_start3A_165] : memref<2x16x160x2x128xi32, #tpu.memory_space<hbm>> -> memref<1x1x16x2x128xi32, #tpu.memory_space<hbm>>
          %dma_start3A_167 = tpu.memref_squeeze %dma_start3A_166 : memref<1x1x16x2x128xi32, #tpu.memory_space<hbm>> -> memref<16x2x128xi32, #tpu.memory_space<hbm>>
          %dma_start3A_168 = arith.constant 0 : i32
          %dma_start3A_169 = arith.constant 0 : i32
          %dma_start3A_170 = arith.constant 0 : i32
          %dma_start3A_171 = tpu.memref_slice %arg6[%rem3A_73, %dma_start3A_168, %dma_start3A_169, %dma_start3A_170] : memref<3x16x2x128xi32, #tpu.memory_space<vmem>> -> memref<1x16x2x128xi32, #tpu.memory_space<vmem>>
          %dma_start3A_172 = tpu.memref_squeeze %dma_start3A_171 : memref<1x16x2x128xi32, #tpu.memory_space<vmem>> -> memref<16x2x128xi32, #tpu.memory_space<vmem>>
          %dma_start3A_173 = arith.constant 0 : i32
          %dma_start3A_174 = arith.constant 0 : i32
          %dma_start3A_175 = tpu.memref_slice %arg3[%arg0, %arg1, %mul3A_158, %dma_start3A_173, %dma_start3A_174] : memref<2x16x160x2x128xi32, #tpu.memory_space<hbm>> -> memref<1x1x16x2x128xi32, #tpu.memory_space<hbm>>
          %dma_start3A_176 = tpu.memref_squeeze %dma_start3A_175 : memref<1x1x16x2x128xi32, #tpu.memory_space<hbm>> -> memref<16x2x128xi32, #tpu.memory_space<hbm>>
          tpu.enqueue_dma source(%dma_start3A_176 : memref<16x2x128xi32, #tpu.memory_space<hbm>>) target(%dma_start3A_172 : memref<16x2x128xi32, #tpu.memory_space<vmem>>) target_semaphore(%arg12 : memref<!tpu.dma_semaphore, #tpu.memory_space<semaphore_mem>>)
        } else {
        }
        %lt3A_117 = arith.constant 15 : i32
        %lt3A_118 = arith.cmpi slt, %scan3A_82, %lt3A_117 : i32
        %convert_element_type3A_119 = arith.extui %lt3A_118 : i1 to i32
        %cond3A_120 = arith.constant 0 : i32
        %cond3A_121 = arith.cmpi ne, %convert_element_type3A_119, %cond3A_120 : i32
        scf.if %cond3A_121 {
          %add3A_155 = arith.constant 1 : i32
          %add3A_156 = arith.addi %scan3A_82, %add3A_155 : i32
          %dma_start3A_157 = arith.constant 0 : i32
          %dma_start3A_158 = arith.constant 0 : i32
          %dma_start3A_159 = arith.constant 0 : i32
          %dma_start3A_160 = tpu.memref_slice %arg7[%rem3A_89, %dma_start3A_158, %dma_start3A_159] : memref<2x128x128xf32, #tpu.memory_space<vmem>> -> memref<1x128x128xf32, #tpu.memory_space<vmem>>
          %dma_start3A_161 = tpu.memref_squeeze %dma_start3A_160 : memref<1x128x128xf32, #tpu.memory_space<vmem>> -> memref<128x128xf32, #tpu.memory_space<vmem>>
          %dma_start3A_162 = arith.constant 0 : i32
          %dma_start3A_163 = tpu.memref_slice %arg6[%rem3A_66, %add3A_156, %dma_start3A_157, %dma_start3A_162] : memref<3x16x2x128xi32, #tpu.memory_space<vmem>> -> memref<1x1x1x128xi32, #tpu.memory_space<vmem>>
          %dma_start3A_164 = tpu.memref_squeeze %dma_start3A_163 : memref<1x1x1x128xi32, #tpu.memory_space<vmem>> -> memref<128xi32, #tpu.memory_space<vmem>>
          %dma_start3A_165 = arith.constant 0 : i32
          %dma_start3A_166 = arith.constant 0 : i32
          %dma_start3A_167 = tpu.memref_slice %arg8[%dma_start3A_165, %dma_start3A_166] : memref<5120x128xf32, #tpu.memory_space<vmem_shared>> -> memref<5120x128xf32, #tpu.memory_space<vmem_shared>>
          tpu.enqueue_indirect_dma source(%dma_start3A_167 : memref<5120x128xf32, #tpu.memory_space<vmem_shared>>) target(%dma_start3A_161 : memref<128x128xf32, #tpu.memory_space<vmem>>) offsets(%dma_start3A_164 : memref<128xi32, #tpu.memory_space<vmem>>) semaphore(%arg10 : memref<!tpu.dma_semaphore, #tpu.memory_space<semaphore_mem>>)
        } else {
        }
        %eq3A_122 = arith.constant 15 : i32
        %eq3A_123 = arith.cmpi eq, %scan3A_82, %eq3A_122 : i32
        %add3A_124 = arith.constant 1 : i32
        %add3A_125 = arith.addi %scan3A_64, %add3A_124 : i32
        %lt3A_126 = arith.constant 10 : i32
        %lt3A_127 = arith.cmpi slt, %add3A_125, %lt3A_126 : i32
        %and3A_128 = arith.andi %eq3A_123, %lt3A_127 : i1
        %convert_element_type3A_129 = arith.extui %and3A_128 : i1 to i32
        %cond3A_130 = arith.constant 0 : i32
        %cond3A_131 = arith.cmpi ne, %convert_element_type3A_129, %cond3A_130 : i32
        scf.if %cond3A_131 {
          %dma_start3A_155 = arith.constant 0 : i32
          %dma_start3A_156 = arith.constant 0 : i32
          %dma_start3A_157 = arith.constant 0 : i32
          %dma_start3A_158 = arith.constant 0 : i32
          %dma_start3A_159 = tpu.memref_slice %arg7[%rem3A_89, %dma_start3A_157, %dma_start3A_158] : memref<2x128x128xf32, #tpu.memory_space<vmem>> -> memref<1x128x128xf32, #tpu.memory_space<vmem>>
          %dma_start3A_160 = tpu.memref_squeeze %dma_start3A_159 : memref<1x128x128xf32, #tpu.memory_space<vmem>> -> memref<128x128xf32, #tpu.memory_space<vmem>>
          %dma_start3A_161 = arith.constant 0 : i32
          %dma_start3A_162 = tpu.memref_slice %arg6[%rem3A_69, %dma_start3A_155, %dma_start3A_156, %dma_start3A_161] : memref<3x16x2x128xi32, #tpu.memory_space<vmem>> -> memref<1x1x1x128xi32, #tpu.memory_space<vmem>>
          %dma_start3A_163 = tpu.memref_squeeze %dma_start3A_162 : memref<1x1x1x128xi32, #tpu.memory_space<vmem>> -> memref<128xi32, #tpu.memory_space<vmem>>
          %dma_start3A_164 = arith.constant 0 : i32
          %dma_start3A_165 = arith.constant 0 : i32
          %dma_start3A_166 = tpu.memref_slice %arg8[%dma_start3A_164, %dma_start3A_165] : memref<5120x128xf32, #tpu.memory_space<vmem_shared>> -> memref<5120x128xf32, #tpu.memory_space<vmem_shared>>
          tpu.enqueue_indirect_dma source(%dma_start3A_166 : memref<5120x128xf32, #tpu.memory_space<vmem_shared>>) target(%dma_start3A_160 : memref<128x128xf32, #tpu.memory_space<vmem>>) offsets(%dma_start3A_163 : memref<128xi32, #tpu.memory_space<vmem>>) semaphore(%arg10 : memref<!tpu.dma_semaphore, #tpu.memory_space<semaphore_mem>>)
        } else {
        }
        %dma_wait3A_132 = arith.constant 0 : i32
        %dma_wait3A_133 = arith.constant 0 : i32
        %dma_wait3A_134 = arith.constant 0 : i32
        %dma_wait3A_135 = tpu.memref_slice %arg7[%rem3A_85, %dma_wait3A_133, %dma_wait3A_134] : memref<2x128x128xf32, #tpu.memory_space<vmem>> -> memref<1x128x128xf32, #tpu.memory_space<vmem>>
        %dma_wait3A_136 = tpu.memref_squeeze %dma_wait3A_135 : memref<1x128x128xf32, #tpu.memory_space<vmem>> -> memref<128x128xf32, #tpu.memory_space<vmem>>
        %dma_wait3A_137 = arith.constant 0 : i32
        %dma_wait3A_138 = tpu.memref_slice %arg6[%rem3A_66, %scan3A_82, %dma_wait3A_132, %dma_wait3A_137] : memref<3x16x2x128xi32, #tpu.memory_space<vmem>> -> memref<1x1x1x128xi32, #tpu.memory_space<vmem>>
        %dma_wait3A_139 = tpu.memref_squeeze %dma_wait3A_138 : memref<1x1x1x128xi32, #tpu.memory_space<vmem>> -> memref<128xi32, #tpu.memory_space<vmem>>
        %dma_wait3A_140 = arith.constant 0 : i32
        %dma_wait3A_141 = arith.constant 0 : i32
        %dma_wait3A_142 = tpu.memref_slice %arg8[%dma_wait3A_140, %dma_wait3A_141] : memref<5120x128xf32, #tpu.memory_space<vmem_shared>> -> memref<5120x128xf32, #tpu.memory_space<vmem_shared>>
        tpu.wait_indirect_dma semaphore(%arg10 : memref<!tpu.dma_semaphore, #tpu.memory_space<semaphore_mem>>) src(%dma_wait3A_142 : memref<5120x128xf32, #tpu.memory_space<vmem_shared>>) dst(%dma_wait3A_136 : memref<128x128xf32, #tpu.memory_space<vmem>>)
        %dma_start3A_143 = arith.constant 1 : i32
        %dma_start3A_144 = arith.constant 0 : i32
        %dma_start3A_145 = arith.constant 0 : i32
        %dma_start3A_146 = tpu.memref_slice %arg7[%rem3A_85, %dma_start3A_144, %dma_start3A_145] : memref<2x128x128xf32, #tpu.memory_space<vmem>> -> memref<1x128x128xf32, #tpu.memory_space<vmem>>
        %dma_start3A_147 = tpu.memref_squeeze %dma_start3A_146 : memref<1x128x128xf32, #tpu.memory_space<vmem>> -> memref<128x128xf32, #tpu.memory_space<vmem>>
        %dma_start3A_148 = arith.constant 0 : i32
        %dma_start3A_149 = tpu.memref_slice %arg6[%rem3A_66, %scan3A_82, %dma_start3A_143, %dma_start3A_148] : memref<3x16x2x128xi32, #tpu.memory_space<vmem>> -> memref<1x1x1x128xi32, #tpu.memory_space<vmem>>
        %dma_start3A_150 = tpu.memref_squeeze %dma_start3A_149 : memref<1x1x1x128xi32, #tpu.memory_space<vmem>> -> memref<128xi32, #tpu.memory_space<vmem>>
        %dma_start3A_151 = arith.constant 0 : i32
        %dma_start3A_152 = arith.constant 0 : i32
        %dma_start3A_153 = tpu.memref_slice %arg9[%dma_start3A_151, %dma_start3A_152] : memref<5120x128xf32, #tpu.memory_space<vmem_shared>> -> memref<5120x128xf32, #tpu.memory_space<vmem_shared>>
        tpu.enqueue_indirect_dma source(%dma_start3A_147 : memref<128x128xf32, #tpu.memory_space<vmem>>) target(%dma_start3A_153 : memref<5120x128xf32, #tpu.memory_space<vmem_shared>>) offsets(%dma_start3A_150 : memref<128xi32, #tpu.memory_space<vmem>>) semaphore(%arg11 : memref<!tpu.dma_semaphore, #tpu.memory_space<semaphore_mem>>) {add = true}
        %scan3A_154 = arith.constant 0 : i32
        scf.yield %scan3A_154 : i32
      }
      %scan3A_80 = arith.constant 16 : i32
      %scan3A_81 = arith.constant 0 : i32
      scf.yield %scan3A_81 : i32
    }
    %scan3A_45 = arith.constant 10 : i32
    %dma_wait3A = arith.constant 0 : i32
    %dma_wait3A_46 = arith.constant 0 : i32
    %dma_wait3A_47 = arith.constant 0 : i32
    %dma_wait3A_48 = arith.constant 1 : i32
    %dma_wait3A_49 = arith.constant 0 : i32
    %dma_wait3A_50 = arith.constant 0 : i32
    %dma_wait3A_51 = tpu.memref_slice %arg7[%dma_wait3A, %dma_wait3A_49, %dma_wait3A_50] : memref<2x128x128xf32, #tpu.memory_space<vmem>> -> memref<1x128x128xf32, #tpu.memory_space<vmem>>
    %dma_wait3A_52 = tpu.memref_squeeze %dma_wait3A_51 : memref<1x128x128xf32, #tpu.memory_space<vmem>> -> memref<128x128xf32, #tpu.memory_space<vmem>>
    %dma_wait3A_53 = arith.constant 0 : i32
    %dma_wait3A_54 = tpu.memref_slice %arg6[%dma_wait3A_46, %dma_wait3A_47, %dma_wait3A_48, %dma_wait3A_53] : memref<3x16x2x128xi32, #tpu.memory_space<vmem>> -> memref<1x1x1x128xi32, #tpu.memory_space<vmem>>
    %dma_wait3A_55 = tpu.memref_squeeze %dma_wait3A_54 : memref<1x1x1x128xi32, #tpu.memory_space<vmem>> -> memref<128xi32, #tpu.memory_space<vmem>>
    %dma_wait3A_56 = arith.constant 0 : i32
    %dma_wait3A_57 = arith.constant 0 : i32
    %dma_wait3A_58 = tpu.memref_slice %arg9[%dma_wait3A_56, %dma_wait3A_57] : memref<5120x128xf32, #tpu.memory_space<vmem_shared>> -> memref<5120x128xf32, #tpu.memory_space<vmem_shared>>
    tpu.wait_indirect_dma semaphore(%arg11 : memref<!tpu.dma_semaphore, #tpu.memory_space<semaphore_mem>>) src(%dma_wait3A_52 : memref<128x128xf32, #tpu.memory_space<vmem>>) dst(%dma_wait3A_58 : memref<5120x128xf32, #tpu.memory_space<vmem_shared>>)
    %barrier3A_59 = arith.constant 0 : index
    tpu.barrier barrier_id(%barrier3A_59)
    %mul3A_60 = arith.constant 320 : i32
    %mul3A_61 = arith.muli %arg1, %mul3A_60 : i32
    %mul3A_62 = arith.constant 320 : i32
    %mul3A_63 = arith.muli %arg1, %mul3A_62 : i32
    "tpu.region"() ({
      %run_scoped3A_64 = tpu.sem_alloc : memref<!tpu.dma_semaphore, #tpu.memory_space<semaphore_mem>>
      %dma_start3A_65 = arith.constant 0 : i32
      %dma_start3A_66 = tpu.memref_slice %arg5[%arg0, %mul3A_63, %dma_start3A_65] : memref<2x5120x128xf32, #tpu.memory_space<hbm>> -> memref<1x320x128xf32, #tpu.memory_space<hbm>>
      %dma_start3A_67 = tpu.memref_squeeze %dma_start3A_66 : memref<1x320x128xf32, #tpu.memory_space<hbm>> -> memref<320x128xf32, #tpu.memory_space<hbm>>
      %dma_start3A_68 = arith.constant 0 : i32
      %dma_start3A_69 = tpu.memref_slice %arg9[%mul3A_61, %dma_start3A_68] : memref<5120x128xf32, #tpu.memory_space<vmem_shared>> -> memref<320x128xf32, #tpu.memory_space<vmem_shared>>
      tpu.enqueue_dma source(%dma_start3A_69 : memref<320x128xf32, #tpu.memory_space<vmem_shared>>) target(%dma_start3A_67 : memref<320x128xf32, #tpu.memory_space<hbm>>) target_semaphore(%run_scoped3A_64 : memref<!tpu.dma_semaphore, #tpu.memory_space<semaphore_mem>>)
      %dma_wait3A_70 = arith.constant 0 : i32
      %dma_wait3A_71 = tpu.memref_slice %arg5[%arg0, %mul3A_63, %dma_wait3A_70] : memref<2x5120x128xf32, #tpu.memory_space<hbm>> -> memref<1x320x128xf32, #tpu.memory_space<hbm>>
      %dma_wait3A_72 = tpu.memref_squeeze %dma_wait3A_71 : memref<1x320x128xf32, #tpu.memory_space<hbm>> -> memref<320x128xf32, #tpu.memory_space<hbm>>
      %dma_wait3A_73 = arith.constant 0 : i32
      %dma_wait3A_74 = tpu.memref_slice %arg9[%mul3A_61, %dma_wait3A_73] : memref<5120x128xf32, #tpu.memory_space<vmem_shared>> -> memref<320x128xf32, #tpu.memory_space<vmem_shared>>
      tpu.wait_dma2 semaphore(%run_scoped3A_64 : memref<!tpu.dma_semaphore, #tpu.memory_space<semaphore_mem>>) src(%dma_wait3A_74 : memref<320x128xf32, #tpu.memory_space<vmem_shared>>) dst(%dma_wait3A_72 : memref<320x128xf32, #tpu.memory_space<hbm>>)
      tpu.yield
    }) : () -> ()
    return
  }
}

module attributes {stable_mosaic.version = 14 : i64} {
  func.func @_init_tc_body(%arg0: i32, %arg1: memref<1x1000x128xf32, #tpu.memory_space<vmem>>, %arg2: memref<1000x128xf32, #tpu.memory_space<vmem>>, %arg3: memref<1000x128xf32, #tpu.memory_space<vmem>>, %arg4: memref<1x1000x128xf32, #tpu.memory_space<vmem>>) attributes {dimension_semantics = [#tpu.dimension_semantics<arbitrary>], iteration_bounds = array<i64: 10>, scalar_prefetch = 0 : i64, scratch_operands = 0 : i64, tpu.core_type = #tpu.core_type<tc>, window_params = [{transform_indices = @transform_0, window_bounds = array<i64: 1, 1000, 128>}, {transform_indices = @transform_1, window_bounds = array<i64: 1000, 128>}, {transform_indices = @transform_2, window_bounds = array<i64: 1000, 128>}, {transform_indices = @transform_3, window_bounds = array<i64: 1, 1000, 128>}]} {
    %get3A = arith.constant 0 : index
    %get3A_0 = arith.constant 0 : index
    %get3A_1 = arith.constant 0 : index
    %get3A_2 = vector.load %arg1[%get3A, %get3A_0, %get3A_1] : memref<1x1000x128xf32, #tpu.memory_space<vmem>>, vector<1x1000x128xf32>
    %get3A_3 = vector.shape_cast %get3A_2 : vector<1x1000x128xf32> to vector<1000x128xf32>
    %gt3A = arith.constant 0.000000e+00 : f32
    %gt3A_4 = vector.broadcast %gt3A : f32 to vector<1000x128xf32>
    %gt3A_5 = arith.cmpf ogt, %get3A_3, %gt3A_4 : vector<1000x128xf32>
    %max3A = arith.constant 9.99999996E-13 : f32
    %max3A_6 = vector.broadcast %max3A : f32 to vector<1000x128xf32>
    %max3A_7 = arith.maximumf %get3A_3, %max3A_6 : vector<1000x128xf32>
    %rsqrt3A = math.rsqrt %max3A_7 : vector<1000x128xf32>
    %jit3A = arith.constant 0.000000e+00 : f32
    %broadcast_in_dim3A = vector.broadcast %jit3A : f32 to vector<1000x128xf32>
    %select_n3A = arith.select %gt3A_5, %rsqrt3A, %broadcast_in_dim3A : vector<1000x128xi1>, vector<1000x128xf32>
    %swap3A = arith.constant 0 : index
    %swap3A_8 = arith.constant 0 : index
    %swap3A_9 = vector.load %arg3[%swap3A, %swap3A_8] : memref<1000x128xf32, #tpu.memory_space<vmem>>, vector<1000x128xf32>
    tpu.vector_store %arg3[%swap3A, %swap3A_8], %select_n3A {strides = array<i32>} : memref<1000x128xf32, #tpu.memory_space<vmem>>, vector<1000x128xf32>,
    %get3A_10 = arith.constant 0 : index
    %get3A_11 = arith.constant 0 : index
    %get3A_12 = vector.load %arg2[%get3A_10, %get3A_11] : memref<1000x128xf32, #tpu.memory_space<vmem>>, vector<1000x128xf32>
    %mul3A = arith.mulf %select_n3A, %get3A_12 : vector<1000x128xf32>
    %swap3A_13 = arith.constant 0 : index
    %swap3A_14 = arith.constant 0 : index
    %swap3A_15 = arith.constant 0 : index
    %swap3A_16 = vector.load %arg4[%swap3A_13, %swap3A_14, %swap3A_15] : memref<1x1000x128xf32, #tpu.memory_space<vmem>>, vector<1x1000x128xf32>
    %swap3A_17 = vector.shape_cast %swap3A_16 : vector<1x1000x128xf32> to vector<1000x128xf32>
    %swap3A_18 = vector.shape_cast %mul3A : vector<1000x128xf32> to vector<1x1000x128xf32>
    tpu.vector_store %arg4[%swap3A_13, %swap3A_14, %swap3A_15], %swap3A_18 {strides = array<i32>} : memref<1x1000x128xf32, #tpu.memory_space<vmem>>, vector<1x1000x128xf32>,
    return
  }
  func.func @transform_0(%arg0: i32) -> (i32, i32, i32) {
    %jit3A = arith.constant 5 : i32
    %div3A = arith.divsi %arg0, %jit3A : i32
    %sign3A = arith.constant 0 : i32
    %sign3A_0 = arith.cmpi sgt, %arg0, %sign3A : i32
    %sign3A_1 = arith.extui %sign3A_0 : i1 to i32
    %sign3A_2 = arith.constant 0 : i32
    %sign3A_3 = arith.cmpi slt, %arg0, %sign3A_2 : i32
    %sign3A_4 = arith.extui %sign3A_3 : i1 to i32
    %sign3A_5 = arith.subi %sign3A_1, %sign3A_4 : i32
    %sign3A_6 = arith.constant 0 : i32
    %sign3A_7 = arith.cmpi sgt, %jit3A, %sign3A_6 : i32
    %sign3A_8 = arith.extui %sign3A_7 : i1 to i32
    %sign3A_9 = arith.constant 0 : i32
    %sign3A_10 = arith.cmpi slt, %jit3A, %sign3A_9 : i32
    %sign3A_11 = arith.extui %sign3A_10 : i1 to i32
    %sign3A_12 = arith.subi %sign3A_8, %sign3A_11 : i32
    %ne3A = arith.cmpi ne, %sign3A_5, %sign3A_12 : i32
    %rem3A = arith.remsi %arg0, %jit3A : i32
    %ne3A_13 = arith.constant 0 : i32
    %ne3A_14 = arith.cmpi ne, %rem3A, %ne3A_13 : i32
    %and3A = arith.andi %ne3A, %ne3A_14 : i1
    %sub3A = arith.constant 1 : i32
    %sub3A_15 = arith.subi %div3A, %sub3A : i32
    %select_n3A = arith.select %and3A, %sub3A_15, %div3A : i32
    %jit3A_16 = arith.constant 5 : i32
    %eq3A = arith.constant 0 : i32
    %eq3A_17 = arith.cmpi eq, %jit3A_16, %eq3A : i32
    %jit3A_18 = arith.constant 1 : i32
    %select_n3A_19 = arith.select %eq3A_17, %jit3A_18, %jit3A_16 : i32
    %rem3A_20 = arith.remsi %arg0, %select_n3A_19 : i32
    %ne3A_21 = arith.constant 0 : i32
    %ne3A_22 = arith.cmpi ne, %rem3A_20, %ne3A_21 : i32
    %lt3A = arith.constant 0 : i32
    %lt3A_23 = arith.cmpi slt, %rem3A_20, %lt3A : i32
    %lt3A_24 = arith.constant 0 : i32
    %lt3A_25 = arith.cmpi slt, %select_n3A_19, %lt3A_24 : i32
    %ne3A_26 = arith.xori %lt3A_23, %lt3A_25 : i1
    %and3A_27 = arith.andi %ne3A_26, %ne3A_22 : i1
    %add3A = arith.addi %rem3A_20, %select_n3A_19 : i32
    %select_n3A_28 = arith.select %and3A_27, %add3A, %rem3A_20 : i32
    %c0_i32 = arith.constant 0 : i32
    %c0_i32_29 = arith.constant 0 : i32
    return %select_n3A, %select_n3A_28, %c0_i32 : i32, i32, i32
  }
  func.func @transform_1(%arg0: i32) -> (i32, i32) {
    %c0_i32 = arith.constant 0 : i32
    %c0_i32_0 = arith.constant 0 : i32
    return %arg0, %c0_i32 : i32, i32
  }
  func.func @transform_2(%arg0: i32) -> (i32, i32) {
    %c0_i32 = arith.constant 0 : i32
    %c0_i32_0 = arith.constant 0 : i32
    return %arg0, %c0_i32 : i32, i32
  }
  func.func @transform_3(%arg0: i32) -> (i32, i32, i32) {
    %jit3A = arith.constant 5 : i32
    %div3A = arith.divsi %arg0, %jit3A : i32
    %sign3A = arith.constant 0 : i32
    %sign3A_0 = arith.cmpi sgt, %arg0, %sign3A : i32
    %sign3A_1 = arith.extui %sign3A_0 : i1 to i32
    %sign3A_2 = arith.constant 0 : i32
    %sign3A_3 = arith.cmpi slt, %arg0, %sign3A_2 : i32
    %sign3A_4 = arith.extui %sign3A_3 : i1 to i32
    %sign3A_5 = arith.subi %sign3A_1, %sign3A_4 : i32
    %sign3A_6 = arith.constant 0 : i32
    %sign3A_7 = arith.cmpi sgt, %jit3A, %sign3A_6 : i32
    %sign3A_8 = arith.extui %sign3A_7 : i1 to i32
    %sign3A_9 = arith.constant 0 : i32
    %sign3A_10 = arith.cmpi slt, %jit3A, %sign3A_9 : i32
    %sign3A_11 = arith.extui %sign3A_10 : i1 to i32
    %sign3A_12 = arith.subi %sign3A_8, %sign3A_11 : i32
    %ne3A = arith.cmpi ne, %sign3A_5, %sign3A_12 : i32
    %rem3A = arith.remsi %arg0, %jit3A : i32
    %ne3A_13 = arith.constant 0 : i32
    %ne3A_14 = arith.cmpi ne, %rem3A, %ne3A_13 : i32
    %and3A = arith.andi %ne3A, %ne3A_14 : i1
    %sub3A = arith.constant 1 : i32
    %sub3A_15 = arith.subi %div3A, %sub3A : i32
    %select_n3A = arith.select %and3A, %sub3A_15, %div3A : i32
    %jit3A_16 = arith.constant 5 : i32
    %eq3A = arith.constant 0 : i32
    %eq3A_17 = arith.cmpi eq, %jit3A_16, %eq3A : i32
    %jit3A_18 = arith.constant 1 : i32
    %select_n3A_19 = arith.select %eq3A_17, %jit3A_18, %jit3A_16 : i32
    %rem3A_20 = arith.remsi %arg0, %select_n3A_19 : i32
    %ne3A_21 = arith.constant 0 : i32
    %ne3A_22 = arith.cmpi ne, %rem3A_20, %ne3A_21 : i32
    %lt3A = arith.constant 0 : i32
    %lt3A_23 = arith.cmpi slt, %rem3A_20, %lt3A : i32
    %lt3A_24 = arith.constant 0 : i32
    %lt3A_25 = arith.cmpi slt, %select_n3A_19, %lt3A_24 : i32
    %ne3A_26 = arith.xori %lt3A_23, %lt3A_25 : i1
    %and3A_27 = arith.andi %ne3A_26, %ne3A_22 : i1
    %add3A = arith.addi %rem3A_20, %select_n3A_19 : i32
    %select_n3A_28 = arith.select %and3A_27, %add3A, %rem3A_20 : i32
    %c0_i32 = arith.constant 0 : i32
    %c0_i32_29 = arith.constant 0 : i32
    return %select_n3A, %select_n3A_28, %c0_i32 : i32, i32, i32
  }
}

module attributes {stable_mosaic.version = 14 : i64} {
  func.func @_layer_tc_body(%arg0: i32, %arg1: memref<1000x128xf32, #tpu.memory_space<vmem>>, %arg2: memref<1x1000x128xf32, #tpu.memory_space<vmem>>, %arg3: memref<1000x128xf32, #tpu.memory_space<vmem>>, %arg4: memref<128x128xf32, #tpu.memory_space<vmem>>, %arg5: memref<128x128xf32, #tpu.memory_space<vmem>>, %arg6: memref<1000x128xf32, #tpu.memory_space<vmem>>, %arg7: memref<1000x128xf32, #tpu.memory_space<vmem>>, %arg8: memref<1x1000x128xf32, #tpu.memory_space<vmem>>, %arg9: memref<1000x128xf32, #tpu.memory_space<vmem>>) attributes {dimension_semantics = [#tpu.dimension_semantics<arbitrary>], iteration_bounds = array<i64: 10>, scalar_prefetch = 0 : i64, scratch_operands = 0 : i64, tpu.core_type = #tpu.core_type<tc>, window_params = [{transform_indices = @transform_0, window_bounds = array<i64: 1000, 128>}, {transform_indices = @transform_1, window_bounds = array<i64: 1, 1000, 128>}, {transform_indices = @transform_2, window_bounds = array<i64: 1000, 128>}, {pipeline_mode = #tpu.pipeline_mode<synchronous>, transform_indices = @transform_3, window_bounds = array<i64: 128, 128>}, {pipeline_mode = #tpu.pipeline_mode<synchronous>, transform_indices = @transform_4, window_bounds = array<i64: 128, 128>}, {transform_indices = @transform_5, window_bounds = array<i64: 1000, 128>}, {transform_indices = @transform_6, window_bounds = array<i64: 1000, 128>}, {transform_indices = @transform_7, window_bounds = array<i64: 1, 1000, 128>}, {transform_indices = @transform_8, window_bounds = array<i64: 1000, 128>}]} {
    %get3A = arith.constant 0 : index
    %get3A_0 = arith.constant 0 : index
    %get3A_1 = vector.load %arg3[%get3A, %get3A_0] : memref<1000x128xf32, #tpu.memory_space<vmem>>, vector<1000x128xf32>
    %get3A_2 = arith.constant 0 : index
    %get3A_3 = arith.constant 0 : index
    %get3A_4 = arith.constant 0 : index
    %get3A_5 = vector.load %arg2[%get3A_2, %get3A_3, %get3A_4] : memref<1x1000x128xf32, #tpu.memory_space<vmem>>, vector<1x1000x128xf32>
    %get3A_6 = vector.shape_cast %get3A_5 : vector<1x1000x128xf32> to vector<1000x128xf32>
    %mul3A = arith.mulf %get3A_1, %get3A_6 : vector<1000x128xf32>
    %get3A_7 = arith.constant 0 : index
    %get3A_8 = arith.constant 0 : index
    %get3A_9 = vector.load %arg1[%get3A_7, %get3A_8] : memref<1000x128xf32, #tpu.memory_space<vmem>>, vector<1000x128xf32>
    %add3A = arith.addf %get3A_9, %mul3A : vector<1000x128xf32>
    %get3A_10 = arith.constant 0 : index
    %get3A_11 = arith.constant 0 : index
    %get3A_12 = vector.load %arg4[%get3A_10, %get3A_11] : memref<128x128xf32, #tpu.memory_space<vmem>>, vector<128x128xf32>
    %dot_general3A = arith.constant dense<0.000000e+00> : vector<1000x128xf32>
    %dot_general3A_13 = tpu.matmul %add3A, %get3A_12, %dot_general3A {dimension_numbers = #tpu.dot_dimension_numbers<[1], [0], [0], [1], [0, 0, 1, 1], [], []>, precision = #tpu.contract_precision<fp32>, transpose_lhs_hint = false} : vector<1000x128xf32>, vector<128x128xf32>, vector<1000x128xf32> -> vector<1000x128xf32>
    %mul3A_14 = arith.mulf %mul3A, %get3A_9 : vector<1000x128xf32>
    %get3A_15 = arith.constant 0 : index
    %get3A_16 = arith.constant 0 : index
    %get3A_17 = vector.load %arg5[%get3A_15, %get3A_16] : memref<128x128xf32, #tpu.memory_space<vmem>>, vector<128x128xf32>
    %dot_general3A_18 = arith.constant dense<0.000000e+00> : vector<1000x128xf32>
    %dot_general3A_19 = tpu.matmul %mul3A_14, %get3A_17, %dot_general3A_18 {dimension_numbers = #tpu.dot_dimension_numbers<[1], [0], [0], [1], [0, 0, 1, 1], [], []>, precision = #tpu.contract_precision<fp32>, transpose_lhs_hint = false} : vector<1000x128xf32>, vector<128x128xf32>, vector<1000x128xf32> -> vector<1000x128xf32>
    %add3A_20 = arith.addf %dot_general3A_13, %dot_general3A_19 : vector<1000x128xf32>
    %ge3A = arith.constant 0.000000e+00 : f32
    %ge3A_21 = vector.broadcast %ge3A : f32 to vector<1000x128xf32>
    %ge3A_22 = arith.cmpf oge, %add3A_20, %ge3A_21 : vector<1000x128xf32>
    %mul3A_23 = arith.constant 0.00999999977 : f32
    %mul3A_24 = vector.broadcast %mul3A_23 : f32 to vector<1000x128xf32>
    %mul3A_25 = arith.mulf %mul3A_24, %add3A_20 : vector<1000x128xf32>
    %select_n3A = arith.select %ge3A_22, %add3A_20, %mul3A_25 : vector<1000x128xi1>, vector<1000x128xf32>
    %swap3A = arith.constant 0 : index
    %swap3A_26 = arith.constant 0 : index
    %swap3A_27 = vector.load %arg7[%swap3A, %swap3A_26] : memref<1000x128xf32, #tpu.memory_space<vmem>>, vector<1000x128xf32>
    tpu.vector_store %arg7[%swap3A, %swap3A_26], %select_n3A {strides = array<i32>} : memref<1000x128xf32, #tpu.memory_space<vmem>>, vector<1000x128xf32>,
    %mul3A_28 = arith.mulf %get3A_1, %select_n3A : vector<1000x128xf32>
    %swap3A_29 = arith.constant 0 : index
    %swap3A_30 = arith.constant 0 : index
    %swap3A_31 = arith.constant 0 : index
    %swap3A_32 = vector.load %arg8[%swap3A_29, %swap3A_30, %swap3A_31] : memref<1x1000x128xf32, #tpu.memory_space<vmem>>, vector<1x1000x128xf32>
    %swap3A_33 = vector.shape_cast %swap3A_32 : vector<1x1000x128xf32> to vector<1000x128xf32>
    %swap3A_34 = vector.shape_cast %mul3A_28 : vector<1000x128xf32> to vector<1x1000x128xf32>
    tpu.vector_store %arg8[%swap3A_29, %swap3A_30, %swap3A_31], %swap3A_34 {strides = array<i32>} : memref<1x1000x128xf32, #tpu.memory_space<vmem>>, vector<1x1000x128xf32>,
    %get3A_35 = arith.constant 0 : index
    %get3A_36 = arith.constant 0 : index
    %get3A_37 = vector.load %arg6[%get3A_35, %get3A_36] : memref<1000x128xf32, #tpu.memory_space<vmem>>, vector<1000x128xf32>
    %add3A_38 = arith.addf %get3A_37, %select_n3A : vector<1000x128xf32>
    %swap3A_39 = arith.constant 0 : index
    %swap3A_40 = arith.constant 0 : index
    %swap3A_41 = vector.load %arg9[%swap3A_39, %swap3A_40] : memref<1000x128xf32, #tpu.memory_space<vmem>>, vector<1000x128xf32>
    tpu.vector_store %arg9[%swap3A_39, %swap3A_40], %add3A_38 {strides = array<i32>} : memref<1000x128xf32, #tpu.memory_space<vmem>>, vector<1000x128xf32>,
    return
  }
  func.func @transform_0(%arg0: i32) -> (i32, i32) {
    %c0_i32 = arith.constant 0 : i32
    %c0_i32_0 = arith.constant 0 : i32
    return %arg0, %c0_i32 : i32, i32
  }
  func.func @transform_1(%arg0: i32) -> (i32, i32, i32) {
    %jit3A = arith.constant 5 : i32
    %div3A = arith.divsi %arg0, %jit3A : i32
    %sign3A = arith.constant 0 : i32
    %sign3A_0 = arith.cmpi sgt, %arg0, %sign3A : i32
    %sign3A_1 = arith.extui %sign3A_0 : i1 to i32
    %sign3A_2 = arith.constant 0 : i32
    %sign3A_3 = arith.cmpi slt, %arg0, %sign3A_2 : i32
    %sign3A_4 = arith.extui %sign3A_3 : i1 to i32
    %sign3A_5 = arith.subi %sign3A_1, %sign3A_4 : i32
    %sign3A_6 = arith.constant 0 : i32
    %sign3A_7 = arith.cmpi sgt, %jit3A, %sign3A_6 : i32
    %sign3A_8 = arith.extui %sign3A_7 : i1 to i32
    %sign3A_9 = arith.constant 0 : i32
    %sign3A_10 = arith.cmpi slt, %jit3A, %sign3A_9 : i32
    %sign3A_11 = arith.extui %sign3A_10 : i1 to i32
    %sign3A_12 = arith.subi %sign3A_8, %sign3A_11 : i32
    %ne3A = arith.cmpi ne, %sign3A_5, %sign3A_12 : i32
    %rem3A = arith.remsi %arg0, %jit3A : i32
    %ne3A_13 = arith.constant 0 : i32
    %ne3A_14 = arith.cmpi ne, %rem3A, %ne3A_13 : i32
    %and3A = arith.andi %ne3A, %ne3A_14 : i1
    %sub3A = arith.constant 1 : i32
    %sub3A_15 = arith.subi %div3A, %sub3A : i32
    %select_n3A = arith.select %and3A, %sub3A_15, %div3A : i32
    %jit3A_16 = arith.constant 5 : i32
    %eq3A = arith.constant 0 : i32
    %eq3A_17 = arith.cmpi eq, %jit3A_16, %eq3A : i32
    %jit3A_18 = arith.constant 1 : i32
    %select_n3A_19 = arith.select %eq3A_17, %jit3A_18, %jit3A_16 : i32
    %rem3A_20 = arith.remsi %arg0, %select_n3A_19 : i32
    %ne3A_21 = arith.constant 0 : i32
    %ne3A_22 = arith.cmpi ne, %rem3A_20, %ne3A_21 : i32
    %lt3A = arith.constant 0 : i32
    %lt3A_23 = arith.cmpi slt, %rem3A_20, %lt3A : i32
    %lt3A_24 = arith.constant 0 : i32
    %lt3A_25 = arith.cmpi slt, %select_n3A_19, %lt3A_24 : i32
    %ne3A_26 = arith.xori %lt3A_23, %lt3A_25 : i1
    %and3A_27 = arith.andi %ne3A_26, %ne3A_22 : i1
    %add3A = arith.addi %rem3A_20, %select_n3A_19 : i32
    %select_n3A_28 = arith.select %and3A_27, %add3A, %rem3A_20 : i32
    %c0_i32 = arith.constant 0 : i32
    %c0_i32_29 = arith.constant 0 : i32
    return %select_n3A, %select_n3A_28, %c0_i32 : i32, i32, i32
  }
  func.func @transform_2(%arg0: i32) -> (i32, i32) {
    %c0_i32 = arith.constant 0 : i32
    %c0_i32_0 = arith.constant 0 : i32
    return %arg0, %c0_i32 : i32, i32
  }
  func.func @transform_3(%arg0: i32) -> (i32, i32) {
    %c0_i32 = arith.constant 0 : i32
    %c0_i32_0 = arith.constant 0 : i32
    %c0_i32_1 = arith.constant 0 : i32
    return %c0_i32, %c0_i32_0 : i32, i32
  }
  func.func @transform_4(%arg0: i32) -> (i32, i32) {
    %c0_i32 = arith.constant 0 : i32
    %c0_i32_0 = arith.constant 0 : i32
    %c0_i32_1 = arith.constant 0 : i32
    return %c0_i32, %c0_i32_0 : i32, i32
  }
  func.func @transform_5(%arg0: i32) -> (i32, i32) {
    %c0_i32 = arith.constant 0 : i32
    %c0_i32_0 = arith.constant 0 : i32
    return %arg0, %c0_i32 : i32, i32
  }
  func.func @transform_6(%arg0: i32) -> (i32, i32) {
    %c0_i32 = arith.constant 0 : i32
    %c0_i32_0 = arith.constant 0 : i32
    return %arg0, %c0_i32 : i32, i32
  }
  func.func @transform_7(%arg0: i32) -> (i32, i32, i32) {
    %jit3A = arith.constant 5 : i32
    %div3A = arith.divsi %arg0, %jit3A : i32
    %sign3A = arith.constant 0 : i32
    %sign3A_0 = arith.cmpi sgt, %arg0, %sign3A : i32
    %sign3A_1 = arith.extui %sign3A_0 : i1 to i32
    %sign3A_2 = arith.constant 0 : i32
    %sign3A_3 = arith.cmpi slt, %arg0, %sign3A_2 : i32
    %sign3A_4 = arith.extui %sign3A_3 : i1 to i32
    %sign3A_5 = arith.subi %sign3A_1, %sign3A_4 : i32
    %sign3A_6 = arith.constant 0 : i32
    %sign3A_7 = arith.cmpi sgt, %jit3A, %sign3A_6 : i32
    %sign3A_8 = arith.extui %sign3A_7 : i1 to i32
    %sign3A_9 = arith.constant 0 : i32
    %sign3A_10 = arith.cmpi slt, %jit3A, %sign3A_9 : i32
    %sign3A_11 = arith.extui %sign3A_10 : i1 to i32
    %sign3A_12 = arith.subi %sign3A_8, %sign3A_11 : i32
    %ne3A = arith.cmpi ne, %sign3A_5, %sign3A_12 : i32
    %rem3A = arith.remsi %arg0, %jit3A : i32
    %ne3A_13 = arith.constant 0 : i32
    %ne3A_14 = arith.cmpi ne, %rem3A, %ne3A_13 : i32
    %and3A = arith.andi %ne3A, %ne3A_14 : i1
    %sub3A = arith.constant 1 : i32
    %sub3A_15 = arith.subi %div3A, %sub3A : i32
    %select_n3A = arith.select %and3A, %sub3A_15, %div3A : i32
    %jit3A_16 = arith.constant 5 : i32
    %eq3A = arith.constant 0 : i32
    %eq3A_17 = arith.cmpi eq, %jit3A_16, %eq3A : i32
    %jit3A_18 = arith.constant 1 : i32
    %select_n3A_19 = arith.select %eq3A_17, %jit3A_18, %jit3A_16 : i32
    %rem3A_20 = arith.remsi %arg0, %select_n3A_19 : i32
    %ne3A_21 = arith.constant 0 : i32
    %ne3A_22 = arith.cmpi ne, %rem3A_20, %ne3A_21 : i32
    %lt3A = arith.constant 0 : i32
    %lt3A_23 = arith.cmpi slt, %rem3A_20, %lt3A : i32
    %lt3A_24 = arith.constant 0 : i32
    %lt3A_25 = arith.cmpi slt, %select_n3A_19, %lt3A_24 : i32
    %ne3A_26 = arith.xori %lt3A_23, %lt3A_25 : i1
    %and3A_27 = arith.andi %ne3A_26, %ne3A_22 : i1
    %add3A = arith.addi %rem3A_20, %select_n3A_19 : i32
    %select_n3A_28 = arith.select %and3A_27, %add3A, %rem3A_20 : i32
    %c0_i32 = arith.constant 0 : i32
    %c0_i32_29 = arith.constant 0 : i32
    return %select_n3A, %select_n3A_28, %c0_i32 : i32, i32, i32
  }
  func.func @transform_8(%arg0: i32) -> (i32, i32) {
    %c0_i32 = arith.constant 0 : i32
    %c0_i32_0 = arith.constant 0 : i32
    return %arg0, %c0_i32 : i32, i32
  }
}

module attributes {stable_mosaic.version = 14 : i64} {
  func.func @_layer_tc_body(%arg0: i32, %arg1: memref<1000x128xf32, #tpu.memory_space<vmem>>, %arg2: memref<1x1000x128xf32, #tpu.memory_space<vmem>>, %arg3: memref<1000x128xf32, #tpu.memory_space<vmem>>, %arg4: memref<128x128xf32, #tpu.memory_space<vmem>>, %arg5: memref<128x128xf32, #tpu.memory_space<vmem>>, %arg6: memref<1000x128xf32, #tpu.memory_space<vmem>>, %arg7: memref<1000x128xf32, #tpu.memory_space<vmem>>, %arg8: memref<1x1000x128xf32, #tpu.memory_space<vmem>>, %arg9: memref<1000x128xf32, #tpu.memory_space<vmem>>) attributes {dimension_semantics = [#tpu.dimension_semantics<arbitrary>], iteration_bounds = array<i64: 10>, scalar_prefetch = 0 : i64, scratch_operands = 0 : i64, tpu.core_type = #tpu.core_type<tc>, window_params = [{transform_indices = @transform_0, window_bounds = array<i64: 1000, 128>}, {transform_indices = @transform_1, window_bounds = array<i64: 1, 1000, 128>}, {transform_indices = @transform_2, window_bounds = array<i64: 1000, 128>}, {pipeline_mode = #tpu.pipeline_mode<synchronous>, transform_indices = @transform_3, window_bounds = array<i64: 128, 128>}, {pipeline_mode = #tpu.pipeline_mode<synchronous>, transform_indices = @transform_4, window_bounds = array<i64: 128, 128>}, {transform_indices = @transform_5, window_bounds = array<i64: 1000, 128>}, {transform_indices = @transform_6, window_bounds = array<i64: 1000, 128>}, {transform_indices = @transform_7, window_bounds = array<i64: 1, 1000, 128>}, {transform_indices = @transform_8, window_bounds = array<i64: 1000, 128>}]} {
    %get3A = arith.constant 0 : index
    %get3A_0 = arith.constant 0 : index
    %get3A_1 = vector.load %arg3[%get3A, %get3A_0] : memref<1000x128xf32, #tpu.memory_space<vmem>>, vector<1000x128xf32>
    %get3A_2 = arith.constant 0 : index
    %get3A_3 = arith.constant 0 : index
    %get3A_4 = arith.constant 0 : index
    %get3A_5 = vector.load %arg2[%get3A_2, %get3A_3, %get3A_4] : memref<1x1000x128xf32, #tpu.memory_space<vmem>>, vector<1x1000x128xf32>
    %get3A_6 = vector.shape_cast %get3A_5 : vector<1x1000x128xf32> to vector<1000x128xf32>
    %mul3A = arith.mulf %get3A_1, %get3A_6 : vector<1000x128xf32>
    %get3A_7 = arith.constant 0 : index
    %get3A_8 = arith.constant 0 : index
    %get3A_9 = vector.load %arg1[%get3A_7, %get3A_8] : memref<1000x128xf32, #tpu.memory_space<vmem>>, vector<1000x128xf32>
    %add3A = arith.addf %get3A_9, %mul3A : vector<1000x128xf32>
    %get3A_10 = arith.constant 0 : index
    %get3A_11 = arith.constant 0 : index
    %get3A_12 = vector.load %arg4[%get3A_10, %get3A_11] : memref<128x128xf32, #tpu.memory_space<vmem>>, vector<128x128xf32>
    %dot_general3A = arith.constant dense<0.000000e+00> : vector<1000x128xf32>
    %dot_general3A_13 = tpu.matmul %add3A, %get3A_12, %dot_general3A {dimension_numbers = #tpu.dot_dimension_numbers<[1], [0], [0], [1], [0, 0, 1, 1], [], []>, precision = #tpu.contract_precision<fp32>, transpose_lhs_hint = false} : vector<1000x128xf32>, vector<128x128xf32>, vector<1000x128xf32> -> vector<1000x128xf32>
    %mul3A_14 = arith.mulf %mul3A, %get3A_9 : vector<1000x128xf32>
    %get3A_15 = arith.constant 0 : index
    %get3A_16 = arith.constant 0 : index
    %get3A_17 = vector.load %arg5[%get3A_15, %get3A_16] : memref<128x128xf32, #tpu.memory_space<vmem>>, vector<128x128xf32>
    %dot_general3A_18 = arith.constant dense<0.000000e+00> : vector<1000x128xf32>
    %dot_general3A_19 = tpu.matmul %mul3A_14, %get3A_17, %dot_general3A_18 {dimension_numbers = #tpu.dot_dimension_numbers<[1], [0], [0], [1], [0, 0, 1, 1], [], []>, precision = #tpu.contract_precision<fp32>, transpose_lhs_hint = false} : vector<1000x128xf32>, vector<128x128xf32>, vector<1000x128xf32> -> vector<1000x128xf32>
    %add3A_20 = arith.addf %dot_general3A_13, %dot_general3A_19 : vector<1000x128xf32>
    %ge3A = arith.constant 0.000000e+00 : f32
    %ge3A_21 = vector.broadcast %ge3A : f32 to vector<1000x128xf32>
    %ge3A_22 = arith.cmpf oge, %add3A_20, %ge3A_21 : vector<1000x128xf32>
    %mul3A_23 = arith.constant 0.00999999977 : f32
    %mul3A_24 = vector.broadcast %mul3A_23 : f32 to vector<1000x128xf32>
    %mul3A_25 = arith.mulf %mul3A_24, %add3A_20 : vector<1000x128xf32>
    %select_n3A = arith.select %ge3A_22, %add3A_20, %mul3A_25 : vector<1000x128xi1>, vector<1000x128xf32>
    %swap3A = arith.constant 0 : index
    %swap3A_26 = arith.constant 0 : index
    %swap3A_27 = vector.load %arg7[%swap3A, %swap3A_26] : memref<1000x128xf32, #tpu.memory_space<vmem>>, vector<1000x128xf32>
    tpu.vector_store %arg7[%swap3A, %swap3A_26], %select_n3A {strides = array<i32>} : memref<1000x128xf32, #tpu.memory_space<vmem>>, vector<1000x128xf32>,
    %mul3A_28 = arith.mulf %get3A_1, %select_n3A : vector<1000x128xf32>
    %swap3A_29 = arith.constant 0 : index
    %swap3A_30 = arith.constant 0 : index
    %swap3A_31 = arith.constant 0 : index
    %swap3A_32 = vector.load %arg8[%swap3A_29, %swap3A_30, %swap3A_31] : memref<1x1000x128xf32, #tpu.memory_space<vmem>>, vector<1x1000x128xf32>
    %swap3A_33 = vector.shape_cast %swap3A_32 : vector<1x1000x128xf32> to vector<1000x128xf32>
    %swap3A_34 = vector.shape_cast %mul3A_28 : vector<1000x128xf32> to vector<1x1000x128xf32>
    tpu.vector_store %arg8[%swap3A_29, %swap3A_30, %swap3A_31], %swap3A_34 {strides = array<i32>} : memref<1x1000x128xf32, #tpu.memory_space<vmem>>, vector<1x1000x128xf32>,
    %get3A_35 = arith.constant 0 : index
    %get3A_36 = arith.constant 0 : index
    %get3A_37 = vector.load %arg6[%get3A_35, %get3A_36] : memref<1000x128xf32, #tpu.memory_space<vmem>>, vector<1000x128xf32>
    %add3A_38 = arith.addf %get3A_37, %select_n3A : vector<1000x128xf32>
    %swap3A_39 = arith.constant 0 : index
    %swap3A_40 = arith.constant 0 : index
    %swap3A_41 = vector.load %arg9[%swap3A_39, %swap3A_40] : memref<1000x128xf32, #tpu.memory_space<vmem>>, vector<1000x128xf32>
    tpu.vector_store %arg9[%swap3A_39, %swap3A_40], %add3A_38 {strides = array<i32>} : memref<1000x128xf32, #tpu.memory_space<vmem>>, vector<1000x128xf32>,
    return
  }
  func.func @transform_0(%arg0: i32) -> (i32, i32) {
    %c0_i32 = arith.constant 0 : i32
    %c0_i32_0 = arith.constant 0 : i32
    return %arg0, %c0_i32 : i32, i32
  }
  func.func @transform_1(%arg0: i32) -> (i32, i32, i32) {
    %jit3A = arith.constant 5 : i32
    %div3A = arith.divsi %arg0, %jit3A : i32
    %sign3A = arith.constant 0 : i32
    %sign3A_0 = arith.cmpi sgt, %arg0, %sign3A : i32
    %sign3A_1 = arith.extui %sign3A_0 : i1 to i32
    %sign3A_2 = arith.constant 0 : i32
    %sign3A_3 = arith.cmpi slt, %arg0, %sign3A_2 : i32
    %sign3A_4 = arith.extui %sign3A_3 : i1 to i32
    %sign3A_5 = arith.subi %sign3A_1, %sign3A_4 : i32
    %sign3A_6 = arith.constant 0 : i32
    %sign3A_7 = arith.cmpi sgt, %jit3A, %sign3A_6 : i32
    %sign3A_8 = arith.extui %sign3A_7 : i1 to i32
    %sign3A_9 = arith.constant 0 : i32
    %sign3A_10 = arith.cmpi slt, %jit3A, %sign3A_9 : i32
    %sign3A_11 = arith.extui %sign3A_10 : i1 to i32
    %sign3A_12 = arith.subi %sign3A_8, %sign3A_11 : i32
    %ne3A = arith.cmpi ne, %sign3A_5, %sign3A_12 : i32
    %rem3A = arith.remsi %arg0, %jit3A : i32
    %ne3A_13 = arith.constant 0 : i32
    %ne3A_14 = arith.cmpi ne, %rem3A, %ne3A_13 : i32
    %and3A = arith.andi %ne3A, %ne3A_14 : i1
    %sub3A = arith.constant 1 : i32
    %sub3A_15 = arith.subi %div3A, %sub3A : i32
    %select_n3A = arith.select %and3A, %sub3A_15, %div3A : i32
    %jit3A_16 = arith.constant 5 : i32
    %eq3A = arith.constant 0 : i32
    %eq3A_17 = arith.cmpi eq, %jit3A_16, %eq3A : i32
    %jit3A_18 = arith.constant 1 : i32
    %select_n3A_19 = arith.select %eq3A_17, %jit3A_18, %jit3A_16 : i32
    %rem3A_20 = arith.remsi %arg0, %select_n3A_19 : i32
    %ne3A_21 = arith.constant 0 : i32
    %ne3A_22 = arith.cmpi ne, %rem3A_20, %ne3A_21 : i32
    %lt3A = arith.constant 0 : i32
    %lt3A_23 = arith.cmpi slt, %rem3A_20, %lt3A : i32
    %lt3A_24 = arith.constant 0 : i32
    %lt3A_25 = arith.cmpi slt, %select_n3A_19, %lt3A_24 : i32
    %ne3A_26 = arith.xori %lt3A_23, %lt3A_25 : i1
    %and3A_27 = arith.andi %ne3A_26, %ne3A_22 : i1
    %add3A = arith.addi %rem3A_20, %select_n3A_19 : i32
    %select_n3A_28 = arith.select %and3A_27, %add3A, %rem3A_20 : i32
    %c0_i32 = arith.constant 0 : i32
    %c0_i32_29 = arith.constant 0 : i32
    return %select_n3A, %select_n3A_28, %c0_i32 : i32, i32, i32
  }
  func.func @transform_2(%arg0: i32) -> (i32, i32) {
    %c0_i32 = arith.constant 0 : i32
    %c0_i32_0 = arith.constant 0 : i32
    return %arg0, %c0_i32 : i32, i32
  }
  func.func @transform_3(%arg0: i32) -> (i32, i32) {
    %c0_i32 = arith.constant 0 : i32
    %c0_i32_0 = arith.constant 0 : i32
    %c0_i32_1 = arith.constant 0 : i32
    return %c0_i32, %c0_i32_0 : i32, i32
  }
  func.func @transform_4(%arg0: i32) -> (i32, i32) {
    %c0_i32 = arith.constant 0 : i32
    %c0_i32_0 = arith.constant 0 : i32
    %c0_i32_1 = arith.constant 0 : i32
    return %c0_i32, %c0_i32_0 : i32, i32
  }
  func.func @transform_5(%arg0: i32) -> (i32, i32) {
    %c0_i32 = arith.constant 0 : i32
    %c0_i32_0 = arith.constant 0 : i32
    return %arg0, %c0_i32 : i32, i32
  }
  func.func @transform_6(%arg0: i32) -> (i32, i32) {
    %c0_i32 = arith.constant 0 : i32
    %c0_i32_0 = arith.constant 0 : i32
    return %arg0, %c0_i32 : i32, i32
  }
  func.func @transform_7(%arg0: i32) -> (i32, i32, i32) {
    %jit3A = arith.constant 5 : i32
    %div3A = arith.divsi %arg0, %jit3A : i32
    %sign3A = arith.constant 0 : i32
    %sign3A_0 = arith.cmpi sgt, %arg0, %sign3A : i32
    %sign3A_1 = arith.extui %sign3A_0 : i1 to i32
    %sign3A_2 = arith.constant 0 : i32
    %sign3A_3 = arith.cmpi slt, %arg0, %sign3A_2 : i32
    %sign3A_4 = arith.extui %sign3A_3 : i1 to i32
    %sign3A_5 = arith.subi %sign3A_1, %sign3A_4 : i32
    %sign3A_6 = arith.constant 0 : i32
    %sign3A_7 = arith.cmpi sgt, %jit3A, %sign3A_6 : i32
    %sign3A_8 = arith.extui %sign3A_7 : i1 to i32
    %sign3A_9 = arith.constant 0 : i32
    %sign3A_10 = arith.cmpi slt, %jit3A, %sign3A_9 : i32
    %sign3A_11 = arith.extui %sign3A_10 : i1 to i32
    %sign3A_12 = arith.subi %sign3A_8, %sign3A_11 : i32
    %ne3A = arith.cmpi ne, %sign3A_5, %sign3A_12 : i32
    %rem3A = arith.remsi %arg0, %jit3A : i32
    %ne3A_13 = arith.constant 0 : i32
    %ne3A_14 = arith.cmpi ne, %rem3A, %ne3A_13 : i32
    %and3A = arith.andi %ne3A, %ne3A_14 : i1
    %sub3A = arith.constant 1 : i32
    %sub3A_15 = arith.subi %div3A, %sub3A : i32
    %select_n3A = arith.select %and3A, %sub3A_15, %div3A : i32
    %jit3A_16 = arith.constant 5 : i32
    %eq3A = arith.constant 0 : i32
    %eq3A_17 = arith.cmpi eq, %jit3A_16, %eq3A : i32
    %jit3A_18 = arith.constant 1 : i32
    %select_n3A_19 = arith.select %eq3A_17, %jit3A_18, %jit3A_16 : i32
    %rem3A_20 = arith.remsi %arg0, %select_n3A_19 : i32
    %ne3A_21 = arith.constant 0 : i32
    %ne3A_22 = arith.cmpi ne, %rem3A_20, %ne3A_21 : i32
    %lt3A = arith.constant 0 : i32
    %lt3A_23 = arith.cmpi slt, %rem3A_20, %lt3A : i32
    %lt3A_24 = arith.constant 0 : i32
    %lt3A_25 = arith.cmpi slt, %select_n3A_19, %lt3A_24 : i32
    %ne3A_26 = arith.xori %lt3A_23, %lt3A_25 : i1
    %and3A_27 = arith.andi %ne3A_26, %ne3A_22 : i1
    %add3A = arith.addi %rem3A_20, %select_n3A_19 : i32
    %select_n3A_28 = arith.select %and3A_27, %add3A, %rem3A_20 : i32
    %c0_i32 = arith.constant 0 : i32
    %c0_i32_29 = arith.constant 0 : i32
    return %select_n3A, %select_n3A_28, %c0_i32 : i32, i32, i32
  }
  func.func @transform_8(%arg0: i32) -> (i32, i32) {
    %c0_i32 = arith.constant 0 : i32
    %c0_i32_0 = arith.constant 0 : i32
    return %arg0, %c0_i32 : i32, i32
  }
}

module attributes {stable_mosaic.version = 14 : i64} {
  func.func @_layer_tc_body(%arg0: i32, %arg1: memref<1000x128xf32, #tpu.memory_space<vmem>>, %arg2: memref<1x1000x128xf32, #tpu.memory_space<vmem>>, %arg3: memref<1000x128xf32, #tpu.memory_space<vmem>>, %arg4: memref<128x128xf32, #tpu.memory_space<vmem>>, %arg5: memref<128x128xf32, #tpu.memory_space<vmem>>, %arg6: memref<1000x128xf32, #tpu.memory_space<vmem>>, %arg7: memref<1000x128xf32, #tpu.memory_space<vmem>>, %arg8: memref<1x1000x128xf32, #tpu.memory_space<vmem>>, %arg9: memref<1000x128xf32, #tpu.memory_space<vmem>>) attributes {dimension_semantics = [#tpu.dimension_semantics<arbitrary>], iteration_bounds = array<i64: 10>, scalar_prefetch = 0 : i64, scratch_operands = 0 : i64, tpu.core_type = #tpu.core_type<tc>, window_params = [{transform_indices = @transform_0, window_bounds = array<i64: 1000, 128>}, {transform_indices = @transform_1, window_bounds = array<i64: 1, 1000, 128>}, {transform_indices = @transform_2, window_bounds = array<i64: 1000, 128>}, {pipeline_mode = #tpu.pipeline_mode<synchronous>, transform_indices = @transform_3, window_bounds = array<i64: 128, 128>}, {pipeline_mode = #tpu.pipeline_mode<synchronous>, transform_indices = @transform_4, window_bounds = array<i64: 128, 128>}, {transform_indices = @transform_5, window_bounds = array<i64: 1000, 128>}, {transform_indices = @transform_6, window_bounds = array<i64: 1000, 128>}, {transform_indices = @transform_7, window_bounds = array<i64: 1, 1000, 128>}, {transform_indices = @transform_8, window_bounds = array<i64: 1000, 128>}]} {
    %get3A = arith.constant 0 : index
    %get3A_0 = arith.constant 0 : index
    %get3A_1 = vector.load %arg3[%get3A, %get3A_0] : memref<1000x128xf32, #tpu.memory_space<vmem>>, vector<1000x128xf32>
    %get3A_2 = arith.constant 0 : index
    %get3A_3 = arith.constant 0 : index
    %get3A_4 = arith.constant 0 : index
    %get3A_5 = vector.load %arg2[%get3A_2, %get3A_3, %get3A_4] : memref<1x1000x128xf32, #tpu.memory_space<vmem>>, vector<1x1000x128xf32>
    %get3A_6 = vector.shape_cast %get3A_5 : vector<1x1000x128xf32> to vector<1000x128xf32>
    %mul3A = arith.mulf %get3A_1, %get3A_6 : vector<1000x128xf32>
    %get3A_7 = arith.constant 0 : index
    %get3A_8 = arith.constant 0 : index
    %get3A_9 = vector.load %arg1[%get3A_7, %get3A_8] : memref<1000x128xf32, #tpu.memory_space<vmem>>, vector<1000x128xf32>
    %add3A = arith.addf %get3A_9, %mul3A : vector<1000x128xf32>
    %get3A_10 = arith.constant 0 : index
    %get3A_11 = arith.constant 0 : index
    %get3A_12 = vector.load %arg4[%get3A_10, %get3A_11] : memref<128x128xf32, #tpu.memory_space<vmem>>, vector<128x128xf32>
    %dot_general3A = arith.constant dense<0.000000e+00> : vector<1000x128xf32>
    %dot_general3A_13 = tpu.matmul %add3A, %get3A_12, %dot_general3A {dimension_numbers = #tpu.dot_dimension_numbers<[1], [0], [0], [1], [0, 0, 1, 1], [], []>, precision = #tpu.contract_precision<fp32>, transpose_lhs_hint = false} : vector<1000x128xf32>, vector<128x128xf32>, vector<1000x128xf32> -> vector<1000x128xf32>
    %mul3A_14 = arith.mulf %mul3A, %get3A_9 : vector<1000x128xf32>
    %get3A_15 = arith.constant 0 : index
    %get3A_16 = arith.constant 0 : index
    %get3A_17 = vector.load %arg5[%get3A_15, %get3A_16] : memref<128x128xf32, #tpu.memory_space<vmem>>, vector<128x128xf32>
    %dot_general3A_18 = arith.constant dense<0.000000e+00> : vector<1000x128xf32>
    %dot_general3A_19 = tpu.matmul %mul3A_14, %get3A_17, %dot_general3A_18 {dimension_numbers = #tpu.dot_dimension_numbers<[1], [0], [0], [1], [0, 0, 1, 1], [], []>, precision = #tpu.contract_precision<fp32>, transpose_lhs_hint = false} : vector<1000x128xf32>, vector<128x128xf32>, vector<1000x128xf32> -> vector<1000x128xf32>
    %add3A_20 = arith.addf %dot_general3A_13, %dot_general3A_19 : vector<1000x128xf32>
    %ge3A = arith.constant 0.000000e+00 : f32
    %ge3A_21 = vector.broadcast %ge3A : f32 to vector<1000x128xf32>
    %ge3A_22 = arith.cmpf oge, %add3A_20, %ge3A_21 : vector<1000x128xf32>
    %mul3A_23 = arith.constant 0.00999999977 : f32
    %mul3A_24 = vector.broadcast %mul3A_23 : f32 to vector<1000x128xf32>
    %mul3A_25 = arith.mulf %mul3A_24, %add3A_20 : vector<1000x128xf32>
    %select_n3A = arith.select %ge3A_22, %add3A_20, %mul3A_25 : vector<1000x128xi1>, vector<1000x128xf32>
    %swap3A = arith.constant 0 : index
    %swap3A_26 = arith.constant 0 : index
    %swap3A_27 = vector.load %arg7[%swap3A, %swap3A_26] : memref<1000x128xf32, #tpu.memory_space<vmem>>, vector<1000x128xf32>
    tpu.vector_store %arg7[%swap3A, %swap3A_26], %select_n3A {strides = array<i32>} : memref<1000x128xf32, #tpu.memory_space<vmem>>, vector<1000x128xf32>,
    %mul3A_28 = arith.mulf %get3A_1, %select_n3A : vector<1000x128xf32>
    %swap3A_29 = arith.constant 0 : index
    %swap3A_30 = arith.constant 0 : index
    %swap3A_31 = arith.constant 0 : index
    %swap3A_32 = vector.load %arg8[%swap3A_29, %swap3A_30, %swap3A_31] : memref<1x1000x128xf32, #tpu.memory_space<vmem>>, vector<1x1000x128xf32>
    %swap3A_33 = vector.shape_cast %swap3A_32 : vector<1x1000x128xf32> to vector<1000x128xf32>
    %swap3A_34 = vector.shape_cast %mul3A_28 : vector<1000x128xf32> to vector<1x1000x128xf32>
    tpu.vector_store %arg8[%swap3A_29, %swap3A_30, %swap3A_31], %swap3A_34 {strides = array<i32>} : memref<1x1000x128xf32, #tpu.memory_space<vmem>>, vector<1x1000x128xf32>,
    %get3A_35 = arith.constant 0 : index
    %get3A_36 = arith.constant 0 : index
    %get3A_37 = vector.load %arg6[%get3A_35, %get3A_36] : memref<1000x128xf32, #tpu.memory_space<vmem>>, vector<1000x128xf32>
    %add3A_38 = arith.addf %get3A_37, %select_n3A : vector<1000x128xf32>
    %swap3A_39 = arith.constant 0 : index
    %swap3A_40 = arith.constant 0 : index
    %swap3A_41 = vector.load %arg9[%swap3A_39, %swap3A_40] : memref<1000x128xf32, #tpu.memory_space<vmem>>, vector<1000x128xf32>
    tpu.vector_store %arg9[%swap3A_39, %swap3A_40], %add3A_38 {strides = array<i32>} : memref<1000x128xf32, #tpu.memory_space<vmem>>, vector<1000x128xf32>,
    return
  }
  func.func @transform_0(%arg0: i32) -> (i32, i32) {
    %c0_i32 = arith.constant 0 : i32
    %c0_i32_0 = arith.constant 0 : i32
    return %arg0, %c0_i32 : i32, i32
  }
  func.func @transform_1(%arg0: i32) -> (i32, i32, i32) {
    %jit3A = arith.constant 5 : i32
    %div3A = arith.divsi %arg0, %jit3A : i32
    %sign3A = arith.constant 0 : i32
    %sign3A_0 = arith.cmpi sgt, %arg0, %sign3A : i32
    %sign3A_1 = arith.extui %sign3A_0 : i1 to i32
    %sign3A_2 = arith.constant 0 : i32
    %sign3A_3 = arith.cmpi slt, %arg0, %sign3A_2 : i32
    %sign3A_4 = arith.extui %sign3A_3 : i1 to i32
    %sign3A_5 = arith.subi %sign3A_1, %sign3A_4 : i32
    %sign3A_6 = arith.constant 0 : i32
    %sign3A_7 = arith.cmpi sgt, %jit3A, %sign3A_6 : i32
    %sign3A_8 = arith.extui %sign3A_7 : i1 to i32
    %sign3A_9 = arith.constant 0 : i32
    %sign3A_10 = arith.cmpi slt, %jit3A, %sign3A_9 : i32
    %sign3A_11 = arith.extui %sign3A_10 : i1 to i32
    %sign3A_12 = arith.subi %sign3A_8, %sign3A_11 : i32
    %ne3A = arith.cmpi ne, %sign3A_5, %sign3A_12 : i32
    %rem3A = arith.remsi %arg0, %jit3A : i32
    %ne3A_13 = arith.constant 0 : i32
    %ne3A_14 = arith.cmpi ne, %rem3A, %ne3A_13 : i32
    %and3A = arith.andi %ne3A, %ne3A_14 : i1
    %sub3A = arith.constant 1 : i32
    %sub3A_15 = arith.subi %div3A, %sub3A : i32
    %select_n3A = arith.select %and3A, %sub3A_15, %div3A : i32
    %jit3A_16 = arith.constant 5 : i32
    %eq3A = arith.constant 0 : i32
    %eq3A_17 = arith.cmpi eq, %jit3A_16, %eq3A : i32
    %jit3A_18 = arith.constant 1 : i32
    %select_n3A_19 = arith.select %eq3A_17, %jit3A_18, %jit3A_16 : i32
    %rem3A_20 = arith.remsi %arg0, %select_n3A_19 : i32
    %ne3A_21 = arith.constant 0 : i32
    %ne3A_22 = arith.cmpi ne, %rem3A_20, %ne3A_21 : i32
    %lt3A = arith.constant 0 : i32
    %lt3A_23 = arith.cmpi slt, %rem3A_20, %lt3A : i32
    %lt3A_24 = arith.constant 0 : i32
    %lt3A_25 = arith.cmpi slt, %select_n3A_19, %lt3A_24 : i32
    %ne3A_26 = arith.xori %lt3A_23, %lt3A_25 : i1
    %and3A_27 = arith.andi %ne3A_26, %ne3A_22 : i1
    %add3A = arith.addi %rem3A_20, %select_n3A_19 : i32
    %select_n3A_28 = arith.select %and3A_27, %add3A, %rem3A_20 : i32
    %c0_i32 = arith.constant 0 : i32
    %c0_i32_29 = arith.constant 0 : i32
    return %select_n3A, %select_n3A_28, %c0_i32 : i32, i32, i32
  }
  func.func @transform_2(%arg0: i32) -> (i32, i32) {
    %c0_i32 = arith.constant 0 : i32
    %c0_i32_0 = arith.constant 0 : i32
    return %arg0, %c0_i32 : i32, i32
  }
  func.func @transform_3(%arg0: i32) -> (i32, i32) {
    %c0_i32 = arith.constant 0 : i32
    %c0_i32_0 = arith.constant 0 : i32
    %c0_i32_1 = arith.constant 0 : i32
    return %c0_i32, %c0_i32_0 : i32, i32
  }
  func.func @transform_4(%arg0: i32) -> (i32, i32) {
    %c0_i32 = arith.constant 0 : i32
    %c0_i32_0 = arith.constant 0 : i32
    %c0_i32_1 = arith.constant 0 : i32
    return %c0_i32, %c0_i32_0 : i32, i32
  }
  func.func @transform_5(%arg0: i32) -> (i32, i32) {
    %c0_i32 = arith.constant 0 : i32
    %c0_i32_0 = arith.constant 0 : i32
    return %arg0, %c0_i32 : i32, i32
  }
  func.func @transform_6(%arg0: i32) -> (i32, i32) {
    %c0_i32 = arith.constant 0 : i32
    %c0_i32_0 = arith.constant 0 : i32
    return %arg0, %c0_i32 : i32, i32
  }
  func.func @transform_7(%arg0: i32) -> (i32, i32, i32) {
    %jit3A = arith.constant 5 : i32
    %div3A = arith.divsi %arg0, %jit3A : i32
    %sign3A = arith.constant 0 : i32
    %sign3A_0 = arith.cmpi sgt, %arg0, %sign3A : i32
    %sign3A_1 = arith.extui %sign3A_0 : i1 to i32
    %sign3A_2 = arith.constant 0 : i32
    %sign3A_3 = arith.cmpi slt, %arg0, %sign3A_2 : i32
    %sign3A_4 = arith.extui %sign3A_3 : i1 to i32
    %sign3A_5 = arith.subi %sign3A_1, %sign3A_4 : i32
    %sign3A_6 = arith.constant 0 : i32
    %sign3A_7 = arith.cmpi sgt, %jit3A, %sign3A_6 : i32
    %sign3A_8 = arith.extui %sign3A_7 : i1 to i32
    %sign3A_9 = arith.constant 0 : i32
    %sign3A_10 = arith.cmpi slt, %jit3A, %sign3A_9 : i32
    %sign3A_11 = arith.extui %sign3A_10 : i1 to i32
    %sign3A_12 = arith.subi %sign3A_8, %sign3A_11 : i32
    %ne3A = arith.cmpi ne, %sign3A_5, %sign3A_12 : i32
    %rem3A = arith.remsi %arg0, %jit3A : i32
    %ne3A_13 = arith.constant 0 : i32
    %ne3A_14 = arith.cmpi ne, %rem3A, %ne3A_13 : i32
    %and3A = arith.andi %ne3A, %ne3A_14 : i1
    %sub3A = arith.constant 1 : i32
    %sub3A_15 = arith.subi %div3A, %sub3A : i32
    %select_n3A = arith.select %and3A, %sub3A_15, %div3A : i32
    %jit3A_16 = arith.constant 5 : i32
    %eq3A = arith.constant 0 : i32
    %eq3A_17 = arith.cmpi eq, %jit3A_16, %eq3A : i32
    %jit3A_18 = arith.constant 1 : i32
    %select_n3A_19 = arith.select %eq3A_17, %jit3A_18, %jit3A_16 : i32
    %rem3A_20 = arith.remsi %arg0, %select_n3A_19 : i32
    %ne3A_21 = arith.constant 0 : i32
    %ne3A_22 = arith.cmpi ne, %rem3A_20, %ne3A_21 : i32
    %lt3A = arith.constant 0 : i32
    %lt3A_23 = arith.cmpi slt, %rem3A_20, %lt3A : i32
    %lt3A_24 = arith.constant 0 : i32
    %lt3A_25 = arith.cmpi slt, %select_n3A_19, %lt3A_24 : i32
    %ne3A_26 = arith.xori %lt3A_23, %lt3A_25 : i1
    %and3A_27 = arith.andi %ne3A_26, %ne3A_22 : i1
    %add3A = arith.addi %rem3A_20, %select_n3A_19 : i32
    %select_n3A_28 = arith.select %and3A_27, %add3A, %rem3A_20 : i32
    %c0_i32 = arith.constant 0 : i32
    %c0_i32_29 = arith.constant 0 : i32
    return %select_n3A, %select_n3A_28, %c0_i32 : i32, i32, i32
  }
  func.func @transform_8(%arg0: i32) -> (i32, i32) {
    %c0_i32 = arith.constant 0 : i32
    %c0_i32_0 = arith.constant 0 : i32
    return %arg0, %c0_i32 : i32, i32
  }
}

</mosaic_0001>

<sc_bundles>
// kernel: kernel.10.cloned.1.call-start
scs
__scs_entry_jumppad:
0x0: {  	(pc) =	sbr.rel $0x88, $3  }
0x1: {  	(tag) =	ssettag $0x0;
	lr =	simm.s32 $0x1  }
0x2: {  	[smem:$0x3F9C] =	sst lr;
	_ =	strace $0xD0000000  }
0x3: {  	_ = 	snop  }
0x4: {  	_ = 	snop  }
0x5: {  	_ = 	snop  }
0x6: {  	_ = 	snop  }
0x7: {  	_ = 	snop  }
__scs_overlays_trampoline_lowered:
0x8: {  	[smem:$0x3FAB] =	sst s0  }
0x9: {  	[smem:$0x3FAC] =	sst s1  }
0xa: {  	[smem:$0x3FAD] =	sst s2  }
0xb: {  	[smem:$0x3FAE] =	sst s3  }
0xc: {  	[smem:$0x3FAF] =	sst s4  }
0xd: {  	[smem:$0x3FB0] =	sst s5  }
0xe: {  	[smem:$0x3FB1] =	sst s6  }
0xf: {  	[smem:$0x3FB2] =	sst s7  }
0x10: {  	[smem:$0x3FB3] =	sst s8  }
0x11: {  	[smem:$0x3FB4] =	sst s9;
	s0 =	simm.s32 @!p0 $0x0  }
0x12: {  	s1 =	sld [smem:$0x3F9A];
	s0 =	simm.s32 @p0 $0x1  }
0x13: {  	[smem:$0x3FB5] =	sst s0;
	s0 =	simm.s32 @!p1 $0x0  }
0x14: {  	s2 =	sld [smem:$0x3F99];
	s0 =	simm.s32 @p1 $0x1  }
0x15: {  	[smem:$0x3FB6] =	sst s0;
	s0 =	simm.s32 @!p2 $0x0  }
0x16: {  	s3 =	sld [smem:$0x3FDB];
	s0 =	simm.s32 @p2 $0x1  }
0x17: {  	s4 =	simm.s32 $0x1BF5;
	[smem:$0x3FB8] =	sst s0  }
0x18: {  	s0 =	sld [smem:$0x3F9B];
	_ =	swait.ge [sflag:s4], $0x0  }
0x19: {  	s7 =	sld [smem:$0x3F9C]  }
0x1a: {  	s8 =	sadd.s32 $0xFFFFE003, lr  }
0x1b: {  	s9 =	sadd.s32 $0xFFFFFEF7, lr;
	s5 =	simm.s32 $0xFFFFFFFF;
	p2 =	slt.u32 s8, $0xFFFFF086  }
0x1c: {  	p1 =	slt.u32 s9, $0xF7A;
	s5 =	simm.s32 @!p2 $0x0  }
0x1d: {  	s5 =	simm.s32 @p1 $0x1;
	p0 =	seq.s32 s7, s2  }
0x1e: {  	s7 =	smul.u32 @!p0 $0xF7A, s2;
	p2 =	seq.s32 @!p0 s5, $0x0  }
0x1f: {  	s9 =	smul.u32 $0xF7A, s1;
	s8 =	simm.s32 @!p0 $0x1BF5;
	p2 =	por !p2, p0  }
0x20: {  	[sflag:s8] =	ssyncset.s32 @!p0 $0xFFFFF086;
	s6 =	sadd.s32 @!p0 s3, s7;
	s7 =	simm.s32 @!p0 $0x108  }
0x21: {  	s3 =	sadd.s32 s3, s9;
	s6 =	sadd.s32 @!p0 $0x88, s6;
	s7 =	simm.s32 @p2 $0x1082  }
0x22: {  	[simem:s7], [sflag:s8] =	dma.local @!p0 [hbm:s6], $0xF7A  }
0x23: {  	s9 =	sor.u32 $0xD0000000, s2;
	s6 =	simm.s32 $0x108;
	_ =	swait.ge @!p0 [sflag:s8], $0x0  }
0x24: {  	s3 =	sadd.s32 $0x88, s3;
	s6 =	simm.s32 @!p1 $0x1082;
	[sflag:s4] =	ssyncset.s32 $0xFFFFF086  }
0x25: {  	[simem:s6], [sflag:s4] =	dma.local [hbm:s3], $0xF7A  }
0x26: {  	[smem:$0x3F9C] =	sst s1;
	(tag) =	ssettag s2;
	_ =	strace s9  }
0x27: {  	s1 =	sld [smem:$0x3FAC]  }
0x28: {  	s2 =	sld [smem:$0x3FAD]  }
0x29: {  	s4 =	sld [smem:$0x3FAF]  }
0x2a: {  	p0 =	seq.s32 s5, $0x0;
	s5 =	sld [smem:$0x3FB0]  }
0x2b: {  	s6 =	sld [smem:$0x3FB1]  }
0x2c: {  	s7 =	sld [smem:$0x3FB2]  }
0x2d: {  	s3 =	simm.s32 $0x108;
	s8 =	sld [smem:$0x3FB3]  }
0x2e: {  	s3 =	simm.s32 @!p0 $0x1082;
	s9 =	sld [smem:$0x3FB4]  }
0x2f: {  	lr =	sadd.s32 s0, s3;
	s0 =	sld [smem:$0x3FAB]  }
0x30: {  	s3 =	sld [smem:$0x3FAE]  }
0x31: {  	[smem:$0x3FB7] =	sst s10  }
0x32: {  	s10 =	sld [smem:$0x3FB5];
	_ =	sdelay $0x3  }
0x33: {  	p0 =	seq.s32 s10, $0x1;
	s10 =	sld [smem:$0x3FB7];
	_ =	sdelay $0x3  }
0x34: {  	[smem:$0x3FB7] =	sst s10  }
0x35: {  	s10 =	sld [smem:$0x3FB6];
	_ =	sdelay $0x3  }
0x36: {  	p1 =	seq.s32 s10, $0x1;
	s10 =	sld [smem:$0x3FB7];
	_ =	sdelay $0x3  }
0x37: {  	[smem:$0x3FB7] =	sst s10  }
0x38: {  	s10 =	sld [smem:$0x3FB8]  }
0x39: {  	_ = 	snop;
	(pc) =	sbr.ind lr, $3  }
0x3a: {  	_ = 	snop  }
0x3b: {  	_ = 	snop  }
0x3c: {  	p2 =	seq.s32 s10, $0x1;
	s10 =	sld [smem:$0x3FB7]  }
0x3d: {  	_ =	shalt  }
0x3e: {  	_ =	shalt  }
0x3f: {  	_ =	shalt  }
0x40: {  	_ =	shalt  }
0x41: {  	_ =	shalt  }
0x42: {  	_ =	shalt  }
0x43: {  	_ =	shalt  }
0x44: {  	_ =	shalt  }
0x45: {  	_ =	shalt  }
0x46: {  	_ =	shalt  }
0x47: {  	_ =	shalt  }
0x48: {  	_ =	shalt  }
0x49: {  	_ =	shalt  }
0x4a: {  	_ =	shalt  }
0x4b: {  	_ =	shalt  }
0x4c: {  	_ =	shalt  }
0x4d: {  	_ =	shalt  }
0x4e: {  	_ =	shalt  }
0x4f: {  	_ =	shalt  }
0x50: {  	_ =	shalt  }
0x51: {  	_ =	shalt  }
0x52: {  	_ =	shalt  }
0x53: {  	_ =	shalt  }
0x54: {  	_ =	shalt  }
0x55: {  	_ =	shalt  }
0x56: {  	_ =	shalt  }
0x57: {  	_ =	shalt  }
0x58: {  	_ =	shalt  }
0x59: {  	_ =	shalt  }
0x5a: {  	_ =	shalt  }
0x5b: {  	_ =	shalt  }
0x5c: {  	_ =	shalt  }
0x5d: {  	_ =	shalt  }
0x5e: {  	_ =	shalt  }
0x5f: {  	_ =	shalt  }
0x60: {  	_ =	shalt  }
0x61: {  	_ =	shalt  }
0x62: {  	_ =	shalt  }
0x63: {  	_ =	shalt  }
0x64: {  	_ =	shalt  }
0x65: {  	_ =	shalt  }
0x66: {  	_ =	shalt  }
0x67: {  	_ =	shalt  }
0x68: {  	_ =	shalt  }
0x69: {  	_ =	shalt  }
0x6a: {  	_ =	shalt  }
0x6b: {  	_ =	shalt  }
0x6c: {  	_ =	shalt  }
0x6d: {  	_ =	shalt  }
0x6e: {  	_ =	shalt  }
0x6f: {  	_ =	shalt  }
0x70: {  	_ =	shalt  }
0x71: {  	_ =	shalt  }
0x72: {  	_ =	shalt  }
0x73: {  	_ =	shalt  }
0x74: {  	_ =	shalt  }
0x75: {  	_ =	shalt  }
0x76: {  	_ =	shalt  }
0x77: {  	_ =	shalt  }
0x78: {  	_ =	shalt  }
0x79: {  	_ =	shalt  }
0x7a: {  	_ =	shalt  }
0x7b: {  	_ =	shalt  }
0x7c: {  	_ =	shalt  }
0x7d: {  	_ =	shalt  }
0x7e: {  	_ =	shalt  }
0x7f: {  	_ =	shalt  }
0x80: {  	_ =	shalt  }
0x81: {  	_ =	shalt  }
0x82: {  	_ =	shalt  }
0x83: {  	_ =	shalt  }
0x84: {  	_ =	shalt  }
0x85: {  	_ =	shalt  }
0x86: {  	_ =	shalt  }
0x87: {  	_ =	shalt  }
.Lfunc_end0:
.L_simem_size_0:
called_computation_lowered:
.L_overlay_start_0:
0x88: {  	s2 =	sld [smem:$0x3FD9]  }
0x89: {  	s3 =	sld [smem:$0x3FFE];
	_ =	sdelay $0x1  }
0x8a: {  	s1 =	srdreg.scid  }
0x8b: {  	s0 =	sand.u32 $0x1, s1  }
0x8c: {  	s14 =	sshll.u32 s0, $0xA;
	s2 =	sadd.s32 s3, s2  }
0x8d: {  	s2 =	sadd.s32 s2, s14  }
0x8e: {  	[smem:$0x3FC3] =	sst s2  }
0x8f: {  	_ = 	snop  }
0x90: {  	s2 =	sld [smem:$0x3FD0];
	_ =	sdelay $0x2  }
0x91: {  	s15 =	simm.s32 $0xA;
	s4 =	simm.s32 $0x10  }
0x92: {  	[smem:s4], [sflag:s15] =	dma.local [hbm:s2], $0x1  }
0x93: {  	_ =	swait.eq [sflag:s15], $0x1  }
0x94: {  	[sflag:s15] =	ssyncset.done $0x0  }
0x95: {  	s16 =	sld [smem:$0x10];
	[sflag:s15] =	ssyncadd.s32 $0xFFFFFFFF  }
0x96: {  	s17 =	sld [smem:$0x11];
	(tm) =	ssettm $0x1  }
0x97: {  	s18 =	sld [smem:$0x3FFB];
	_ =	sdelay $0x3  }
0x98: {  	_ =	strace s18  }
0x99: {  	s4 =	sld [smem:$0x3FFC];
	_ =	sdelay $0x3  }
0x9a: {  	_ =	strace s4  }
0x9b: {  	s4 =	sld [smem:$0x3FFD];
	_ =	sdelay $0x3  }
0x9c: {  	_ =	strace s4  }
0x9d: {  	_ =	strace $0x8FFFFFFF  }
0x9e: {  	s19 =	sld [smem:$0x3FDB];
	_ =	sdelay $0x1  }
0x9f: {  	s5 =	simm.s32 $_scs_section_size  }
0xa0: {  	s6 =	simm.s32 $_size__tile_overlayer_lowered;
	s7 =	simm.s32 $_tile_overlayer_lowered  }
0xa1: {  	s22 =	simm.s32 $0x1BFF;
	s21 =	sshll.u32 s7, $0x1;
	s4 =	sadd.s32 s5, s19  }
0xa2: {  	s8 =	simm.s32 $0x0;
	s20 =	sshll.u32 s6, $0x1;
	s6 =	sadd.s32 s21, s4  }
0xa3: {  	[timem:s8], [sflag:s22] =	dma.local [hbm:s6], s20  }
0xa4: {  	_ =	swait.ge [sflag:s22], s20  }
0xa5: {  	s5 =	ssub.s32 $0x0, s20;
	[sflag:s22] =	ssyncset.done $0x0  }
0xa6: {  	[sflag:s22] =	ssyncadd.s32 s5;
	_ =	sdelay $0x1  }
0xa7: {  	s23 =	simm.s32 $0x1B8B  }
0xa8: {  	_ =	swait.ge [sflag:s23], $0x1  }
0xa9: {  	[sflag:s23] =	ssyncset.done $0x0  }
0xaa: {  	s25 =	simm.s32 $0x1B8E;
	s24 =	sld [smem:$0x3FFE];
	[sflag:s23] =	ssyncadd.s32 $0xFFFFFFFF  }
0xab: {  	s26 =	simm.s32 $execute0_lowered;
	[smem:$0x3FD2] =	sst s25  }
0xac: {  	s6 =	sshll.u32 s26, $0x1;
	_ =	strace $0x80000046;
	[dreg:$0x1] =	wrdreg $0xFFFFFFFF  }
0xad: {  	s28 =	simm.s32 $_size_execute0_lowered;
	s4 =	sadd.s32 s4, s6;
	[dreg:$0x0] =	wrdreg $0x0  }
0xae: {  	s6 =	sshll.u32 s28, $0x1;
	[dreg:$0x2] =	wrdreg s4  }
0xaf: {  	[dreg:$0x3] =	wrdreg s6  }
0xb0: {  	[dreg:$0x4] =	wrdreg $0xC0  }
0xb1: {  	_ =	task [dreg:s8], $0x5FFFF  }
0xb2: {  	[dreg:$0x1] =	wrdreg $0xFFFFFFFF  }
0xb3: {  	[dreg:$0x0] =	wrdreg $0x60  }
0xb4: {  	[dreg:$0x2] =	wrdreg s24  }
0xb5: {  	[dreg:$0x3] =	wrdreg s17  }
0xb6: {  	[dreg:$0x4] =	wrdreg s16  }
0xb7: {  	[dreg:$0x5] =	wrdreg $0x90000  }
0xb8: {  	[dreg:$0x6] =	wrdreg $0x9  }
0xb9: {  	_ =	task.clear_ibuf [dreg:s8], $0x7FFFF;
	_ =	strace $0x90000046  }
0xba: {  	s29 =	simm.s32 $0x9;
	_ =	strace $0x80000048  }
0xbb: {  	_ =	swait.ge [sflag:s29], $0x1  }
0xbc: {  	[sflag:s29] =	ssyncadd.s32 $0xFFFFFFFF  }
0xbd: {  	_ =	strace $0x90000048  }
0xbe: {  	_ =	sfence  }
0xbf: {  	s30 =	sld [smem:$0x0];
	_ =	sdelay $0x2  }
0xc0: {  	s31 =	sshll.u32 s1, $0xD;
	s1 =	sshrl.u32 s1, $0x2  }
0xc1: {  	s3 =	sand.u32 $0x4000, s31;
	s1 =	sadd.s32 s1, s30  }
0xc2: {  	s0 =	sor.u32 s3, s0;
	s1 =	sshll.u32 s1, $0x11  }
0xc3: {  	s0 =	sor.u32 s1, s0  }
0xc4: {  	s0 =	sadd.s32 $0x8F2B, s0  }
0xc5: {  	[sflag:s0] =	ssyncadd.remote.s32 $0x1  }
0xc6: {  	_ =	sfence.sel $0xFFFF  }
0xc7: {  	[dreg:$0x0] =	wrdreg $0xFFFFFFFF;
	(pc) =	sbr.abs _section_cstart, $3  }
0xc8: {  	[dreg:$0x1] =	wrdreg $0xFFFFFFFF  }
0xc9: {  	_ =	task.clear_ibuf [dreg:s8], $0x2FFFF;
	_ =	strace $0x9FFFFFFF  }
0xca: {  	(tm) =	ssettm $0x7FFFFFFF  }
0xcb: {  	_ =	shalt  }
tec
execute0_lowered:
.L_overlay_start_1:
0x0: {  	(tag) =	ssettag $0x1  }
0x1: {  	s6 =	rddreg [dreg:$0x0]  }
0x2: {  	s1 =	rddreg [dreg:$0x1]  }
0x3: {  	s3 =	rddreg [dreg:$0x2]  }
0x4: {  	s0 =	srdreg.scid;
	s4 =	rddreg [dreg:$0x3]  }
0x5: {  	s2 =	rddreg [dreg:$0x4];
	s5 =	simm.s32 $0x0;
	s11 =	simm.s32 $0x2  }
0x6: {  	s12 =	simm.s32 $0x5000;
	s15 =	simm.s32 $0x180;
	s7 =	sand.u32 $0x1, s0  }
0x7: {  	s16 =	simm.s32 $0x1;
	s0 =	stileid.u32;
	s8 =	smul.u32 $0xA0000, s7  }
0x8: {  	s17 =	simm.s32 $0x0;
	[smem:$0x7FF] =	sst s5;
	s9 =	smul.u32 $0xA000, s0  }
0x9: {  	s30 =	smul.u32 $0x28000, s0;
	_ =	strace $0x80000047;
	s7 =	ssub.s32 $0x2, s7  }
0xa: {  	s13 =	sshll.u32 s0, $0x6;
	s31 =	sshrl.u32 s7, $0x1;
	s8 =	sadd.s32 s9, s8  }
0xb: {  	s13 =	sor.u32 $0x1C02, s13;
	s9 =	sshrl.u32 s30, $0x2;
	s8 =	sshrl.u32 s8, $0x3  }
0xc: {  	s10 =	ssub.s32 s7, s31;
	s14 =	sadd.s32 s9, s4;
	s8 =	sadd.s32 s8, s6  }
0xd: {  	s9 =	simm.s32 $0x80;
	s14 =	sshrl.u32 s14, $0x3;
	s6 =	sadd.s32 $0x2610, s8  }
0xe: {  	s7 =	sadd.s32 $0x2A600, s8;
	s8 =	smax.u32 s10, $0x1;
	s10 =	simm.s32 $0x100  }
.LBB2_1:
0xf: {  	[tilespmem:s5], [sflag:$0x2] =	stream.strided.gather [hbm4b:s6+s9], $0x5000, s10, s9, $0x38;
	[tilespmem:$0x13000] =	vst v63  }
0x10: {  	_ =	swait.ge [sflag:s11], $0x5000  }
0x11: {  	[sflag:s11] =	ssyncset.done $0x0  }
0x12: {  	[sflag:s11] =	ssyncadd.s32 $0xFFFFB000  }
0x13: {  	[tilespmem:s12], [sflag:$0x2] =	stream.linear.gather [hbm4b:s1+s5], $0x4000, $0x38;
	[tilespmem:$0x13000] =	vst v63  }
0x14: {  	_ =	swait.ge [sflag:s11], $0x4000  }
0x15: {  	[sflag:s11] =	ssyncset.done $0x0  }
0x16: {  	[sflag:s11] =	ssyncadd.s32 $0xFFFFC000  }
0x17: {  	[spmem:s14], [sflag:s13] =	dma.local [hbm:s3], $0x1400  }
0x18: {  	_ =	swait.ge [sflag:s11], $0x1400  }
0x19: {  	[sflag:s11] =	ssyncset.done $0x0  }
0x1a: {  	[sflag:s11] =	ssyncadd.s32 $0xFFFFEC00  }
0x1b: {  	[bflag:$0x0] =	sbarrier.arrive $0xFFFF  }
0x1c: {  	[spmem:s4] =	stream.indirect.scatter.add.f32 [tilespmem:s12], [sflag:$0x1], $0x80, s5, s9, $0xb8;
	[tilespmem:$0x13000] =	vst v63  }
0x1d: {  	_ = 	snop  }
0x1e: {  	[spmem:s4] =	stream.indirect.scatter.add.f32 [tilespmem:s12], [sflag:$0x1], $0x80, s9, s9, $0xb8;
	[tilespmem:$0x13000] =	vst v63  }
0x1f: {  	_ = 	snop  }
0x20: {  	[spmem:s4] =	stream.indirect.scatter.add.f32 [tilespmem:s12], [sflag:$0x1], $0x80, s10, s9, $0xb8;
	[tilespmem:$0x13000] =	vst v63  }
0x21: {  	_ = 	snop  }
0x22: {  	[spmem:s4] =	stream.indirect.scatter.add.f32 [tilespmem:s12], [sflag:$0x1], $0x80, s15, s9, $0xb8;
	[tilespmem:$0x13000] =	vst v63  }
0x23: {  	_ =	swait.ge [sflag:s16], $0x4000  }
0x24: {  	[sflag:s16] =	ssyncset.done $0x0  }
0x25: {  	s18 =	simm.s32 $0xA00;
	s19 =	simm.s32 $0x200;
	[sflag:s16] =	ssyncadd.s32 $0xFFFFC000  }
.LBB2_2:
0x26: {  	[spmem:s4] =	stream.indirect.scatter.add.f32 [tilespmem:s12], [sflag:$0x1], $0x80, s19, s9, $0xb8;
	[tilespmem:$0x13000] =	vst v63  }
0x27: {  	s19 =	smov.u32 s18;
	p0 =	sne.s32 s18, $0x13E00  }
.Ltmp0:
0x28: {  	s18 =	sadd.s32 $0x200, s18;
	(pc) =	sbr.rel @p0 .LBB2_2-.Ltmp0, $4  }
0x29: {  	_ = 	snop  }
0x2a: {  	_ =	swait.ge [sflag:s16], $0x4000  }
0x2b: {  	[sflag:s16] =	ssyncset.done $0x0  }
0x2c: {  	s19 =	sshra.s32 s19, $0x2;
	[sflag:s16] =	ssyncadd.s32 $0xFFFFC000  }
0x2d: {  	[spmem:s4] =	stream.indirect.scatter.add.f32 [tilespmem:s12], [sflag:$0x1], $0x80, s19, s9, $0xb8;
	[tilespmem:$0x13000] =	vst v63  }
0x2e: {  	_ =	swait.ge [sflag:s16], $0x4000  }
0x2f: {  	[sflag:s16] =	ssyncset.done $0x0  }
0x30: {  	[sflag:s16] =	ssyncadd.s32 $0xFFFFC000  }
0x31: {  	_ =	swait.ge [sflag:s16], $0x4000  }
0x32: {  	[sflag:s16] =	ssyncset.done $0x0  }
0x33: {  	[sflag:s16] =	ssyncadd.s32 $0xFFFFC000  }
0x34: {  	_ =	swait.ge [sflag:s16], $0x4000  }
0x35: {  	[sflag:s16] =	ssyncset.done $0x0  }
0x36: {  	[sflag:s16] =	ssyncadd.s32 $0xFFFFC000  }
0x37: {  	_ =	swait.ge [sflag:s16], $0x4000  }
0x38: {  	s17 =	sadd.s32 $0x1, s17;
	[sflag:s16] =	ssyncset.done $0x0  }
0x39: {  	p0 =	sne.s32 s17, s8;
	[sflag:s16] =	ssyncadd.s32 $0xFFFFC000  }
.Ltmp1:
0x3a: {  	[bflag:$0x0] =	sbarrier.arrive $0xFFFF;
	(pc) =	sbr.rel @p0 .LBB2_1-.Ltmp1, $4  }
0x3b: {  	[hbm:s7], [sflag:s13] =	dma.local [spmem:s14], $0x1400  }
0x3c: {  	_ =	swait.ge [sflag:s11], $0x1400  }
0x3d: {  	[sflag:s11] =	ssyncset.done $0x0  }
0x3e: {  	[sflag:s11] =	ssyncadd.s32 $0xFFFFEC00  }
0x3f: {  	_ =	sfence.sel $0x180000  }
0x40: {  	[bflag:$0x0] =	sbarrier.arrive $0xFFFF  }
0x41: {  	p0 =	sne.s32 s0, $0x0;
	_ =	strace $0x90000047  }
0x42: {  	s0 =	sadd.s32 @!p0 $0x100000, s2;
	[bflag:$0x2] =	sbarrier.arrive $0xFFFF  }
0x43: {  	[sflag:s0] =	ssyncadd.tile.s32 @!p0 $0x1;
	_ =	shalt  }
.Lfunc_end2:
_tile_overlayer_lowered:
.L_overlay_start_2:
0x44: {  	(tag) =	ssettag $0x2  }
0x45: {  	s0 =	rddreg [dreg:$0x0];
	s2 =	stileid.u32  }
0x46: {  	s1 =	rddreg [dreg:$0x1];
	p0 =	sne.s32 s2, $0x0  }
0x47: {  	s3 =	rddreg [dreg:$0x2];
	[bflag:$0x3] =	sbarrier.arrive $0xFFFF;
	s2 =	simm.s32 @!p0 $0x1C02  }
0x48: {  	[timem:s3], [sflag:s2] =	dma.local @!p0 [hbm:s0], s1  }
0x49: {  	s0 =	simm.s32 @!p0 $0x2  }
0x4a: {  	_ =	swait.ge @!p0 [sflag:s0], s1  }
0x4b: {  	s1 =	ssub.s32 @!p0 $0x0, s1;
	[sflag:s0] =	ssyncset.done @!p0 $0x0  }
0x4c: {  	[sflag:s0] =	ssyncadd.s32 @!p0 s1  }
0x4d: {  	[bflag:$0x3] =	sbarrier.arrive $0xFFFF  }
0x4e: {  	_ =	shalt  }

// kernel: kernel.13.cloned.1.call-start
scs
__scs_entry_jumppad:
0x0: {  	(pc) =	sbr.rel $0x88, $3  }
0x1: {  	(tag) =	ssettag $0x0;
	lr =	simm.s32 $0x1  }
0x2: {  	[smem:$0x3F9C] =	sst lr;
	_ =	strace $0xD0000000  }
0x3: {  	_ = 	snop  }
0x4: {  	_ = 	snop  }
0x5: {  	_ = 	snop  }
0x6: {  	_ = 	snop  }
0x7: {  	_ = 	snop  }
__scs_overlays_trampoline_lowered:
0x8: {  	[smem:$0x3FAB] =	sst s0  }
0x9: {  	[smem:$0x3FAC] =	sst s1  }
0xa: {  	[smem:$0x3FAD] =	sst s2  }
0xb: {  	[smem:$0x3FAE] =	sst s3  }
0xc: {  	[smem:$0x3FAF] =	sst s4  }
0xd: {  	[smem:$0x3FB0] =	sst s5  }
0xe: {  	[smem:$0x3FB1] =	sst s6  }
0xf: {  	[smem:$0x3FB2] =	sst s7  }
0x10: {  	[smem:$0x3FB3] =	sst s8  }
0x11: {  	[smem:$0x3FB4] =	sst s9;
	s0 =	simm.s32 @!p0 $0x0  }
0x12: {  	s1 =	sld [smem:$0x3F9A];
	s0 =	simm.s32 @p0 $0x1  }
0x13: {  	[smem:$0x3FB5] =	sst s0;
	s0 =	simm.s32 @!p1 $0x0  }
0x14: {  	s2 =	sld [smem:$0x3F99];
	s0 =	simm.s32 @p1 $0x1  }
0x15: {  	[smem:$0x3FB6] =	sst s0;
	s0 =	simm.s32 @!p2 $0x0  }
0x16: {  	s3 =	sld [smem:$0x3FDB];
	s0 =	simm.s32 @p2 $0x1  }
0x17: {  	s4 =	simm.s32 $0x1BF5;
	[smem:$0x3FB8] =	sst s0  }
0x18: {  	s0 =	sld [smem:$0x3F9B];
	_ =	swait.ge [sflag:s4], $0x0  }
0x19: {  	s7 =	sld [smem:$0x3F9C]  }
0x1a: {  	s8 =	sadd.s32 $0xFFFFE003, lr  }
0x1b: {  	s9 =	sadd.s32 $0xFFFFFEF7, lr;
	s5 =	simm.s32 $0xFFFFFFFF;
	p2 =	slt.u32 s8, $0xFFFFF086  }
0x1c: {  	p1 =	slt.u32 s9, $0xF7A;
	s5 =	simm.s32 @!p2 $0x0  }
0x1d: {  	s5 =	simm.s32 @p1 $0x1;
	p0 =	seq.s32 s7, s2  }
0x1e: {  	s7 =	smul.u32 @!p0 $0xF7A, s2;
	p2 =	seq.s32 @!p0 s5, $0x0  }
0x1f: {  	s9 =	smul.u32 $0xF7A, s1;
	s8 =	simm.s32 @!p0 $0x1BF5;
	p2 =	por !p2, p0  }
0x20: {  	[sflag:s8] =	ssyncset.s32 @!p0 $0xFFFFF086;
	s6 =	sadd.s32 @!p0 s3, s7;
	s7 =	simm.s32 @!p0 $0x108  }
0x21: {  	s3 =	sadd.s32 s3, s9;
	s6 =	sadd.s32 @!p0 $0x88, s6;
	s7 =	simm.s32 @p2 $0x1082  }
0x22: {  	[simem:s7], [sflag:s8] =	dma.local @!p0 [hbm:s6], $0xF7A  }
0x23: {  	s9 =	sor.u32 $0xD0000000, s2;
	s6 =	simm.s32 $0x108;
	_ =	swait.ge @!p0 [sflag:s8], $0x0  }
0x24: {  	s3 =	sadd.s32 $0x88, s3;
	s6 =	simm.s32 @!p1 $0x1082;
	[sflag:s4] =	ssyncset.s32 $0xFFFFF086  }
0x25: {  	[simem:s6], [sflag:s4] =	dma.local [hbm:s3], $0xF7A  }
0x26: {  	[smem:$0x3F9C] =	sst s1;
	(tag) =	ssettag s2;
	_ =	strace s9  }
0x27: {  	s1 =	sld [smem:$0x3FAC]  }
0x28: {  	s2 =	sld [smem:$0x3FAD]  }
0x29: {  	s4 =	sld [smem:$0x3FAF]  }
0x2a: {  	p0 =	seq.s32 s5, $0x0;
	s5 =	sld [smem:$0x3FB0]  }
0x2b: {  	s6 =	sld [smem:$0x3FB1]  }
0x2c: {  	s7 =	sld [smem:$0x3FB2]  }
0x2d: {  	s3 =	simm.s32 $0x108;
	s8 =	sld [smem:$0x3FB3]  }
0x2e: {  	s3 =	simm.s32 @!p0 $0x1082;
	s9 =	sld [smem:$0x3FB4]  }
0x2f: {  	lr =	sadd.s32 s0, s3;
	s0 =	sld [smem:$0x3FAB]  }
0x30: {  	s3 =	sld [smem:$0x3FAE]  }
0x31: {  	[smem:$0x3FB7] =	sst s10  }
0x32: {  	s10 =	sld [smem:$0x3FB5];
	_ =	sdelay $0x3  }
0x33: {  	p0 =	seq.s32 s10, $0x1;
	s10 =	sld [smem:$0x3FB7];
	_ =	sdelay $0x3  }
0x34: {  	[smem:$0x3FB7] =	sst s10  }
0x35: {  	s10 =	sld [smem:$0x3FB6];
	_ =	sdelay $0x3  }
0x36: {  	p1 =	seq.s32 s10, $0x1;
	s10 =	sld [smem:$0x3FB7];
	_ =	sdelay $0x3  }
0x37: {  	[smem:$0x3FB7] =	sst s10  }
0x38: {  	s10 =	sld [smem:$0x3FB8]  }
0x39: {  	_ = 	snop;
	(pc) =	sbr.ind lr, $3  }
0x3a: {  	_ = 	snop  }
0x3b: {  	_ = 	snop  }
0x3c: {  	p2 =	seq.s32 s10, $0x1;
	s10 =	sld [smem:$0x3FB7]  }
0x3d: {  	_ =	shalt  }
0x3e: {  	_ =	shalt  }
0x3f: {  	_ =	shalt  }
0x40: {  	_ =	shalt  }
0x41: {  	_ =	shalt  }
0x42: {  	_ =	shalt  }
0x43: {  	_ =	shalt  }
0x44: {  	_ =	shalt  }
0x45: {  	_ =	shalt  }
0x46: {  	_ =	shalt  }
0x47: {  	_ =	shalt  }
0x48: {  	_ =	shalt  }
0x49: {  	_ =	shalt  }
0x4a: {  	_ =	shalt  }
0x4b: {  	_ =	shalt  }
0x4c: {  	_ =	shalt  }
0x4d: {  	_ =	shalt  }
0x4e: {  	_ =	shalt  }
0x4f: {  	_ =	shalt  }
0x50: {  	_ =	shalt  }
0x51: {  	_ =	shalt  }
0x52: {  	_ =	shalt  }
0x53: {  	_ =	shalt  }
0x54: {  	_ =	shalt  }
0x55: {  	_ =	shalt  }
0x56: {  	_ =	shalt  }
0x57: {  	_ =	shalt  }
0x58: {  	_ =	shalt  }
0x59: {  	_ =	shalt  }
0x5a: {  	_ =	shalt  }
0x5b: {  	_ =	shalt  }
0x5c: {  	_ =	shalt  }
0x5d: {  	_ =	shalt  }
0x5e: {  	_ =	shalt  }
0x5f: {  	_ =	shalt  }
0x60: {  	_ =	shalt  }
0x61: {  	_ =	shalt  }
0x62: {  	_ =	shalt  }
0x63: {  	_ =	shalt  }
0x64: {  	_ =	shalt  }
0x65: {  	_ =	shalt  }
0x66: {  	_ =	shalt  }
0x67: {  	_ =	shalt  }
0x68: {  	_ =	shalt  }
0x69: {  	_ =	shalt  }
0x6a: {  	_ =	shalt  }
0x6b: {  	_ =	shalt  }
0x6c: {  	_ =	shalt  }
0x6d: {  	_ =	shalt  }
0x6e: {  	_ =	shalt  }
0x6f: {  	_ =	shalt  }
0x70: {  	_ =	shalt  }
0x71: {  	_ =	shalt  }
0x72: {  	_ =	shalt  }
0x73: {  	_ =	shalt  }
0x74: {  	_ =	shalt  }
0x75: {  	_ =	shalt  }
0x76: {  	_ =	shalt  }
0x77: {  	_ =	shalt  }
0x78: {  	_ =	shalt  }
0x79: {  	_ =	shalt  }
0x7a: {  	_ =	shalt  }
0x7b: {  	_ =	shalt  }
0x7c: {  	_ =	shalt  }
0x7d: {  	_ =	shalt  }
0x7e: {  	_ =	shalt  }
0x7f: {  	_ =	shalt  }
0x80: {  	_ =	shalt  }
0x81: {  	_ =	shalt  }
0x82: {  	_ =	shalt  }
0x83: {  	_ =	shalt  }
0x84: {  	_ =	shalt  }
0x85: {  	_ =	shalt  }
0x86: {  	_ =	shalt  }
0x87: {  	_ =	shalt  }
.Lfunc_end0:
.L_simem_size_0:
called_computation.1_lowered:
.L_overlay_start_0:
0x88: {  	s2 =	sld [smem:$0x3FD9]  }
0x89: {  	s3 =	sld [smem:$0x3FFE];
	_ =	sdelay $0x1  }
0x8a: {  	s1 =	srdreg.scid  }
0x8b: {  	s0 =	sand.u32 $0x1, s1  }
0x8c: {  	s14 =	sshll.u32 s0, $0xA;
	s2 =	sadd.s32 s3, s2  }
0x8d: {  	s2 =	sadd.s32 s2, s14  }
0x8e: {  	[smem:$0x3FC3] =	sst s2  }
0x8f: {  	_ = 	snop  }
0x90: {  	s2 =	sld [smem:$0x3FD0];
	_ =	sdelay $0x2  }
0x91: {  	s15 =	simm.s32 $0xA;
	s4 =	simm.s32 $0x10  }
0x92: {  	[smem:s4], [sflag:s15] =	dma.local [hbm:s2], $0x1  }
0x93: {  	_ =	swait.eq [sflag:s15], $0x1  }
0x94: {  	[sflag:s15] =	ssyncset.done $0x0  }
0x95: {  	[sflag:s15] =	ssyncadd.s32 $0xFFFFFFFF  }
0x96: {  	s16 =	sld [smem:$0x10];
	(tm) =	ssettm $0x1  }
0x97: {  	s17 =	sld [smem:$0x3FFB];
	_ =	sdelay $0x3  }
0x98: {  	_ =	strace s17  }
0x99: {  	s3 =	sld [smem:$0x3FFC];
	_ =	sdelay $0x3  }
0x9a: {  	_ =	strace s3  }
0x9b: {  	s3 =	sld [smem:$0x3FFD];
	_ =	sdelay $0x3  }
0x9c: {  	_ =	strace s3  }
0x9d: {  	_ =	strace $0x8FFFFFFF  }
0x9e: {  	s18 =	sld [smem:$0x3FDB];
	_ =	sdelay $0x1  }
0x9f: {  	s19 =	simm.s32 $_scs_section_size  }
0xa0: {  	s5 =	simm.s32 $_size__tile_overlayer_lowered;
	s6 =	simm.s32 $_tile_overlayer_lowered  }
0xa1: {  	s22 =	simm.s32 $0x1BFF;
	s21 =	sshll.u32 s6, $0x1;
	s3 =	sadd.s32 s19, s18  }
0xa2: {  	s7 =	simm.s32 $0x0;
	s20 =	sshll.u32 s5, $0x1;
	s5 =	sadd.s32 s21, s3  }
0xa3: {  	[timem:s7], [sflag:s22] =	dma.local [hbm:s5], s20  }
0xa4: {  	_ =	swait.ge [sflag:s22], s20  }
0xa5: {  	s4 =	ssub.s32 $0x0, s20;
	[sflag:s22] =	ssyncset.done $0x0  }
0xa6: {  	[sflag:s22] =	ssyncadd.s32 s4;
	_ =	sdelay $0x1  }
0xa7: {  	s23 =	simm.s32 $0x1B8B  }
0xa8: {  	_ =	swait.ge [sflag:s23], $0x1  }
0xa9: {  	[sflag:s23] =	ssyncset.done $0x0  }
0xaa: {  	s25 =	simm.s32 $0x1B8E;
	s24 =	sld [smem:$0x3FFE];
	[sflag:s23] =	ssyncadd.s32 $0xFFFFFFFF  }
0xab: {  	s26 =	simm.s32 $execute0_lowered;
	[smem:$0x3FD2] =	sst s25  }
0xac: {  	s5 =	sshll.u32 s26, $0x1;
	_ =	strace $0x80000049;
	[dreg:$0x1] =	wrdreg $0xFFFFFFFF  }
0xad: {  	s28 =	simm.s32 $_size_execute0_lowered;
	s3 =	sadd.s32 s3, s5;
	[dreg:$0x0] =	wrdreg $0x0  }
0xae: {  	s5 =	sshll.u32 s28, $0x1;
	[dreg:$0x2] =	wrdreg s3  }
0xaf: {  	[dreg:$0x3] =	wrdreg s5  }
0xb0: {  	[dreg:$0x4] =	wrdreg $0xC0  }
0xb1: {  	_ =	task [dreg:s7], $0x5FFFF  }
0xb2: {  	[dreg:$0x1] =	wrdreg $0xFFFFFFFF  }
0xb3: {  	[dreg:$0x0] =	wrdreg $0x60  }
0xb4: {  	[dreg:$0x2] =	wrdreg s24  }
0xb5: {  	[dreg:$0x3] =	wrdreg s16  }
0xb6: {  	[dreg:$0x4] =	wrdreg $0xB0000  }
0xb7: {  	[dreg:$0x5] =	wrdreg $0x150000  }
0xb8: {  	[dreg:$0x6] =	wrdreg $0x9  }
0xb9: {  	_ =	task.clear_ibuf [dreg:s7], $0x7FFFF;
	_ =	strace $0x90000049  }
0xba: {  	s29 =	simm.s32 $0x9;
	_ =	strace $0x8000004B  }
0xbb: {  	_ =	swait.ge [sflag:s29], $0x1  }
0xbc: {  	[sflag:s29] =	ssyncadd.s32 $0xFFFFFFFF  }
0xbd: {  	_ =	strace $0x9000004B  }
0xbe: {  	_ =	sfence  }
0xbf: {  	s30 =	sld [smem:$0x0];
	_ =	sdelay $0x2  }
0xc0: {  	s31 =	sshll.u32 s1, $0xD;
	s1 =	sshrl.u32 s1, $0x2  }
0xc1: {  	s3 =	sand.u32 $0x4000, s31;
	s1 =	sadd.s32 s1, s30  }
0xc2: {  	s0 =	sor.u32 s3, s0;
	s1 =	sshll.u32 s1, $0x11  }
0xc3: {  	s0 =	sor.u32 s1, s0  }
0xc4: {  	s0 =	sadd.s32 $0x8F2B, s0  }
0xc5: {  	[sflag:s0] =	ssyncadd.remote.s32 $0x1  }
0xc6: {  	_ =	sfence.sel $0xFFFF  }
0xc7: {  	[dreg:$0x0] =	wrdreg $0xFFFFFFFF;
	(pc) =	sbr.abs _section_cstart, $3  }
0xc8: {  	[dreg:$0x1] =	wrdreg $0xFFFFFFFF  }
0xc9: {  	_ =	task.clear_ibuf [dreg:s7], $0x2FFFF;
	_ =	strace $0x9FFFFFFF  }
0xca: {  	(tm) =	ssettm $0x7FFFFFFF  }
0xcb: {  	_ =	shalt  }
tec
execute0_lowered:
.L_overlay_start_1:
0x0: {  	(tag) =	ssettag $0x1  }
0x1: {  	s0 =	rddreg [dreg:$0x0];
	s1 =	srdreg.scid  }
0x2: {  	s11 =	stileid.u32;
	s3 =	rddreg [dreg:$0x2]  }
0x3: {  	s4 =	rddreg [dreg:$0x3];
	s15 =	simm.s32 $0x4;
	s18 =	simm.s32 $0x80  }
0x4: {  	s19 =	simm.s32 $0x3000;
	s20 =	simm.s32 $0x7000;
	s21 =	simm.s32 $0x1  }
0x5: {  	s22 =	simm.s32 $0x2;
	s23 =	simm.s32 $0x3;
	s24 =	simm.s32 $0x0  }
0x6: {  	s1 =	sand.u32 $0x1, s1;
	s2 =	smul.u32 $0xA000, s11;
	s29 =	sshll.u32 s11, $0x6  }
0x7: {  	s5 =	sxor.u32 $0x1, s1;
	s7 =	smul.u32 $0xA0000, s1;
	s1 =	ssub.s32 $0x2, s1  }
0x8: {  	s6 =	smul.u32 $0xA0000, s5;
	s5 =	simm.s32 $0x0;
	s9 =	sshrl.u32 s1, $0x1  }
0x9: {  	s14 =	sadd.s32 s2, s3;
	[smem:$0x7FF] =	sst s5;
	s1 =	ssub.s32 s1, s9  }
0xa: {  	s6 =	sadd.s32 s2, s6;
	_ =	strace $0x8000004A;
	s31 =	smax.u32 s1, $0x1  }
0xb: {  	s8 =	sshrl.u32 s6, $0x3;
	s6 =	sadd.s32 s2, s7;
	s7 =	sadd.s32 $0x2600, s0  }
0xc: {  	[dreg:$0x8] =	wrdreg s31;
	s8 =	sadd.s32 s8, s0;
	s10 =	sshrl.u32 s6, $0x3  }
0xd: {  	s0 =	sadd.s32 s10, s0;
	s8 =	sadd.s32 $0x2A600, s8;
	s10 =	sadd.s32 s7, s10  }
0xe: {  	s9 =	sor.u32 $0x1C04, s29;
	[dreg:$0x5] =	wrdreg s8;
	s30 =	sadd.s32 $0x200, s10  }
0xf: {  	s2 =	sadd.s32 s2, s4;
	s0 =	sadd.s32 $0x52600, s0;
	[dreg:$0x6] =	wrdreg s30  }
0x10: {  	s14 =	sshrl.u32 s14, $0x3;
	s16 =	sshrl.u32 s2, $0x3;
	[dreg:$0x7] =	wrdreg s0  }
.LBB2_1:
0x11: {  	s0 =	rddreg [dreg:$0x5]  }
0x12: {  	[spmem:s14], [sflag:s9] =	dma.local [hbm:s0], $0x1400  }
0x13: {  	_ =	swait.ge [sflag:s15], $0x1400  }
0x14: {  	[sflag:s15] =	ssyncset.done $0x0  }
0x15: {  	[sflag:s15] =	ssyncadd.s32 $0xFFFFEC00  }
0x16: {  	s30 =	rddreg [dreg:$0x1]  }
0x17: {  	[spmem:s16], [sflag:s9] =	dma.local [hbm:s30], $0x1400  }
0x18: {  	_ =	swait.ge [sflag:s15], $0x1400  }
0x19: {  	[sflag:s15] =	ssyncset.done $0x0  }
0x1a: {  	[sflag:s15] =	ssyncadd.s32 $0xFFFFEC00  }
0x1b: {  	[tilespmem:s5], [sflag:$0x4] =	stream.linear.gather [hbm4b:s10+s5], $0x1000, $0x38;
	[tilespmem:$0x1F000] =	vst v63  }
0x1c: {  	_ =	swait.ge [sflag:s15], $0x1000  }
0x1d: {  	[sflag:s15] =	ssyncset.done $0x0  }
0x1e: {  	s1 =	simm.s32 $0x1000;
	s31 =	rddreg [dreg:$0x6];
	[sflag:s15] =	ssyncadd.s32 $0xFFFFF000  }
0x1f: {  	[tilespmem:s1], [sflag:$0x3] =	stream.linear.gather [hbm4b:s31+s5], $0x1000, $0x38;
	[tilespmem:$0x1F000] =	vst v63  }
0x20: {  	s25 =	simm.s32 $0x380;
	s26 =	simm.s32 $0x0;
	[bflag:$0x0] =	sbarrier.arrive $0xFFFF  }
0x21: {  	[tilespmem:s19], [sflag:$0x1] =	stream.indirect.gather [spmem:s3], $0x80, s5, s18, $0xb8;
	[tilespmem:$0x1F000] =	vst v63  }
.LBB2_3:
0x22: {  	s11 =	smul.u32 $0xAB, s26;
	_ =	sdelay $0x1  }
0x23: {  	p0 =	seq.s32 s26, $0x0;
	s1 =	sshrl.u32 s11, $0x9  }
0x24: {  	s0 =	simm.s32 @!p0 $0x2;
	s1 =	sand.u32 $0x7F, s1  }
0x25: {  	_ =	swait.ge @!p0 [sflag:s0], $0x4000;
	s1 =	smul.u32 $0x3, s1  }
0x26: {  	p1 =	seq.s32 @!p0 s26, $0x9;
	[sflag:s0] =	ssyncset.done @!p0 $0x0  }
0x27: {  	p1 =	por p0, !p1;
	[sflag:s0] =	ssyncadd.s32 @!p0 $0xFFFFC000;
	s1 =	ssub.s32 s26, s1  }
0x28: {  	_ =	swait.ge @p1 [sflag:s23], $0x1000;
	s1 =	sand.u32 $0xFF, s1  }
0x29: {  	[sflag:s23] =	ssyncset.done @p1 $0x0;
	s1 =	sshll.u32 s1, $0xC  }
0x2a: {  	s12 =	smulhi.u32 $0xAAAAAAAB, s26;
	[sflag:s23] =	ssyncadd.s32 @p1 $0xFFFFF000;
	s2 =	sadd.s32 $0x100, s1  }
0x2b: {  	[tilespmem:s20], [sflag:$0x1] =	stream.indirect.gather [spmem:s3], $0x80, s2, s18, $0xb8;
	[tilespmem:$0x1F000] =	vst v63  }
0x2c: {  	s31 =	simm.s32 $0x50000;
	s17 =	sadd.s32 $0x156, s11;
	_ =	swait.ge [sflag:s21], $0x4000  }
0x2d: {  	s8 =	simm.s32 $0x30000;
	s17 =	sshrl.u32 s17, $0x9;
	[sflag:s21] =	ssyncset.done $0x0  }
0x2e: {  	s0 =	sadd.s32 $0xAB, s11;
	s28 =	sadd.s32 $0x80, s1;
	[sflag:s21] =	ssyncadd.s32 $0xFFFFC000  }
0x2f: {  	[spmem:s4] =	stream.indirect.scatter.add.f32 [tilespmem:s19], [sflag:$0x2], $0x80, s28, s18, $0xb8;
	[tilespmem:$0x1F000] =	vst v63  }
0x30: {  	s17 =	sand.u32 $0x7F, s17;
	p0 =	sgt.u32 s26, $0x7;
	_ =	swait.ge [sflag:s22], $0x4000  }
0x31: {  	s17 =	smul.u32 $0x3, s17;
	s0 =	sshrl.u32 s0, $0x9;
	[sflag:s22] =	ssyncset.done $0x0  }
0x32: {  	s0 =	sand.u32 $0x7F, s0;
	s29 =	sadd.s32 $0x200, s1;
	[sflag:s22] =	ssyncadd.s32 $0xFFFFC000  }
0x33: {  	[tilespmem:s19], [sflag:$0x1] =	stream.indirect.gather [spmem:s3], $0x80, s29, s18, $0xb8;
	[tilespmem:$0x1F000] =	vst v63  }
0x34: {  	s0 =	smul.u32 $0x3, s0;
	s28 =	sadd.s32 $0x2, s26;
	_ =	swait.ge [sflag:s21], $0x4000  }
0x35: {  	s13 =	sadd.s32 $0x300, s1;
	s17 =	ssub.s32 s28, s17;
	[sflag:s21] =	ssyncset.done $0x0  }
0x36: {  	s28 =	sshll.u32 s28, $0xC;
	s29 =	sadd.s32 $0x180, s1;
	[sflag:s21] =	ssyncadd.s32 $0xFFFFC000  }
0x37: {  	[spmem:s4] =	stream.indirect.scatter.add.f32 [tilespmem:s20], [sflag:$0x2], $0x80, s29, s18, $0xb8;
	[tilespmem:$0x1F000] =	vst v63  }
0x38: {  	s17 =	sand.u32 $0xFF, s17;
	s28 =	sadd.s32 s6, s28;
	_ =	swait.ge [sflag:s22], $0x4000  }
0x39: {  	s17 =	sshll.u32 s17, $0xC;
	s28 =	sshrl.u32 s28, $0x3;
	[sflag:s22] =	ssyncset.done $0x0  }
0x3a: {  	s28 =	sadd.s32 s7, s28;
	s29 =	simm.s32 @!p0 $0x0;
	[sflag:s22] =	ssyncadd.s32 $0xFFFFC000  }
0x3b: {  	[tilespmem:s17], [sflag:$0x3] =	stream.linear.gather @!p0 [hbm4b:s28+s29], $0x1000, $0x38;
	[tilespmem:$0x1F000] =	vst v63  }
0x3c: {  	s2 =	sshrl.u32 s12, $0x1;
	s1 =	sadd.s32 $0x280, s1;
	s28 =	sadd.s32 $0x1, s26  }
0x3d: {  	s29 =	smul.u32 $0xFFFF4000, s2;
	p0 =	por $0x0, $0x0;
	s0 =	ssub.s32 s28, s0  }
0x3e: {  	[tilespmem:s20], [sflag:$0x1] =	stream.indirect.gather [spmem:s3], $0x80, s13, s18, $0xb8;
	[tilespmem:$0x1F000] =	vst v63  }
0x3f: {  	p1 =	seq.s32 @p0 s26, $0x9;
	s0 =	sand.u32 $0xFF, s0;
	_ =	swait.ge [sflag:s21], $0x4000  }
0x40: {  	p1 =	por p1, !p0;
	s30 =	sshll.u32 s0, $0xC;
	[sflag:s21] =	ssyncset.done $0x0  }
0x41: {  	s0 =	simm.s32 $0x40000;
	s2 =	simm.s32 @!p1 $0x80;
	[sflag:s21] =	ssyncadd.s32 $0xFFFFC000  }
0x42: {  	[spmem:s4] =	stream.indirect.scatter.add.f32 [tilespmem:s19], [sflag:$0x2], $0x80, s1, s18, $0xb8;
	[tilespmem:$0x1F000] =	vst v63  }
0x43: {  	s17 =	simm.s32 @!p1 $0x3000;
	s0 =	sand.u32 @!p0 $0x10000, s0;
	_ =	swait.ge [sflag:s22], $0x4000  }
0x44: {  	s0 =	sshrl.u32 @!p0 s0, $0x2;
	s1 =	sshra.s32 @!p0 s29, $0x2;
	[sflag:s22] =	ssyncset.done $0x0  }
0x45: {  	s0 =	sor.u32 @!p0 $0x3000, s0;
	s1 =	sadd.s32 @!p0 s1, s25;
	[sflag:s22] =	ssyncadd.s32 $0xFFFFC000  }
0x46: {  	[tilespmem:s17], [sflag:$0x1] =	stream.indirect.gather @!p1 [spmem:s3], $0x80, s30, s2, $0xb8;
	[tilespmem:$0x1F000] =	vst v63  }
0x47: {  	s1 =	sadd.s32 @!p0 $0x80, s1;
	s17 =	simm.s32 @!p0 $0x80;
	s2 =	sadd.s32 $0x100, s25  }
0x48: {  	[tilespmem:s0], [sflag:$0x1] =	stream.indirect.gather @!p0 [spmem:s3], $0x80, s1, s17, $0xb8;
	[tilespmem:$0x1F000] =	vst v63  }
0x49: {  	s17 =	sand.u32 $0x10000, s8;
	s0 =	sshra.s32 s29, $0x2;
	_ =	swait.ge [sflag:s21], $0x4000  }
0x4a: {  	s17 =	sshrl.u32 s17, $0x2;
	s1 =	sadd.s32 s0, s25;
	[sflag:s21] =	ssyncset.done $0x0  }
.LBB2_4:
0x4b: {  	s8 =	sor.u32 $0x3000, s17;
	[sflag:s21] =	ssyncadd.s32 $0xFFFFC000  }
0x4c: {  	s17 =	smov.u32 s31;
	s31 =	sadd.s32 $0x10000, s31;
	s11 =	smov.u32 s2  }
0x4d: {  	[spmem:s4] =	stream.indirect.scatter.add.f32 [tilespmem:s8], [sflag:$0x2], $0x80, s1, s18, $0xb8;
	[tilespmem:$0x1F000] =	vst v63  }
0x4e: {  	p0 =	seq.s32 s31, $0x110000;
	_ =	sdelay $0x1  }
0x4f: {  	p1 =	seq.s32 s17, $0x100000;
	_ =	swait.ge [sflag:s22], $0x4000  }
0x50: {  	p2 =	seq.s32 @p1 s26, $0x9;
	s1 =	sand.u32 @!p1 $0x10000, s17;
	s8 =	sshra.s32 @!p1 s29, $0x2  }
0x51: {  	p2 =	por p2, !p1;
	s1 =	sshrl.u32 @!p1 s1, $0x2;
	s8 =	sadd.s32 @!p1 s8, s2  }
0x52: {  	s12 =	simm.s32 @!p2 $0x80;
	s13 =	simm.s32 @!p2 $0x3000;
	[sflag:s22] =	ssyncset.done $0x0  }
0x53: {  	s1 =	sor.u32 @!p1 $0x3000, s1;
	s8 =	sadd.s32 @!p1 $0x80, s8;
	[sflag:s22] =	ssyncadd.s32 $0xFFFFC000  }
0x54: {  	[tilespmem:s13], [sflag:$0x1] =	stream.indirect.gather @!p2 [spmem:s3], $0x80, s30, s12, $0xb8;
	[tilespmem:$0x1F000] =	vst v63  }
.Ltmp0:
0x55: {  	_ = 	snop;
	(pc) =	sbr.rel @!p0 .LBB2_4-.Ltmp0, $4  }
0x56: {  	s2 =	sadd.s32 $0x100, s2;
	s12 =	simm.s32 @!p1 $0x80;
	s13 =	sadd.s32 $0xFFFF0000, s17  }
0x57: {  	[tilespmem:s1], [sflag:$0x1] =	stream.indirect.gather @!p1 [spmem:s3], $0x80, s8, s12, $0xb8;
	[tilespmem:$0x1F000] =	vst v63  }
0x58: {  	s1 =	sand.u32 $0x10000, s13;
	_ =	swait.ge [sflag:s21], $0x4000  }
0x59: {  	s17 =	sshrl.u32 s1, $0x2;
	s1 =	sadd.s32 s0, s11;
	[sflag:s21] =	ssyncset.done $0x0  }
0x5a: {  	s0 =	sor.u32 $0x3000, s17;
	[sflag:s21] =	ssyncadd.s32 $0xFFFFC000  }
0x5b: {  	[spmem:s4] =	stream.indirect.scatter.add.f32 [tilespmem:s0], [sflag:$0x2], $0x80, s1, s18, $0xb8;
	[tilespmem:$0x1F000] =	vst v63  }
0x5c: {  	p0 =	seq.s32 s28, $0xA  }
.Ltmp1:
0x5d: {  	_ = 	snop;
	(pc) =	sbr.rel @!p0 .LBB2_3-.Ltmp1, $2  }
0x5e: {  	_ =	sdelay $0x2  }
0x5f: {  	s25 =	sadd.s32 $0x1000, s25;
	s26 =	smov.u32 s28  }
0x60: {  	_ =	swait.ge [sflag:s22], $0x4000  }
0x61: {  	[sflag:s22] =	ssyncset.done $0x0  }
0x62: {  	[sflag:s22] =	ssyncadd.s32 $0xFFFFC000  }
0x63: {  	[bflag:$0x0] =	sbarrier.arrive $0xFFFF  }
0x64: {  	s0 =	rddreg [dreg:$0x7]  }
0x65: {  	[hbm:s0], [sflag:s9] =	dma.local [spmem:s16], $0x1400  }
0x66: {  	_ =	swait.ge [sflag:s15], $0x1400  }
0x67: {  	s24 =	sadd.s32 $0x1, s24;
	s31 =	rddreg [dreg:$0x8]  }
0x68: {  	p0 =	sne.s32 s24, s31  }
.Ltmp2:
0x69: {  	_ = 	snop;
	(pc) =	sbr.rel @p0 .LBB2_1-.Ltmp2, $3  }
0x6a: {  	_ =	sdelay $0x1  }
0x6b: {  	[sflag:s15] =	ssyncset.done $0x0  }
0x6c: {  	[sflag:s15] =	ssyncadd.s32 $0xFFFFEC00  }
0x6d: {  	_ =	sfence.sel $0x180000  }
0x6e: {  	[bflag:$0x0] =	sbarrier.arrive $0xFFFF  }
0x6f: {  	_ =	strace $0x9000004A  }
0x70: {  	s0 =	stileid.u32;
	[bflag:$0x2] =	sbarrier.arrive $0xFFFF  }
0x71: {  	p0 =	sne.s32 s0, $0x0;
	s0 =	rddreg [dreg:$0x4]  }
0x72: {  	s0 =	sadd.s32 @!p0 $0x100000, s0  }
0x73: {  	[sflag:s0] =	ssyncadd.tile.s32 @!p0 $0x1;
	_ =	shalt  }
.Lfunc_end2:
_tile_overlayer_lowered:
.L_overlay_start_2:
0x74: {  	(tag) =	ssettag $0x2  }
0x75: {  	s0 =	rddreg [dreg:$0x0];
	s2 =	stileid.u32  }
0x76: {  	s1 =	rddreg [dreg:$0x1];
	p0 =	sne.s32 s2, $0x0  }
0x77: {  	s3 =	rddreg [dreg:$0x2];
	[bflag:$0x3] =	sbarrier.arrive $0xFFFF;
	s2 =	simm.s32 @!p0 $0x1C04  }
0x78: {  	[timem:s3], [sflag:s2] =	dma.local @!p0 [hbm:s0], s1  }
0x79: {  	s0 =	simm.s32 @!p0 $0x4  }
0x7a: {  	_ =	swait.ge @!p0 [sflag:s0], s1  }
0x7b: {  	s1 =	ssub.s32 @!p0 $0x0, s1;
	[sflag:s0] =	ssyncset.done @!p0 $0x0  }
0x7c: {  	[sflag:s0] =	ssyncadd.s32 @!p0 s1  }
0x7d: {  	[bflag:$0x3] =	sbarrier.arrive $0xFFFF  }
0x7e: {  	_ =	shalt  }

// kernel: kernel.16.cloned.1.call-start
scs
__scs_entry_jumppad:
0x0: {  	(pc) =	sbr.rel $0x88, $3  }
0x1: {  	(tag) =	ssettag $0x0;
	lr =	simm.s32 $0x1  }
0x2: {  	[smem:$0x3F9C] =	sst lr;
	_ =	strace $0xD0000000  }
0x3: {  	_ = 	snop  }
0x4: {  	_ = 	snop  }
0x5: {  	_ = 	snop  }
0x6: {  	_ = 	snop  }
0x7: {  	_ = 	snop  }
__scs_overlays_trampoline_lowered:
0x8: {  	[smem:$0x3FAB] =	sst s0  }
0x9: {  	[smem:$0x3FAC] =	sst s1  }
0xa: {  	[smem:$0x3FAD] =	sst s2  }
0xb: {  	[smem:$0x3FAE] =	sst s3  }
0xc: {  	[smem:$0x3FAF] =	sst s4  }
0xd: {  	[smem:$0x3FB0] =	sst s5  }
0xe: {  	[smem:$0x3FB1] =	sst s6  }
0xf: {  	[smem:$0x3FB2] =	sst s7  }
0x10: {  	[smem:$0x3FB3] =	sst s8  }
0x11: {  	[smem:$0x3FB4] =	sst s9;
	s0 =	simm.s32 @!p0 $0x0  }
0x12: {  	s1 =	sld [smem:$0x3F9A];
	s0 =	simm.s32 @p0 $0x1  }
0x13: {  	[smem:$0x3FB5] =	sst s0;
	s0 =	simm.s32 @!p1 $0x0  }
0x14: {  	s2 =	sld [smem:$0x3F99];
	s0 =	simm.s32 @p1 $0x1  }
0x15: {  	[smem:$0x3FB6] =	sst s0;
	s0 =	simm.s32 @!p2 $0x0  }
0x16: {  	s3 =	sld [smem:$0x3FDB];
	s0 =	simm.s32 @p2 $0x1  }
0x17: {  	s4 =	simm.s32 $0x1BF5;
	[smem:$0x3FB8] =	sst s0  }
0x18: {  	s0 =	sld [smem:$0x3F9B];
	_ =	swait.ge [sflag:s4], $0x0  }
0x19: {  	s7 =	sld [smem:$0x3F9C]  }
0x1a: {  	s8 =	sadd.s32 $0xFFFFE003, lr  }
0x1b: {  	s9 =	sadd.s32 $0xFFFFFEF7, lr;
	s5 =	simm.s32 $0xFFFFFFFF;
	p2 =	slt.u32 s8, $0xFFFFF086  }
0x1c: {  	p1 =	slt.u32 s9, $0xF7A;
	s5 =	simm.s32 @!p2 $0x0  }
0x1d: {  	s5 =	simm.s32 @p1 $0x1;
	p0 =	seq.s32 s7, s2  }
0x1e: {  	s7 =	smul.u32 @!p0 $0xF7A, s2;
	p2 =	seq.s32 @!p0 s5, $0x0  }
0x1f: {  	s9 =	smul.u32 $0xF7A, s1;
	s8 =	simm.s32 @!p0 $0x1BF5;
	p2 =	por !p2, p0  }
0x20: {  	[sflag:s8] =	ssyncset.s32 @!p0 $0xFFFFF086;
	s6 =	sadd.s32 @!p0 s3, s7;
	s7 =	simm.s32 @!p0 $0x108  }
0x21: {  	s3 =	sadd.s32 s3, s9;
	s6 =	sadd.s32 @!p0 $0x88, s6;
	s7 =	simm.s32 @p2 $0x1082  }
0x22: {  	[simem:s7], [sflag:s8] =	dma.local @!p0 [hbm:s6], $0xF7A  }
0x23: {  	s9 =	sor.u32 $0xD0000000, s2;
	s6 =	simm.s32 $0x108;
	_ =	swait.ge @!p0 [sflag:s8], $0x0  }
0x24: {  	s3 =	sadd.s32 $0x88, s3;
	s6 =	simm.s32 @!p1 $0x1082;
	[sflag:s4] =	ssyncset.s32 $0xFFFFF086  }
0x25: {  	[simem:s6], [sflag:s4] =	dma.local [hbm:s3], $0xF7A  }
0x26: {  	[smem:$0x3F9C] =	sst s1;
	(tag) =	ssettag s2;
	_ =	strace s9  }
0x27: {  	s1 =	sld [smem:$0x3FAC]  }
0x28: {  	s2 =	sld [smem:$0x3FAD]  }
0x29: {  	s4 =	sld [smem:$0x3FAF]  }
0x2a: {  	p0 =	seq.s32 s5, $0x0;
	s5 =	sld [smem:$0x3FB0]  }
0x2b: {  	s6 =	sld [smem:$0x3FB1]  }
0x2c: {  	s7 =	sld [smem:$0x3FB2]  }
0x2d: {  	s3 =	simm.s32 $0x108;
	s8 =	sld [smem:$0x3FB3]  }
0x2e: {  	s3 =	simm.s32 @!p0 $0x1082;
	s9 =	sld [smem:$0x3FB4]  }
0x2f: {  	lr =	sadd.s32 s0, s3;
	s0 =	sld [smem:$0x3FAB]  }
0x30: {  	s3 =	sld [smem:$0x3FAE]  }
0x31: {  	[smem:$0x3FB7] =	sst s10  }
0x32: {  	s10 =	sld [smem:$0x3FB5];
	_ =	sdelay $0x3  }
0x33: {  	p0 =	seq.s32 s10, $0x1;
	s10 =	sld [smem:$0x3FB7];
	_ =	sdelay $0x3  }
0x34: {  	[smem:$0x3FB7] =	sst s10  }
0x35: {  	s10 =	sld [smem:$0x3FB6];
	_ =	sdelay $0x3  }
0x36: {  	p1 =	seq.s32 s10, $0x1;
	s10 =	sld [smem:$0x3FB7];
	_ =	sdelay $0x3  }
0x37: {  	[smem:$0x3FB7] =	sst s10  }
0x38: {  	s10 =	sld [smem:$0x3FB8]  }
0x39: {  	_ = 	snop;
	(pc) =	sbr.ind lr, $3  }
0x3a: {  	_ = 	snop  }
0x3b: {  	_ = 	snop  }
0x3c: {  	p2 =	seq.s32 s10, $0x1;
	s10 =	sld [smem:$0x3FB7]  }
0x3d: {  	_ =	shalt  }
0x3e: {  	_ =	shalt  }
0x3f: {  	_ =	shalt  }
0x40: {  	_ =	shalt  }
0x41: {  	_ =	shalt  }
0x42: {  	_ =	shalt  }
0x43: {  	_ =	shalt  }
0x44: {  	_ =	shalt  }
0x45: {  	_ =	shalt  }
0x46: {  	_ =	shalt  }
0x47: {  	_ =	shalt  }
0x48: {  	_ =	shalt  }
0x49: {  	_ =	shalt  }
0x4a: {  	_ =	shalt  }
0x4b: {  	_ =	shalt  }
0x4c: {  	_ =	shalt  }
0x4d: {  	_ =	shalt  }
0x4e: {  	_ =	shalt  }
0x4f: {  	_ =	shalt  }
0x50: {  	_ =	shalt  }
0x51: {  	_ =	shalt  }
0x52: {  	_ =	shalt  }
0x53: {  	_ =	shalt  }
0x54: {  	_ =	shalt  }
0x55: {  	_ =	shalt  }
0x56: {  	_ =	shalt  }
0x57: {  	_ =	shalt  }
0x58: {  	_ =	shalt  }
0x59: {  	_ =	shalt  }
0x5a: {  	_ =	shalt  }
0x5b: {  	_ =	shalt  }
0x5c: {  	_ =	shalt  }
0x5d: {  	_ =	shalt  }
0x5e: {  	_ =	shalt  }
0x5f: {  	_ =	shalt  }
0x60: {  	_ =	shalt  }
0x61: {  	_ =	shalt  }
0x62: {  	_ =	shalt  }
0x63: {  	_ =	shalt  }
0x64: {  	_ =	shalt  }
0x65: {  	_ =	shalt  }
0x66: {  	_ =	shalt  }
0x67: {  	_ =	shalt  }
0x68: {  	_ =	shalt  }
0x69: {  	_ =	shalt  }
0x6a: {  	_ =	shalt  }
0x6b: {  	_ =	shalt  }
0x6c: {  	_ =	shalt  }
0x6d: {  	_ =	shalt  }
0x6e: {  	_ =	shalt  }
0x6f: {  	_ =	shalt  }
0x70: {  	_ =	shalt  }
0x71: {  	_ =	shalt  }
0x72: {  	_ =	shalt  }
0x73: {  	_ =	shalt  }
0x74: {  	_ =	shalt  }
0x75: {  	_ =	shalt  }
0x76: {  	_ =	shalt  }
0x77: {  	_ =	shalt  }
0x78: {  	_ =	shalt  }
0x79: {  	_ =	shalt  }
0x7a: {  	_ =	shalt  }
0x7b: {  	_ =	shalt  }
0x7c: {  	_ =	shalt  }
0x7d: {  	_ =	shalt  }
0x7e: {  	_ =	shalt  }
0x7f: {  	_ =	shalt  }
0x80: {  	_ =	shalt  }
0x81: {  	_ =	shalt  }
0x82: {  	_ =	shalt  }
0x83: {  	_ =	shalt  }
0x84: {  	_ =	shalt  }
0x85: {  	_ =	shalt  }
0x86: {  	_ =	shalt  }
0x87: {  	_ =	shalt  }
.Lfunc_end0:
.L_simem_size_0:
called_computation.2_lowered:
.L_overlay_start_0:
0x88: {  	s2 =	sld [smem:$0x3FD9]  }
0x89: {  	s3 =	sld [smem:$0x3FFE];
	_ =	sdelay $0x1  }
0x8a: {  	s1 =	srdreg.scid  }
0x8b: {  	s0 =	sand.u32 $0x1, s1  }
0x8c: {  	s14 =	sshll.u32 s0, $0xA;
	s2 =	sadd.s32 s3, s2  }
0x8d: {  	s2 =	sadd.s32 s2, s14  }
0x8e: {  	[smem:$0x3FC3] =	sst s2  }
0x8f: {  	_ = 	snop  }
0x90: {  	s2 =	sld [smem:$0x3FD0];
	_ =	sdelay $0x2  }
0x91: {  	s15 =	simm.s32 $0xA;
	s4 =	simm.s32 $0x10  }
0x92: {  	[smem:s4], [sflag:s15] =	dma.local [hbm:s2], $0x1  }
0x93: {  	_ =	swait.eq [sflag:s15], $0x1  }
0x94: {  	[sflag:s15] =	ssyncset.done $0x0  }
0x95: {  	[sflag:s15] =	ssyncadd.s32 $0xFFFFFFFF  }
0x96: {  	s16 =	sld [smem:$0x10];
	(tm) =	ssettm $0x1  }
0x97: {  	s17 =	sld [smem:$0x3FFB];
	_ =	sdelay $0x3  }
0x98: {  	_ =	strace s17  }
0x99: {  	s3 =	sld [smem:$0x3FFC];
	_ =	sdelay $0x3  }
0x9a: {  	_ =	strace s3  }
0x9b: {  	s3 =	sld [smem:$0x3FFD];
	_ =	sdelay $0x3  }
0x9c: {  	_ =	strace s3  }
0x9d: {  	_ =	strace $0x8FFFFFFF  }
0x9e: {  	s18 =	sld [smem:$0x3FDB];
	_ =	sdelay $0x1  }
0x9f: {  	s19 =	simm.s32 $_scs_section_size  }
0xa0: {  	s5 =	simm.s32 $_size__tile_overlayer_lowered;
	s6 =	simm.s32 $_tile_overlayer_lowered  }
0xa1: {  	s22 =	simm.s32 $0x1BFF;
	s21 =	sshll.u32 s6, $0x1;
	s3 =	sadd.s32 s19, s18  }
0xa2: {  	s7 =	simm.s32 $0x0;
	s20 =	sshll.u32 s5, $0x1;
	s5 =	sadd.s32 s21, s3  }
0xa3: {  	[timem:s7], [sflag:s22] =	dma.local [hbm:s5], s20  }
0xa4: {  	_ =	swait.ge [sflag:s22], s20  }
0xa5: {  	s4 =	ssub.s32 $0x0, s20;
	[sflag:s22] =	ssyncset.done $0x0  }
0xa6: {  	[sflag:s22] =	ssyncadd.s32 s4;
	_ =	sdelay $0x1  }
0xa7: {  	s23 =	simm.s32 $0x1B8B  }
0xa8: {  	_ =	swait.ge [sflag:s23], $0x1  }
0xa9: {  	[sflag:s23] =	ssyncset.done $0x0  }
0xaa: {  	s25 =	simm.s32 $0x1B8E;
	s24 =	sld [smem:$0x3FFE];
	[sflag:s23] =	ssyncadd.s32 $0xFFFFFFFF  }
0xab: {  	s26 =	simm.s32 $execute0_lowered;
	[smem:$0x3FD2] =	sst s25  }
0xac: {  	s5 =	sshll.u32 s26, $0x1;
	_ =	strace $0x8000004C;
	[dreg:$0x1] =	wrdreg $0xFFFFFFFF  }
0xad: {  	s28 =	simm.s32 $_size_execute0_lowered;
	s3 =	sadd.s32 s3, s5;
	[dreg:$0x0] =	wrdreg $0x0  }
0xae: {  	s5 =	sshll.u32 s28, $0x1;
	[dreg:$0x2] =	wrdreg s3  }
0xaf: {  	[dreg:$0x3] =	wrdreg s5  }
0xb0: {  	[dreg:$0x4] =	wrdreg $0xC0  }
0xb1: {  	_ =	task [dreg:s7], $0x5FFFF  }
0xb2: {  	[dreg:$0x1] =	wrdreg $0xFFFFFFFF  }
0xb3: {  	[dreg:$0x0] =	wrdreg $0x60  }
0xb4: {  	[dreg:$0x2] =	wrdreg s24  }
0xb5: {  	[dreg:$0x3] =	wrdreg s16  }
0xb6: {  	[dreg:$0x4] =	wrdreg $0xB0000  }
0xb7: {  	[dreg:$0x5] =	wrdreg $0x150000  }
0xb8: {  	[dreg:$0x6] =	wrdreg $0x9  }
0xb9: {  	_ =	task.clear_ibuf [dreg:s7], $0x7FFFF;
	_ =	strace $0x9000004C  }
0xba: {  	s29 =	simm.s32 $0x9;
	_ =	strace $0x8000004E  }
0xbb: {  	_ =	swait.ge [sflag:s29], $0x1  }
0xbc: {  	[sflag:s29] =	ssyncadd.s32 $0xFFFFFFFF  }
0xbd: {  	_ =	strace $0x9000004E  }
0xbe: {  	_ =	sfence  }
0xbf: {  	s30 =	sld [smem:$0x0];
	_ =	sdelay $0x2  }
0xc0: {  	s31 =	sshll.u32 s1, $0xD;
	s1 =	sshrl.u32 s1, $0x2  }
0xc1: {  	s3 =	sand.u32 $0x4000, s31;
	s1 =	sadd.s32 s1, s30  }
0xc2: {  	s0 =	sor.u32 s3, s0;
	s1 =	sshll.u32 s1, $0x11  }
0xc3: {  	s0 =	sor.u32 s1, s0  }
0xc4: {  	s0 =	sadd.s32 $0x8F2B, s0  }
0xc5: {  	[sflag:s0] =	ssyncadd.remote.s32 $0x1  }
0xc6: {  	_ =	sfence.sel $0xFFFF  }
0xc7: {  	[dreg:$0x0] =	wrdreg $0xFFFFFFFF;
	(pc) =	sbr.abs _section_cstart, $3  }
0xc8: {  	[dreg:$0x1] =	wrdreg $0xFFFFFFFF  }
0xc9: {  	_ =	task.clear_ibuf [dreg:s7], $0x2FFFF;
	_ =	strace $0x9FFFFFFF  }
0xca: {  	(tm) =	ssettm $0x7FFFFFFF  }
0xcb: {  	_ =	shalt  }
tec
execute0_lowered:
.L_overlay_start_1:
0x0: {  	(tag) =	ssettag $0x1  }
0x1: {  	s0 =	rddreg [dreg:$0x0];
	s1 =	srdreg.scid  }
0x2: {  	s11 =	stileid.u32;
	s3 =	rddreg [dreg:$0x2]  }
0x3: {  	s4 =	rddreg [dreg:$0x3];
	s15 =	simm.s32 $0x4;
	s18 =	simm.s32 $0x80  }
0x4: {  	s19 =	simm.s32 $0x3000;
	s20 =	simm.s32 $0x7000;
	s21 =	simm.s32 $0x1  }
0x5: {  	s22 =	simm.s32 $0x2;
	s23 =	simm.s32 $0x3;
	s24 =	simm.s32 $0x0  }
0x6: {  	s1 =	sand.u32 $0x1, s1;
	s2 =	smul.u32 $0xA000, s11;
	s29 =	sshll.u32 s11, $0x6  }
0x7: {  	s5 =	sxor.u32 $0x1, s1;
	s7 =	smul.u32 $0xA0000, s1;
	s1 =	ssub.s32 $0x2, s1  }
0x8: {  	s6 =	smul.u32 $0xA0000, s5;
	s5 =	simm.s32 $0x0;
	s9 =	sshrl.u32 s1, $0x1  }
0x9: {  	s14 =	sadd.s32 s2, s3;
	[smem:$0x7FF] =	sst s5;
	s1 =	ssub.s32 s1, s9  }
0xa: {  	s6 =	sadd.s32 s2, s6;
	_ =	strace $0x8000004D;
	s31 =	smax.u32 s1, $0x1  }
0xb: {  	s8 =	sshrl.u32 s6, $0x3;
	s6 =	sadd.s32 s2, s7;
	s7 =	sadd.s32 $0x2600, s0  }
0xc: {  	[dreg:$0x8] =	wrdreg s31;
	s8 =	sadd.s32 s8, s0;
	s10 =	sshrl.u32 s6, $0x3  }
0xd: {  	s0 =	sadd.s32 s10, s0;
	s8 =	sadd.s32 $0x2A600, s8;
	s10 =	sadd.s32 s7, s10  }
0xe: {  	s9 =	sor.u32 $0x1C04, s29;
	[dreg:$0x5] =	wrdreg s8;
	s30 =	sadd.s32 $0x200, s10  }
0xf: {  	s2 =	sadd.s32 s2, s4;
	s0 =	sadd.s32 $0x79800, s0;
	[dreg:$0x6] =	wrdreg s30  }
0x10: {  	s14 =	sshrl.u32 s14, $0x3;
	s16 =	sshrl.u32 s2, $0x3;
	[dreg:$0x7] =	wrdreg s0  }
.LBB2_1:
0x11: {  	s0 =	rddreg [dreg:$0x5]  }
0x12: {  	[spmem:s14], [sflag:s9] =	dma.local [hbm:s0], $0x1400  }
0x13: {  	_ =	swait.ge [sflag:s15], $0x1400  }
0x14: {  	[sflag:s15] =	ssyncset.done $0x0  }
0x15: {  	[sflag:s15] =	ssyncadd.s32 $0xFFFFEC00  }
0x16: {  	s30 =	rddreg [dreg:$0x1]  }
0x17: {  	[spmem:s16], [sflag:s9] =	dma.local [hbm:s30], $0x1400  }
0x18: {  	_ =	swait.ge [sflag:s15], $0x1400  }
0x19: {  	[sflag:s15] =	ssyncset.done $0x0  }
0x1a: {  	[sflag:s15] =	ssyncadd.s32 $0xFFFFEC00  }
0x1b: {  	[tilespmem:s5], [sflag:$0x4] =	stream.linear.gather [hbm4b:s10+s5], $0x1000, $0x38;
	[tilespmem:$0x1F000] =	vst v63  }
0x1c: {  	_ =	swait.ge [sflag:s15], $0x1000  }
0x1d: {  	[sflag:s15] =	ssyncset.done $0x0  }
0x1e: {  	s1 =	simm.s32 $0x1000;
	s31 =	rddreg [dreg:$0x6];
	[sflag:s15] =	ssyncadd.s32 $0xFFFFF000  }
0x1f: {  	[tilespmem:s1], [sflag:$0x3] =	stream.linear.gather [hbm4b:s31+s5], $0x1000, $0x38;
	[tilespmem:$0x1F000] =	vst v63  }
0x20: {  	s25 =	simm.s32 $0x380;
	s26 =	simm.s32 $0x0;
	[bflag:$0x0] =	sbarrier.arrive $0xFFFF  }
0x21: {  	[tilespmem:s19], [sflag:$0x1] =	stream.indirect.gather [spmem:s3], $0x80, s5, s18, $0xb8;
	[tilespmem:$0x1F000] =	vst v63  }
.LBB2_3:
0x22: {  	s11 =	smul.u32 $0xAB, s26;
	_ =	sdelay $0x1  }
0x23: {  	p0 =	seq.s32 s26, $0x0;
	s1 =	sshrl.u32 s11, $0x9  }
0x24: {  	s0 =	simm.s32 @!p0 $0x2;
	s1 =	sand.u32 $0x7F, s1  }
0x25: {  	_ =	swait.ge @!p0 [sflag:s0], $0x4000;
	s1 =	smul.u32 $0x3, s1  }
0x26: {  	p1 =	seq.s32 @!p0 s26, $0x9;
	[sflag:s0] =	ssyncset.done @!p0 $0x0  }
0x27: {  	p1 =	por p0, !p1;
	[sflag:s0] =	ssyncadd.s32 @!p0 $0xFFFFC000;
	s1 =	ssub.s32 s26, s1  }
0x28: {  	_ =	swait.ge @p1 [sflag:s23], $0x1000;
	s1 =	sand.u32 $0xFF, s1  }
0x29: {  	[sflag:s23] =	ssyncset.done @p1 $0x0;
	s1 =	sshll.u32 s1, $0xC  }
0x2a: {  	s12 =	smulhi.u32 $0xAAAAAAAB, s26;
	[sflag:s23] =	ssyncadd.s32 @p1 $0xFFFFF000;
	s2 =	sadd.s32 $0x100, s1  }
0x2b: {  	[tilespmem:s20], [sflag:$0x1] =	stream.indirect.gather [spmem:s3], $0x80, s2, s18, $0xb8;
	[tilespmem:$0x1F000] =	vst v63  }
0x2c: {  	s31 =	simm.s32 $0x50000;
	s17 =	sadd.s32 $0x156, s11;
	_ =	swait.ge [sflag:s21], $0x4000  }
0x2d: {  	s8 =	simm.s32 $0x30000;
	s17 =	sshrl.u32 s17, $0x9;
	[sflag:s21] =	ssyncset.done $0x0  }
0x2e: {  	s0 =	sadd.s32 $0xAB, s11;
	s28 =	sadd.s32 $0x80, s1;
	[sflag:s21] =	ssyncadd.s32 $0xFFFFC000  }
0x2f: {  	[spmem:s4] =	stream.indirect.scatter.add.f32 [tilespmem:s19], [sflag:$0x2], $0x80, s28, s18, $0xb8;
	[tilespmem:$0x1F000] =	vst v63  }
0x30: {  	s17 =	sand.u32 $0x7F, s17;
	p0 =	sgt.u32 s26, $0x7;
	_ =	swait.ge [sflag:s22], $0x4000  }
0x31: {  	s17 =	smul.u32 $0x3, s17;
	s0 =	sshrl.u32 s0, $0x9;
	[sflag:s22] =	ssyncset.done $0x0  }
0x32: {  	s0 =	sand.u32 $0x7F, s0;
	s29 =	sadd.s32 $0x200, s1;
	[sflag:s22] =	ssyncadd.s32 $0xFFFFC000  }
0x33: {  	[tilespmem:s19], [sflag:$0x1] =	stream.indirect.gather [spmem:s3], $0x80, s29, s18, $0xb8;
	[tilespmem:$0x1F000] =	vst v63  }
0x34: {  	s0 =	smul.u32 $0x3, s0;
	s28 =	sadd.s32 $0x2, s26;
	_ =	swait.ge [sflag:s21], $0x4000  }
0x35: {  	s13 =	sadd.s32 $0x300, s1;
	s17 =	ssub.s32 s28, s17;
	[sflag:s21] =	ssyncset.done $0x0  }
0x36: {  	s28 =	sshll.u32 s28, $0xC;
	s29 =	sadd.s32 $0x180, s1;
	[sflag:s21] =	ssyncadd.s32 $0xFFFFC000  }
0x37: {  	[spmem:s4] =	stream.indirect.scatter.add.f32 [tilespmem:s20], [sflag:$0x2], $0x80, s29, s18, $0xb8;
	[tilespmem:$0x1F000] =	vst v63  }
0x38: {  	s17 =	sand.u32 $0xFF, s17;
	s28 =	sadd.s32 s6, s28;
	_ =	swait.ge [sflag:s22], $0x4000  }
0x39: {  	s17 =	sshll.u32 s17, $0xC;
	s28 =	sshrl.u32 s28, $0x3;
	[sflag:s22] =	ssyncset.done $0x0  }
0x3a: {  	s28 =	sadd.s32 s7, s28;
	s29 =	simm.s32 @!p0 $0x0;
	[sflag:s22] =	ssyncadd.s32 $0xFFFFC000  }
0x3b: {  	[tilespmem:s17], [sflag:$0x3] =	stream.linear.gather @!p0 [hbm4b:s28+s29], $0x1000, $0x38;
	[tilespmem:$0x1F000] =	vst v63  }
0x3c: {  	s2 =	sshrl.u32 s12, $0x1;
	s1 =	sadd.s32 $0x280, s1;
	s28 =	sadd.s32 $0x1, s26  }
0x3d: {  	s29 =	smul.u32 $0xFFFF4000, s2;
	p0 =	por $0x0, $0x0;
	s0 =	ssub.s32 s28, s0  }
0x3e: {  	[tilespmem:s20], [sflag:$0x1] =	stream.indirect.gather [spmem:s3], $0x80, s13, s18, $0xb8;
	[tilespmem:$0x1F000] =	vst v63  }
0x3f: {  	p1 =	seq.s32 @p0 s26, $0x9;
	s0 =	sand.u32 $0xFF, s0;
	_ =	swait.ge [sflag:s21], $0x4000  }
0x40: {  	p1 =	por p1, !p0;
	s30 =	sshll.u32 s0, $0xC;
	[sflag:s21] =	ssyncset.done $0x0  }
0x41: {  	s0 =	simm.s32 $0x40000;
	s2 =	simm.s32 @!p1 $0x80;
	[sflag:s21] =	ssyncadd.s32 $0xFFFFC000  }
0x42: {  	[spmem:s4] =	stream.indirect.scatter.add.f32 [tilespmem:s19], [sflag:$0x2], $0x80, s1, s18, $0xb8;
	[tilespmem:$0x1F000] =	vst v63  }
0x43: {  	s17 =	simm.s32 @!p1 $0x3000;
	s0 =	sand.u32 @!p0 $0x10000, s0;
	_ =	swait.ge [sflag:s22], $0x4000  }
0x44: {  	s0 =	sshrl.u32 @!p0 s0, $0x2;
	s1 =	sshra.s32 @!p0 s29, $0x2;
	[sflag:s22] =	ssyncset.done $0x0  }
0x45: {  	s0 =	sor.u32 @!p0 $0x3000, s0;
	s1 =	sadd.s32 @!p0 s1, s25;
	[sflag:s22] =	ssyncadd.s32 $0xFFFFC000  }
0x46: {  	[tilespmem:s17], [sflag:$0x1] =	stream.indirect.gather @!p1 [spmem:s3], $0x80, s30, s2, $0xb8;
	[tilespmem:$0x1F000] =	vst v63  }
0x47: {  	s1 =	sadd.s32 @!p0 $0x80, s1;
	s17 =	simm.s32 @!p0 $0x80;
	s2 =	sadd.s32 $0x100, s25  }
0x48: {  	[tilespmem:s0], [sflag:$0x1] =	stream.indirect.gather @!p0 [spmem:s3], $0x80, s1, s17, $0xb8;
	[tilespmem:$0x1F000] =	vst v63  }
0x49: {  	s17 =	sand.u32 $0x10000, s8;
	s0 =	sshra.s32 s29, $0x2;
	_ =	swait.ge [sflag:s21], $0x4000  }
0x4a: {  	s17 =	sshrl.u32 s17, $0x2;
	s1 =	sadd.s32 s0, s25;
	[sflag:s21] =	ssyncset.done $0x0  }
.LBB2_4:
0x4b: {  	s8 =	sor.u32 $0x3000, s17;
	[sflag:s21] =	ssyncadd.s32 $0xFFFFC000  }
0x4c: {  	s17 =	smov.u32 s31;
	s31 =	sadd.s32 $0x10000, s31;
	s11 =	smov.u32 s2  }
0x4d: {  	[spmem:s4] =	stream.indirect.scatter.add.f32 [tilespmem:s8], [sflag:$0x2], $0x80, s1, s18, $0xb8;
	[tilespmem:$0x1F000] =	vst v63  }
0x4e: {  	p0 =	seq.s32 s31, $0x110000;
	_ =	sdelay $0x1  }
0x4f: {  	p1 =	seq.s32 s17, $0x100000;
	_ =	swait.ge [sflag:s22], $0x4000  }
0x50: {  	p2 =	seq.s32 @p1 s26, $0x9;
	s1 =	sand.u32 @!p1 $0x10000, s17;
	s8 =	sshra.s32 @!p1 s29, $0x2  }
0x51: {  	p2 =	por p2, !p1;
	s1 =	sshrl.u32 @!p1 s1, $0x2;
	s8 =	sadd.s32 @!p1 s8, s2  }
0x52: {  	s12 =	simm.s32 @!p2 $0x80;
	s13 =	simm.s32 @!p2 $0x3000;
	[sflag:s22] =	ssyncset.done $0x0  }
0x53: {  	s1 =	sor.u32 @!p1 $0x3000, s1;
	s8 =	sadd.s32 @!p1 $0x80, s8;
	[sflag:s22] =	ssyncadd.s32 $0xFFFFC000  }
0x54: {  	[tilespmem:s13], [sflag:$0x1] =	stream.indirect.gather @!p2 [spmem:s3], $0x80, s30, s12, $0xb8;
	[tilespmem:$0x1F000] =	vst v63  }
.Ltmp0:
0x55: {  	_ = 	snop;
	(pc) =	sbr.rel @!p0 .LBB2_4-.Ltmp0, $4  }
0x56: {  	s2 =	sadd.s32 $0x100, s2;
	s12 =	simm.s32 @!p1 $0x80;
	s13 =	sadd.s32 $0xFFFF0000, s17  }
0x57: {  	[tilespmem:s1], [sflag:$0x1] =	stream.indirect.gather @!p1 [spmem:s3], $0x80, s8, s12, $0xb8;
	[tilespmem:$0x1F000] =	vst v63  }
0x58: {  	s1 =	sand.u32 $0x10000, s13;
	_ =	swait.ge [sflag:s21], $0x4000  }
0x59: {  	s17 =	sshrl.u32 s1, $0x2;
	s1 =	sadd.s32 s0, s11;
	[sflag:s21] =	ssyncset.done $0x0  }
0x5a: {  	s0 =	sor.u32 $0x3000, s17;
	[sflag:s21] =	ssyncadd.s32 $0xFFFFC000  }
0x5b: {  	[spmem:s4] =	stream.indirect.scatter.add.f32 [tilespmem:s0], [sflag:$0x2], $0x80, s1, s18, $0xb8;
	[tilespmem:$0x1F000] =	vst v63  }
0x5c: {  	p0 =	seq.s32 s28, $0xA  }
.Ltmp1:
0x5d: {  	_ = 	snop;
	(pc) =	sbr.rel @!p0 .LBB2_3-.Ltmp1, $2  }
0x5e: {  	_ =	sdelay $0x2  }
0x5f: {  	s25 =	sadd.s32 $0x1000, s25;
	s26 =	smov.u32 s28  }
0x60: {  	_ =	swait.ge [sflag:s22], $0x4000  }
0x61: {  	[sflag:s22] =	ssyncset.done $0x0  }
0x62: {  	[sflag:s22] =	ssyncadd.s32 $0xFFFFC000  }
0x63: {  	[bflag:$0x0] =	sbarrier.arrive $0xFFFF  }
0x64: {  	s0 =	rddreg [dreg:$0x7]  }
0x65: {  	[hbm:s0], [sflag:s9] =	dma.local [spmem:s16], $0x1400  }
0x66: {  	_ =	swait.ge [sflag:s15], $0x1400  }
0x67: {  	s24 =	sadd.s32 $0x1, s24;
	s31 =	rddreg [dreg:$0x8]  }
0x68: {  	p0 =	sne.s32 s24, s31  }
.Ltmp2:
0x69: {  	_ = 	snop;
	(pc) =	sbr.rel @p0 .LBB2_1-.Ltmp2, $3  }
0x6a: {  	_ =	sdelay $0x1  }
0x6b: {  	[sflag:s15] =	ssyncset.done $0x0  }
0x6c: {  	[sflag:s15] =	ssyncadd.s32 $0xFFFFEC00  }
0x6d: {  	_ =	sfence.sel $0x180000  }
0x6e: {  	[bflag:$0x0] =	sbarrier.arrive $0xFFFF  }
0x6f: {  	_ =	strace $0x9000004D  }
0x70: {  	s0 =	stileid.u32;
	[bflag:$0x2] =	sbarrier.arrive $0xFFFF  }
0x71: {  	p0 =	sne.s32 s0, $0x0;
	s0 =	rddreg [dreg:$0x4]  }
0x72: {  	s0 =	sadd.s32 @!p0 $0x100000, s0  }
0x73: {  	[sflag:s0] =	ssyncadd.tile.s32 @!p0 $0x1;
	_ =	shalt  }
.Lfunc_end2:
_tile_overlayer_lowered:
.L_overlay_start_2:
0x74: {  	(tag) =	ssettag $0x2  }
0x75: {  	s0 =	rddreg [dreg:$0x0];
	s2 =	stileid.u32  }
0x76: {  	s1 =	rddreg [dreg:$0x1];
	p0 =	sne.s32 s2, $0x0  }
0x77: {  	s3 =	rddreg [dreg:$0x2];
	[bflag:$0x3] =	sbarrier.arrive $0xFFFF;
	s2 =	simm.s32 @!p0 $0x1C04  }
0x78: {  	[timem:s3], [sflag:s2] =	dma.local @!p0 [hbm:s0], s1  }
0x79: {  	s0 =	simm.s32 @!p0 $0x4  }
0x7a: {  	_ =	swait.ge @!p0 [sflag:s0], s1  }
0x7b: {  	s1 =	ssub.s32 @!p0 $0x0, s1;
	[sflag:s0] =	ssyncset.done @!p0 $0x0  }
0x7c: {  	[sflag:s0] =	ssyncadd.s32 @!p0 s1  }
0x7d: {  	[bflag:$0x3] =	sbarrier.arrive $0xFFFF  }
0x7e: {  	_ =	shalt  }

// kernel: kernel.19.cloned.1.call-start
scs
__scs_entry_jumppad:
0x0: {  	(pc) =	sbr.rel $0x88, $3  }
0x1: {  	(tag) =	ssettag $0x0;
	lr =	simm.s32 $0x1  }
0x2: {  	[smem:$0x3F9C] =	sst lr;
	_ =	strace $0xD0000000  }
0x3: {  	_ = 	snop  }
0x4: {  	_ = 	snop  }
0x5: {  	_ = 	snop  }
0x6: {  	_ = 	snop  }
0x7: {  	_ = 	snop  }
__scs_overlays_trampoline_lowered:
0x8: {  	[smem:$0x3FAB] =	sst s0  }
0x9: {  	[smem:$0x3FAC] =	sst s1  }
0xa: {  	[smem:$0x3FAD] =	sst s2  }
0xb: {  	[smem:$0x3FAE] =	sst s3  }
0xc: {  	[smem:$0x3FAF] =	sst s4  }
0xd: {  	[smem:$0x3FB0] =	sst s5  }
0xe: {  	[smem:$0x3FB1] =	sst s6  }
0xf: {  	[smem:$0x3FB2] =	sst s7  }
0x10: {  	[smem:$0x3FB3] =	sst s8  }
0x11: {  	[smem:$0x3FB4] =	sst s9;
	s0 =	simm.s32 @!p0 $0x0  }
0x12: {  	s1 =	sld [smem:$0x3F9A];
	s0 =	simm.s32 @p0 $0x1  }
0x13: {  	[smem:$0x3FB5] =	sst s0;
	s0 =	simm.s32 @!p1 $0x0  }
0x14: {  	s2 =	sld [smem:$0x3F99];
	s0 =	simm.s32 @p1 $0x1  }
0x15: {  	[smem:$0x3FB6] =	sst s0;
	s0 =	simm.s32 @!p2 $0x0  }
0x16: {  	s3 =	sld [smem:$0x3FDB];
	s0 =	simm.s32 @p2 $0x1  }
0x17: {  	s4 =	simm.s32 $0x1BF5;
	[smem:$0x3FB8] =	sst s0  }
0x18: {  	s0 =	sld [smem:$0x3F9B];
	_ =	swait.ge [sflag:s4], $0x0  }
0x19: {  	s7 =	sld [smem:$0x3F9C]  }
0x1a: {  	s8 =	sadd.s32 $0xFFFFE003, lr  }
0x1b: {  	s9 =	sadd.s32 $0xFFFFFEF7, lr;
	s5 =	simm.s32 $0xFFFFFFFF;
	p2 =	slt.u32 s8, $0xFFFFF086  }
0x1c: {  	p1 =	slt.u32 s9, $0xF7A;
	s5 =	simm.s32 @!p2 $0x0  }
0x1d: {  	s5 =	simm.s32 @p1 $0x1;
	p0 =	seq.s32 s7, s2  }
0x1e: {  	s7 =	smul.u32 @!p0 $0xF7A, s2;
	p2 =	seq.s32 @!p0 s5, $0x0  }
0x1f: {  	s9 =	smul.u32 $0xF7A, s1;
	s8 =	simm.s32 @!p0 $0x1BF5;
	p2 =	por !p2, p0  }
0x20: {  	[sflag:s8] =	ssyncset.s32 @!p0 $0xFFFFF086;
	s6 =	sadd.s32 @!p0 s3, s7;
	s7 =	simm.s32 @!p0 $0x108  }
0x21: {  	s3 =	sadd.s32 s3, s9;
	s6 =	sadd.s32 @!p0 $0x88, s6;
	s7 =	simm.s32 @p2 $0x1082  }
0x22: {  	[simem:s7], [sflag:s8] =	dma.local @!p0 [hbm:s6], $0xF7A  }
0x23: {  	s9 =	sor.u32 $0xD0000000, s2;
	s6 =	simm.s32 $0x108;
	_ =	swait.ge @!p0 [sflag:s8], $0x0  }
0x24: {  	s3 =	sadd.s32 $0x88, s3;
	s6 =	simm.s32 @!p1 $0x1082;
	[sflag:s4] =	ssyncset.s32 $0xFFFFF086  }
0x25: {  	[simem:s6], [sflag:s4] =	dma.local [hbm:s3], $0xF7A  }
0x26: {  	[smem:$0x3F9C] =	sst s1;
	(tag) =	ssettag s2;
	_ =	strace s9  }
0x27: {  	s1 =	sld [smem:$0x3FAC]  }
0x28: {  	s2 =	sld [smem:$0x3FAD]  }
0x29: {  	s4 =	sld [smem:$0x3FAF]  }
0x2a: {  	p0 =	seq.s32 s5, $0x0;
	s5 =	sld [smem:$0x3FB0]  }
0x2b: {  	s6 =	sld [smem:$0x3FB1]  }
0x2c: {  	s7 =	sld [smem:$0x3FB2]  }
0x2d: {  	s3 =	simm.s32 $0x108;
	s8 =	sld [smem:$0x3FB3]  }
0x2e: {  	s3 =	simm.s32 @!p0 $0x1082;
	s9 =	sld [smem:$0x3FB4]  }
0x2f: {  	lr =	sadd.s32 s0, s3;
	s0 =	sld [smem:$0x3FAB]  }
0x30: {  	s3 =	sld [smem:$0x3FAE]  }
0x31: {  	[smem:$0x3FB7] =	sst s10  }
0x32: {  	s10 =	sld [smem:$0x3FB5];
	_ =	sdelay $0x3  }
0x33: {  	p0 =	seq.s32 s10, $0x1;
	s10 =	sld [smem:$0x3FB7];
	_ =	sdelay $0x3  }
0x34: {  	[smem:$0x3FB7] =	sst s10  }
0x35: {  	s10 =	sld [smem:$0x3FB6];
	_ =	sdelay $0x3  }
0x36: {  	p1 =	seq.s32 s10, $0x1;
	s10 =	sld [smem:$0x3FB7];
	_ =	sdelay $0x3  }
0x37: {  	[smem:$0x3FB7] =	sst s10  }
0x38: {  	s10 =	sld [smem:$0x3FB8]  }
0x39: {  	_ = 	snop;
	(pc) =	sbr.ind lr, $3  }
0x3a: {  	_ = 	snop  }
0x3b: {  	_ = 	snop  }
0x3c: {  	p2 =	seq.s32 s10, $0x1;
	s10 =	sld [smem:$0x3FB7]  }
0x3d: {  	_ =	shalt  }
0x3e: {  	_ =	shalt  }
0x3f: {  	_ =	shalt  }
0x40: {  	_ =	shalt  }
0x41: {  	_ =	shalt  }
0x42: {  	_ =	shalt  }
0x43: {  	_ =	shalt  }
0x44: {  	_ =	shalt  }
0x45: {  	_ =	shalt  }
0x46: {  	_ =	shalt  }
0x47: {  	_ =	shalt  }
0x48: {  	_ =	shalt  }
0x49: {  	_ =	shalt  }
0x4a: {  	_ =	shalt  }
0x4b: {  	_ =	shalt  }
0x4c: {  	_ =	shalt  }
0x4d: {  	_ =	shalt  }
0x4e: {  	_ =	shalt  }
0x4f: {  	_ =	shalt  }
0x50: {  	_ =	shalt  }
0x51: {  	_ =	shalt  }
0x52: {  	_ =	shalt  }
0x53: {  	_ =	shalt  }
0x54: {  	_ =	shalt  }
0x55: {  	_ =	shalt  }
0x56: {  	_ =	shalt  }
0x57: {  	_ =	shalt  }
0x58: {  	_ =	shalt  }
0x59: {  	_ =	shalt  }
0x5a: {  	_ =	shalt  }
0x5b: {  	_ =	shalt  }
0x5c: {  	_ =	shalt  }
0x5d: {  	_ =	shalt  }
0x5e: {  	_ =	shalt  }
0x5f: {  	_ =	shalt  }
0x60: {  	_ =	shalt  }
0x61: {  	_ =	shalt  }
0x62: {  	_ =	shalt  }
0x63: {  	_ =	shalt  }
0x64: {  	_ =	shalt  }
0x65: {  	_ =	shalt  }
0x66: {  	_ =	shalt  }
0x67: {  	_ =	shalt  }
0x68: {  	_ =	shalt  }
0x69: {  	_ =	shalt  }
0x6a: {  	_ =	shalt  }
0x6b: {  	_ =	shalt  }
0x6c: {  	_ =	shalt  }
0x6d: {  	_ =	shalt  }
0x6e: {  	_ =	shalt  }
0x6f: {  	_ =	shalt  }
0x70: {  	_ =	shalt  }
0x71: {  	_ =	shalt  }
0x72: {  	_ =	shalt  }
0x73: {  	_ =	shalt  }
0x74: {  	_ =	shalt  }
0x75: {  	_ =	shalt  }
0x76: {  	_ =	shalt  }
0x77: {  	_ =	shalt  }
0x78: {  	_ =	shalt  }
0x79: {  	_ =	shalt  }
0x7a: {  	_ =	shalt  }
0x7b: {  	_ =	shalt  }
0x7c: {  	_ =	shalt  }
0x7d: {  	_ =	shalt  }
0x7e: {  	_ =	shalt  }
0x7f: {  	_ =	shalt  }
0x80: {  	_ =	shalt  }
0x81: {  	_ =	shalt  }
0x82: {  	_ =	shalt  }
0x83: {  	_ =	shalt  }
0x84: {  	_ =	shalt  }
0x85: {  	_ =	shalt  }
0x86: {  	_ =	shalt  }
0x87: {  	_ =	shalt  }
.Lfunc_end0:
.L_simem_size_0:
called_computation.3_lowered:
.L_overlay_start_0:
0x88: {  	s2 =	sld [smem:$0x3FD9]  }
0x89: {  	s3 =	sld [smem:$0x3FFE];
	_ =	sdelay $0x1  }
0x8a: {  	s1 =	srdreg.scid  }
0x8b: {  	s0 =	sand.u32 $0x1, s1  }
0x8c: {  	s14 =	sshll.u32 s0, $0xA;
	s2 =	sadd.s32 s3, s2  }
0x8d: {  	s2 =	sadd.s32 s2, s14  }
0x8e: {  	[smem:$0x3FC3] =	sst s2  }
0x8f: {  	_ = 	snop  }
0x90: {  	s2 =	sld [smem:$0x3FD0];
	_ =	sdelay $0x2  }
0x91: {  	s15 =	simm.s32 $0xA;
	s4 =	simm.s32 $0x10  }
0x92: {  	[smem:s4], [sflag:s15] =	dma.local [hbm:s2], $0x1  }
0x93: {  	_ =	swait.eq [sflag:s15], $0x1  }
0x94: {  	[sflag:s15] =	ssyncset.done $0x0  }
0x95: {  	[sflag:s15] =	ssyncadd.s32 $0xFFFFFFFF  }
0x96: {  	s16 =	sld [smem:$0x10];
	(tm) =	ssettm $0x1  }
0x97: {  	s17 =	sld [smem:$0x3FFB];
	_ =	sdelay $0x3  }
0x98: {  	_ =	strace s17  }
0x99: {  	s3 =	sld [smem:$0x3FFC];
	_ =	sdelay $0x3  }
0x9a: {  	_ =	strace s3  }
0x9b: {  	s3 =	sld [smem:$0x3FFD];
	_ =	sdelay $0x3  }
0x9c: {  	_ =	strace s3  }
0x9d: {  	_ =	strace $0x8FFFFFFF  }
0x9e: {  	s18 =	sld [smem:$0x3FDB];
	_ =	sdelay $0x1  }
0x9f: {  	s19 =	simm.s32 $_scs_section_size  }
0xa0: {  	s5 =	simm.s32 $_size__tile_overlayer_lowered;
	s6 =	simm.s32 $_tile_overlayer_lowered  }
0xa1: {  	s22 =	simm.s32 $0x1BFF;
	s21 =	sshll.u32 s6, $0x1;
	s3 =	sadd.s32 s19, s18  }
0xa2: {  	s7 =	simm.s32 $0x0;
	s20 =	sshll.u32 s5, $0x1;
	s5 =	sadd.s32 s21, s3  }
0xa3: {  	[timem:s7], [sflag:s22] =	dma.local [hbm:s5], s20  }
0xa4: {  	_ =	swait.ge [sflag:s22], s20  }
0xa5: {  	s4 =	ssub.s32 $0x0, s20;
	[sflag:s22] =	ssyncset.done $0x0  }
0xa6: {  	[sflag:s22] =	ssyncadd.s32 s4;
	_ =	sdelay $0x1  }
0xa7: {  	s23 =	simm.s32 $0x1B8B  }
0xa8: {  	_ =	swait.ge [sflag:s23], $0x1  }
0xa9: {  	[sflag:s23] =	ssyncset.done $0x0  }
0xaa: {  	s25 =	simm.s32 $0x1B8E;
	s24 =	sld [smem:$0x3FFE];
	[sflag:s23] =	ssyncadd.s32 $0xFFFFFFFF  }
0xab: {  	s26 =	simm.s32 $execute0_lowered;
	[smem:$0x3FD2] =	sst s25  }
0xac: {  	s5 =	sshll.u32 s26, $0x1;
	_ =	strace $0x8000004F;
	[dreg:$0x1] =	wrdreg $0xFFFFFFFF  }
0xad: {  	s28 =	simm.s32 $_size_execute0_lowered;
	s3 =	sadd.s32 s3, s5;
	[dreg:$0x0] =	wrdreg $0x0  }
0xae: {  	s5 =	sshll.u32 s28, $0x1;
	[dreg:$0x2] =	wrdreg s3  }
0xaf: {  	[dreg:$0x3] =	wrdreg s5  }
0xb0: {  	[dreg:$0x4] =	wrdreg $0xC0  }
0xb1: {  	_ =	task [dreg:s7], $0x5FFFF  }
0xb2: {  	[dreg:$0x1] =	wrdreg $0xFFFFFFFF  }
0xb3: {  	[dreg:$0x0] =	wrdreg $0x60  }
0xb4: {  	[dreg:$0x2] =	wrdreg s24  }
0xb5: {  	[dreg:$0x3] =	wrdreg s16  }
0xb6: {  	[dreg:$0x4] =	wrdreg $0xB0000  }
0xb7: {  	[dreg:$0x5] =	wrdreg $0x150000  }
0xb8: {  	[dreg:$0x6] =	wrdreg $0x9  }
0xb9: {  	_ =	task.clear_ibuf [dreg:s7], $0x7FFFF;
	_ =	strace $0x9000004F  }
0xba: {  	s29 =	simm.s32 $0x9;
	_ =	strace $0x80000051  }
0xbb: {  	_ =	swait.ge [sflag:s29], $0x1  }
0xbc: {  	[sflag:s29] =	ssyncadd.s32 $0xFFFFFFFF  }
0xbd: {  	_ =	strace $0x90000051  }
0xbe: {  	_ =	sfence  }
0xbf: {  	s30 =	sld [smem:$0x0];
	_ =	sdelay $0x2  }
0xc0: {  	s31 =	sshll.u32 s1, $0xD;
	s1 =	sshrl.u32 s1, $0x2  }
0xc1: {  	s3 =	sand.u32 $0x4000, s31;
	s1 =	sadd.s32 s1, s30  }
0xc2: {  	s0 =	sor.u32 s3, s0;
	s1 =	sshll.u32 s1, $0x11  }
0xc3: {  	s0 =	sor.u32 s1, s0  }
0xc4: {  	s0 =	sadd.s32 $0x8F2B, s0  }
0xc5: {  	[sflag:s0] =	ssyncadd.remote.s32 $0x1  }
0xc6: {  	_ =	sfence.sel $0xFFFF  }
0xc7: {  	[dreg:$0x0] =	wrdreg $0xFFFFFFFF;
	(pc) =	sbr.abs _section_cstart, $3  }
0xc8: {  	[dreg:$0x1] =	wrdreg $0xFFFFFFFF  }
0xc9: {  	_ =	task.clear_ibuf [dreg:s7], $0x2FFFF;
	_ =	strace $0x9FFFFFFF  }
0xca: {  	(tm) =	ssettm $0x7FFFFFFF  }
0xcb: {  	_ =	shalt  }
tec
execute0_lowered:
.L_overlay_start_1:
0x0: {  	(tag) =	ssettag $0x1  }
0x1: {  	s0 =	rddreg [dreg:$0x0];
	s1 =	srdreg.scid  }
0x2: {  	s11 =	stileid.u32;
	s3 =	rddreg [dreg:$0x2]  }
0x3: {  	s4 =	rddreg [dreg:$0x3];
	s15 =	simm.s32 $0x4;
	s18 =	simm.s32 $0x80  }
0x4: {  	s19 =	simm.s32 $0x3000;
	s20 =	simm.s32 $0x7000;
	s21 =	simm.s32 $0x1  }
0x5: {  	s22 =	simm.s32 $0x2;
	s23 =	simm.s32 $0x3;
	s24 =	simm.s32 $0x0  }
0x6: {  	s1 =	sand.u32 $0x1, s1;
	s2 =	smul.u32 $0xA000, s11;
	s29 =	sshll.u32 s11, $0x6  }
0x7: {  	s5 =	sxor.u32 $0x1, s1;
	s7 =	smul.u32 $0xA0000, s1;
	s1 =	ssub.s32 $0x2, s1  }
0x8: {  	s6 =	smul.u32 $0xA0000, s5;
	s5 =	simm.s32 $0x0;
	s9 =	sshrl.u32 s1, $0x1  }
0x9: {  	s14 =	sadd.s32 s2, s3;
	[smem:$0x7FF] =	sst s5;
	s1 =	ssub.s32 s1, s9  }
0xa: {  	s6 =	sadd.s32 s2, s6;
	_ =	strace $0x80000050;
	s31 =	smax.u32 s1, $0x1  }
0xb: {  	s8 =	sshrl.u32 s6, $0x3;
	s6 =	sadd.s32 s2, s7;
	s7 =	sadd.s32 $0x2600, s0  }
0xc: {  	[dreg:$0x8] =	wrdreg s31;
	s8 =	sadd.s32 s8, s0;
	s10 =	sshrl.u32 s6, $0x3  }
0xd: {  	s0 =	sadd.s32 s10, s0;
	s8 =	sadd.s32 $0x2A600, s8;
	s10 =	sadd.s32 s7, s10  }
0xe: {  	s9 =	sor.u32 $0x1C04, s29;
	[dreg:$0x5] =	wrdreg s8;
	s30 =	sadd.s32 $0x200, s10  }
0xf: {  	s2 =	sadd.s32 s2, s4;
	s0 =	sadd.s32 $0x79800, s0;
	[dreg:$0x6] =	wrdreg s30  }
0x10: {  	s14 =	sshrl.u32 s14, $0x3;
	s16 =	sshrl.u32 s2, $0x3;
	[dreg:$0x7] =	wrdreg s0  }
.LBB2_1:
0x11: {  	s0 =	rddreg [dreg:$0x5]  }
0x12: {  	[spmem:s14], [sflag:s9] =	dma.local [hbm:s0], $0x1400  }
0x13: {  	_ =	swait.ge [sflag:s15], $0x1400  }
0x14: {  	[sflag:s15] =	ssyncset.done $0x0  }
0x15: {  	[sflag:s15] =	ssyncadd.s32 $0xFFFFEC00  }
0x16: {  	s30 =	rddreg [dreg:$0x1]  }
0x17: {  	[spmem:s16], [sflag:s9] =	dma.local [hbm:s30], $0x1400  }
0x18: {  	_ =	swait.ge [sflag:s15], $0x1400  }
0x19: {  	[sflag:s15] =	ssyncset.done $0x0  }
0x1a: {  	[sflag:s15] =	ssyncadd.s32 $0xFFFFEC00  }
0x1b: {  	[tilespmem:s5], [sflag:$0x4] =	stream.linear.gather [hbm4b:s10+s5], $0x1000, $0x38;
	[tilespmem:$0x1F000] =	vst v63  }
0x1c: {  	_ =	swait.ge [sflag:s15], $0x1000  }
0x1d: {  	[sflag:s15] =	ssyncset.done $0x0  }
0x1e: {  	s1 =	simm.s32 $0x1000;
	s31 =	rddreg [dreg:$0x6];
	[sflag:s15] =	ssyncadd.s32 $0xFFFFF000  }
0x1f: {  	[tilespmem:s1], [sflag:$0x3] =	stream.linear.gather [hbm4b:s31+s5], $0x1000, $0x38;
	[tilespmem:$0x1F000] =	vst v63  }
0x20: {  	s25 =	simm.s32 $0x380;
	s26 =	simm.s32 $0x0;
	[bflag:$0x0] =	sbarrier.arrive $0xFFFF  }
0x21: {  	[tilespmem:s19], [sflag:$0x1] =	stream.indirect.gather [spmem:s3], $0x80, s5, s18, $0xb8;
	[tilespmem:$0x1F000] =	vst v63  }
.LBB2_3:
0x22: {  	s11 =	smul.u32 $0xAB, s26;
	_ =	sdelay $0x1  }
0x23: {  	p0 =	seq.s32 s26, $0x0;
	s1 =	sshrl.u32 s11, $0x9  }
0x24: {  	s0 =	simm.s32 @!p0 $0x2;
	s1 =	sand.u32 $0x7F, s1  }
0x25: {  	_ =	swait.ge @!p0 [sflag:s0], $0x4000;
	s1 =	smul.u32 $0x3, s1  }
0x26: {  	p1 =	seq.s32 @!p0 s26, $0x9;
	[sflag:s0] =	ssyncset.done @!p0 $0x0  }
0x27: {  	p1 =	por p0, !p1;
	[sflag:s0] =	ssyncadd.s32 @!p0 $0xFFFFC000;
	s1 =	ssub.s32 s26, s1  }
0x28: {  	_ =	swait.ge @p1 [sflag:s23], $0x1000;
	s1 =	sand.u32 $0xFF, s1  }
0x29: {  	[sflag:s23] =	ssyncset.done @p1 $0x0;
	s1 =	sshll.u32 s1, $0xC  }
0x2a: {  	s12 =	smulhi.u32 $0xAAAAAAAB, s26;
	[sflag:s23] =	ssyncadd.s32 @p1 $0xFFFFF000;
	s2 =	sadd.s32 $0x100, s1  }
0x2b: {  	[tilespmem:s20], [sflag:$0x1] =	stream.indirect.gather [spmem:s3], $0x80, s2, s18, $0xb8;
	[tilespmem:$0x1F000] =	vst v63  }
0x2c: {  	s31 =	simm.s32 $0x50000;
	s17 =	sadd.s32 $0x156, s11;
	_ =	swait.ge [sflag:s21], $0x4000  }
0x2d: {  	s8 =	simm.s32 $0x30000;
	s17 =	sshrl.u32 s17, $0x9;
	[sflag:s21] =	ssyncset.done $0x0  }
0x2e: {  	s0 =	sadd.s32 $0xAB, s11;
	s28 =	sadd.s32 $0x80, s1;
	[sflag:s21] =	ssyncadd.s32 $0xFFFFC000  }
0x2f: {  	[spmem:s4] =	stream.indirect.scatter.add.f32 [tilespmem:s19], [sflag:$0x2], $0x80, s28, s18, $0xb8;
	[tilespmem:$0x1F000] =	vst v63  }
0x30: {  	s17 =	sand.u32 $0x7F, s17;
	p0 =	sgt.u32 s26, $0x7;
	_ =	swait.ge [sflag:s22], $0x4000  }
0x31: {  	s17 =	smul.u32 $0x3, s17;
	s0 =	sshrl.u32 s0, $0x9;
	[sflag:s22] =	ssyncset.done $0x0  }
0x32: {  	s0 =	sand.u32 $0x7F, s0;
	s29 =	sadd.s32 $0x200, s1;
	[sflag:s22] =	ssyncadd.s32 $0xFFFFC000  }
0x33: {  	[tilespmem:s19], [sflag:$0x1] =	stream.indirect.gather [spmem:s3], $0x80, s29, s18, $0xb8;
	[tilespmem:$0x1F000] =	vst v63  }
0x34: {  	s0 =	smul.u32 $0x3, s0;
	s28 =	sadd.s32 $0x2, s26;
	_ =	swait.ge [sflag:s21], $0x4000  }
0x35: {  	s13 =	sadd.s32 $0x300, s1;
	s17 =	ssub.s32 s28, s17;
	[sflag:s21] =	ssyncset.done $0x0  }
0x36: {  	s28 =	sshll.u32 s28, $0xC;
	s29 =	sadd.s32 $0x180, s1;
	[sflag:s21] =	ssyncadd.s32 $0xFFFFC000  }
0x37: {  	[spmem:s4] =	stream.indirect.scatter.add.f32 [tilespmem:s20], [sflag:$0x2], $0x80, s29, s18, $0xb8;
	[tilespmem:$0x1F000] =	vst v63  }
0x38: {  	s17 =	sand.u32 $0xFF, s17;
	s28 =	sadd.s32 s6, s28;
	_ =	swait.ge [sflag:s22], $0x4000  }
0x39: {  	s17 =	sshll.u32 s17, $0xC;
	s28 =	sshrl.u32 s28, $0x3;
	[sflag:s22] =	ssyncset.done $0x0  }
0x3a: {  	s28 =	sadd.s32 s7, s28;
	s29 =	simm.s32 @!p0 $0x0;
	[sflag:s22] =	ssyncadd.s32 $0xFFFFC000  }
0x3b: {  	[tilespmem:s17], [sflag:$0x3] =	stream.linear.gather @!p0 [hbm4b:s28+s29], $0x1000, $0x38;
	[tilespmem:$0x1F000] =	vst v63  }
0x3c: {  	s2 =	sshrl.u32 s12, $0x1;
	s1 =	sadd.s32 $0x280, s1;
	s28 =	sadd.s32 $0x1, s26  }
0x3d: {  	s29 =	smul.u32 $0xFFFF4000, s2;
	p0 =	por $0x0, $0x0;
	s0 =	ssub.s32 s28, s0  }
0x3e: {  	[tilespmem:s20], [sflag:$0x1] =	stream.indirect.gather [spmem:s3], $0x80, s13, s18, $0xb8;
	[tilespmem:$0x1F000] =	vst v63  }
0x3f: {  	p1 =	seq.s32 @p0 s26, $0x9;
	s0 =	sand.u32 $0xFF, s0;
	_ =	swait.ge [sflag:s21], $0x4000  }
0x40: {  	p1 =	por p1, !p0;
	s30 =	sshll.u32 s0, $0xC;
	[sflag:s21] =	ssyncset.done $0x0  }
0x41: {  	s0 =	simm.s32 $0x40000;
	s2 =	simm.s32 @!p1 $0x80;
	[sflag:s21] =	ssyncadd.s32 $0xFFFFC000  }
0x42: {  	[spmem:s4] =	stream.indirect.scatter.add.f32 [tilespmem:s19], [sflag:$0x2], $0x80, s1, s18, $0xb8;
	[tilespmem:$0x1F000] =	vst v63  }
0x43: {  	s17 =	simm.s32 @!p1 $0x3000;
	s0 =	sand.u32 @!p0 $0x10000, s0;
	_ =	swait.ge [sflag:s22], $0x4000  }
0x44: {  	s0 =	sshrl.u32 @!p0 s0, $0x2;
	s1 =	sshra.s32 @!p0 s29, $0x2;
	[sflag:s22] =	ssyncset.done $0x0  }
0x45: {  	s0 =	sor.u32 @!p0 $0x3000, s0;
	s1 =	sadd.s32 @!p0 s1, s25;
	[sflag:s22] =	ssyncadd.s32 $0xFFFFC000  }
0x46: {  	[tilespmem:s17], [sflag:$0x1] =	stream.indirect.gather @!p1 [spmem:s3], $0x80, s30, s2, $0xb8;
	[tilespmem:$0x1F000] =	vst v63  }
0x47: {  	s1 =	sadd.s32 @!p0 $0x80, s1;
	s17 =	simm.s32 @!p0 $0x80;
	s2 =	sadd.s32 $0x100, s25  }
0x48: {  	[tilespmem:s0], [sflag:$0x1] =	stream.indirect.gather @!p0 [spmem:s3], $0x80, s1, s17, $0xb8;
	[tilespmem:$0x1F000] =	vst v63  }
0x49: {  	s17 =	sand.u32 $0x10000, s8;
	s0 =	sshra.s32 s29, $0x2;
	_ =	swait.ge [sflag:s21], $0x4000  }
0x4a: {  	s17 =	sshrl.u32 s17, $0x2;
	s1 =	sadd.s32 s0, s25;
	[sflag:s21] =	ssyncset.done $0x0  }
.LBB2_4:
0x4b: {  	s8 =	sor.u32 $0x3000, s17;
	[sflag:s21] =	ssyncadd.s32 $0xFFFFC000  }
0x4c: {  	s17 =	smov.u32 s31;
	s31 =	sadd.s32 $0x10000, s31;
	s11 =	smov.u32 s2  }
0x4d: {  	[spmem:s4] =	stream.indirect.scatter.add.f32 [tilespmem:s8], [sflag:$0x2], $0x80, s1, s18, $0xb8;
	[tilespmem:$0x1F000] =	vst v63  }
0x4e: {  	p0 =	seq.s32 s31, $0x110000;
	_ =	sdelay $0x1  }
0x4f: {  	p1 =	seq.s32 s17, $0x100000;
	_ =	swait.ge [sflag:s22], $0x4000  }
0x50: {  	p2 =	seq.s32 @p1 s26, $0x9;
	s1 =	sand.u32 @!p1 $0x10000, s17;
	s8 =	sshra.s32 @!p1 s29, $0x2  }
0x51: {  	p2 =	por p2, !p1;
	s1 =	sshrl.u32 @!p1 s1, $0x2;
	s8 =	sadd.s32 @!p1 s8, s2  }
0x52: {  	s12 =	simm.s32 @!p2 $0x80;
	s13 =	simm.s32 @!p2 $0x3000;
	[sflag:s22] =	ssyncset.done $0x0  }
0x53: {  	s1 =	sor.u32 @!p1 $0x3000, s1;
	s8 =	sadd.s32 @!p1 $0x80, s8;
	[sflag:s22] =	ssyncadd.s32 $0xFFFFC000  }
0x54: {  	[tilespmem:s13], [sflag:$0x1] =	stream.indirect.gather @!p2 [spmem:s3], $0x80, s30, s12, $0xb8;
	[tilespmem:$0x1F000] =	vst v63  }
.Ltmp0:
0x55: {  	_ = 	snop;
	(pc) =	sbr.rel @!p0 .LBB2_4-.Ltmp0, $4  }
0x56: {  	s2 =	sadd.s32 $0x100, s2;
	s12 =	simm.s32 @!p1 $0x80;
	s13 =	sadd.s32 $0xFFFF0000, s17  }
0x57: {  	[tilespmem:s1], [sflag:$0x1] =	stream.indirect.gather @!p1 [spmem:s3], $0x80, s8, s12, $0xb8;
	[tilespmem:$0x1F000] =	vst v63  }
0x58: {  	s1 =	sand.u32 $0x10000, s13;
	_ =	swait.ge [sflag:s21], $0x4000  }
0x59: {  	s17 =	sshrl.u32 s1, $0x2;
	s1 =	sadd.s32 s0, s11;
	[sflag:s21] =	ssyncset.done $0x0  }
0x5a: {  	s0 =	sor.u32 $0x3000, s17;
	[sflag:s21] =	ssyncadd.s32 $0xFFFFC000  }
0x5b: {  	[spmem:s4] =	stream.indirect.scatter.add.f32 [tilespmem:s0], [sflag:$0x2], $0x80, s1, s18, $0xb8;
	[tilespmem:$0x1F000] =	vst v63  }
0x5c: {  	p0 =	seq.s32 s28, $0xA  }
.Ltmp1:
0x5d: {  	_ = 	snop;
	(pc) =	sbr.rel @!p0 .LBB2_3-.Ltmp1, $2  }
0x5e: {  	_ =	sdelay $0x2  }
0x5f: {  	s25 =	sadd.s32 $0x1000, s25;
	s26 =	smov.u32 s28  }
0x60: {  	_ =	swait.ge [sflag:s22], $0x4000  }
0x61: {  	[sflag:s22] =	ssyncset.done $0x0  }
0x62: {  	[sflag:s22] =	ssyncadd.s32 $0xFFFFC000  }
0x63: {  	[bflag:$0x0] =	sbarrier.arrive $0xFFFF  }
0x64: {  	s0 =	rddreg [dreg:$0x7]  }
0x65: {  	[hbm:s0], [sflag:s9] =	dma.local [spmem:s16], $0x1400  }
0x66: {  	_ =	swait.ge [sflag:s15], $0x1400  }
0x67: {  	s24 =	sadd.s32 $0x1, s24;
	s31 =	rddreg [dreg:$0x8]  }
0x68: {  	p0 =	sne.s32 s24, s31  }
.Ltmp2:
0x69: {  	_ = 	snop;
	(pc) =	sbr.rel @p0 .LBB2_1-.Ltmp2, $3  }
0x6a: {  	_ =	sdelay $0x1  }
0x6b: {  	[sflag:s15] =	ssyncset.done $0x0  }
0x6c: {  	[sflag:s15] =	ssyncadd.s32 $0xFFFFEC00  }
0x6d: {  	_ =	sfence.sel $0x180000  }
0x6e: {  	[bflag:$0x0] =	sbarrier.arrive $0xFFFF  }
0x6f: {  	_ =	strace $0x90000050  }
0x70: {  	s0 =	stileid.u32;
	[bflag:$0x2] =	sbarrier.arrive $0xFFFF  }
0x71: {  	p0 =	sne.s32 s0, $0x0;
	s0 =	rddreg [dreg:$0x4]  }
0x72: {  	s0 =	sadd.s32 @!p0 $0x100000, s0  }
0x73: {  	[sflag:s0] =	ssyncadd.tile.s32 @!p0 $0x1;
	_ =	shalt  }
.Lfunc_end2:
_tile_overlayer_lowered:
.L_overlay_start_2:
0x74: {  	(tag) =	ssettag $0x2  }
0x75: {  	s0 =	rddreg [dreg:$0x0];
	s2 =	stileid.u32  }
0x76: {  	s1 =	rddreg [dreg:$0x1];
	p0 =	sne.s32 s2, $0x0  }
0x77: {  	s3 =	rddreg [dreg:$0x2];
	[bflag:$0x3] =	sbarrier.arrive $0xFFFF;
	s2 =	simm.s32 @!p0 $0x1C04  }
0x78: {  	[timem:s3], [sflag:s2] =	dma.local @!p0 [hbm:s0], s1  }
0x79: {  	s0 =	simm.s32 @!p0 $0x4  }
0x7a: {  	_ =	swait.ge @!p0 [sflag:s0], s1  }
0x7b: {  	s1 =	ssub.s32 @!p0 $0x0, s1;
	[sflag:s0] =	ssyncset.done @!p0 $0x0  }
0x7c: {  	[sflag:s0] =	ssyncadd.s32 @!p0 s1  }
0x7d: {  	[bflag:$0x3] =	sbarrier.arrive $0xFFFF  }
0x7e: {  	_ =	shalt  }

</sc_bundles>
